<compile_context>
chip_gen: v7x
topology: tpu7x:2x2x1
jax: 0.10.2.dev20260603
libtpu: 0.0.44.dev20260713+nightly
codegen_flags: <defaults>
</compile_context>

<pallas_src>
import functools

import jax
import jax.numpy as jnp
from jax import lax
from jax.experimental import pallas as pl
from jax.experimental.pallas import tpu as pltpu
from jax.experimental.pallas import tpu_sc as plsc

N = 10000
E = 320000
D_IN = 128
H1 = 64
H1E = H1 + 16
H2 = 32
OUT = 41

NC = 1
NS = 16
NW = NC * NS

CB = 128
E_PAD = 327680
TOT_CHUNKS = E_PAD // CB
CPS = TOT_CHUNKS // NS
N_ACC = 10240
RPS = N_ACC // NS



def _sc_agg_body(with_deg, H, nbuf, *refs):
    if with_deg:
        (p_hbm, src_hbm, dst_hbm, zh_hbm, z16_hbm, ones_hbm,
         acc_out, deg_out, src_v, dst_v, ones_v, acc, dega, dsem) = refs[:14]
        rows = refs[14:14 + nbuf]
        sems = refs[14 + nbuf:]
    else:
        (p_hbm, src_hbm, dst_hbm, zh_hbm,
         acc_out, src_v, dst_v, acc) = refs[:8]
        rows = refs[8:8 + nbuf]
        sems = refs[8 + nbuf:]

    cid = lax.axis_index("c")
    sid = lax.axis_index("s")
    base_chunk = sid * CPS
    n_chunks = CPS

    pltpu.sync_copy(zh_hbm.at[cid], acc.at[pl.ds(sid * RPS, RPS)])
    if with_deg:
        pltpu.sync_copy(z16_hbm.at[cid], dega.at[pl.ds(sid * RPS, RPS)])
        pltpu.sync_copy(ones_hbm, ones_v)

    pltpu.sync_copy(src_hbm.at[pl.ds(base_chunk, CPS)], src_v)
    pltpu.sync_copy(dst_hbm.at[pl.ds(base_chunk, CPS)], dst_v)
    plsc.subcore_barrier()

    def gather_start(j, b):
        jw = jnp.where(j >= n_chunks, j - n_chunks, j)
        pltpu.async_copy(p_hbm.at[src_v.at[jw]], rows[b], sems[b])

    for b in range(nbuf):
        gather_start(jnp.int32(b), b)

    def step(g, carry):
        base = g * nbuf
        for b in range(nbuf):
            j = base + b
            pltpu.make_async_copy(p_hbm.at[src_v.at[j]], rows[b],
                                  sems[b]).wait()
            pltpu.sync_copy(rows[b], acc.at[dst_v.at[j]], add=True)
            if with_deg:
                pltpu.sync_copy(ones_v, dega.at[dst_v.at[j]], add=True)
            gather_start(j + nbuf, b)
        return carry

    lax.fori_loop(0, n_chunks // nbuf, step, 0)
    for b in range(nbuf):
        pltpu.make_async_copy(p_hbm.at[src_v.at[b]], rows[b], sems[b]).wait()
    plsc.subcore_barrier()

    sl = pl.ds(sid * RPS, RPS)
    pltpu.sync_copy(acc.at[sl], acc_out.at[cid, sl])
    if with_deg:
        pltpu.sync_copy(dega.at[sl], deg_out.at[cid, sl])


def _make_sc_agg(H, with_deg, nbuf):
    mesh = plsc.VectorSubcoreMesh(core_axis_name="c", subcore_axis_name="s",
                                  num_cores=NC, num_subcores=NS)
    out_type = [jax.ShapeDtypeStruct((NC, N_ACC, H), jnp.float32)]
    scratch = [
        pltpu.VMEM((CPS, CB), jnp.int32),
        pltpu.VMEM((CPS, CB), jnp.int32),
    ]
    if with_deg:
        out_type.append(jax.ShapeDtypeStruct((NC, N_ACC, 16), jnp.float32))
        scratch += [
            pltpu.VMEM((CB, 16), jnp.float32),
            pltpu.VMEM_SHARED((N_ACC, H), jnp.float32),
            pltpu.VMEM_SHARED((N_ACC, 16), jnp.float32),
            pltpu.SemaphoreType.DMA,
        ]
    else:
        scratch.append(pltpu.VMEM_SHARED((N_ACC, H), jnp.float32))
    scratch += [pltpu.VMEM((CB, H), jnp.float32) for _ in range(nbuf)]
    scratch += [pltpu.SemaphoreType.DMA for _ in range(nbuf)]

    return pl.kernel(
        functools.partial(_sc_agg_body, with_deg, H, nbuf),
        out_type=tuple(out_type) if with_deg else out_type[0],
        mesh=mesh,
        scratch_types=tuple(scratch),
        compiler_params=pltpu.CompilerParams(use_tc_tiling_on_sc=False),
    )



def _dot(a, b):
    return lax.dot(a, b, preferred_element_type=jnp.float32)


def _pre_body(x_ref, wl_ref, wr_ref, bl_ref, p_ref, r_ref):
    xv = x_ref[...]
    p_ref[...] = _dot(xv, wl_ref[...])
    r_ref[...] = _dot(xv, wr_ref[...]) + bl_ref[...]


def _mean_from_partials(sp_ref, degp_ref):
    s = sp_ref[0]
    deg = degp_ref[0][:, 0:1]
    for c in range(1, NC):
        s = s + sp_ref[c]
        deg = deg + degp_ref[c][:, 0:1]
    return s * (1.0 / jnp.maximum(deg, 1.0))


def _bn_relu(z, g_ref, b_ref):
    m = jnp.mean(z, axis=0, keepdims=True)
    v = jnp.mean((z - m) ** 2, axis=0, keepdims=True)
    return jnp.maximum((z - m) * lax.rsqrt(v + 1e-5) * g_ref[...] + b_ref[...],
                       0.0)


def _mid1_body(sp_ref, degp_ref, r_ref, g_ref, b_ref, wl_ref, wr_ref, bl_ref,
               p2_ref, r2_ref):
    z = _mean_from_partials(sp_ref, degp_ref) + r_ref[...]
    h = _bn_relu(z, g_ref, b_ref)
    p2_ref[...] = _dot(h, wl_ref[...])
    r2_ref[...] = _dot(h, wr_ref[...]) + bl_ref[...]


def _mid2_body(sp_ref, degp_ref, r_ref, g_ref, b_ref, h2_ref):
    z = _mean_from_partials(sp_ref, degp_ref) + r_ref[...]
    h2_ref[...] = _bn_relu(z, g_ref, b_ref)


def _fin_body(sp_ref, degp_ref, h2_ref, wl_ref, bl_ref, wr_ref, o_ref):
    mean = _mean_from_partials(sp_ref, degp_ref)
    o = _dot(mean, wl_ref[...]) + bl_ref[...] + _dot(h2_ref[...], wr_ref[...])
    mx = jnp.max(o, axis=1, keepdims=True)
    lse = jnp.log(jnp.sum(jnp.exp(o - mx), axis=1, keepdims=True)) + mx
    o_ref[...] = o - lse


def _tc(body, out_shapes, *args):
    return pl.pallas_call(body, out_shape=out_shapes)(*args)



def kernel(x, edge_index, Wl1, bl1, Wr1, g1, b1, Wl2, bl2, Wr2, g2, b2,
           Wl3, bl3, Wr3):
    f32 = jnp.float32
    pad = E_PAD - E
    src = jnp.concatenate([edge_index[0], jnp.zeros((pad,), jnp.int32)])
    dst = jnp.concatenate([edge_index[1], jnp.full((pad,), N, jnp.int32)])
    src2d = src.reshape(E_PAD // CB, CB)
    dst2d = dst.reshape(E_PAD // CB, CB)

    z64 = jnp.zeros((NC, RPS, H1), f32)
    z32 = jnp.zeros((NC, RPS, H2), f32)
    z16 = jnp.zeros((NC, RPS, 16), f32)
    ones16 = jnp.ones((CB, 16), f32)

    sc1 = _make_sc_agg(H1, True, 4)
    sc2 = _make_sc_agg(H2, False, 8)

    p1, r1 = _tc(_pre_body,
                 (jax.ShapeDtypeStruct((N, H1), f32),
                  jax.ShapeDtypeStruct((N, H1), f32)),
                 x, Wl1, Wr1, bl1.reshape(1, H1))

    s1p, degp = sc1(p1, src2d, dst2d, z64, z16, ones16)
    s1p = s1p[:, :N]
    degp = degp[:, :N]

    p2, r2 = _tc(_mid1_body,
                 (jax.ShapeDtypeStruct((N, H2), f32),
                  jax.ShapeDtypeStruct((N, H2), f32)),
                 s1p, degp, r1, g1.reshape(1, H1), b1.reshape(1, H1),
                 Wl2, Wr2, bl2.reshape(1, H2))

    s2p = sc2(p2, src2d, dst2d, z32)[:, :N]

    h2 = _tc(_mid2_body, jax.ShapeDtypeStruct((N, H2), f32),
             s2p, degp, r2, g2.reshape(1, H2), b2.reshape(1, H2))

    s3p = sc2(h2, src2d, dst2d, z32)[:, :N]

    out = _tc(_fin_body, jax.ShapeDtypeStruct((N, OUT), f32),
              s3p, degp, h2, Wl3, bl3.reshape(1, OUT), Wr3)
    return out

# --- scband reference (transcript-rebuilt; emitter-appended) ---
"""Pipeline reference for scband-net-56547539419822 (READ-ONLY COPY).

The authoritative reference and input builder live on the scoring server;
editing this copy changes nothing except your own understanding.
"""

import jax, jax.numpy as jnp
import numpy as np

N_NODES = 10000
N_EDGES = 320000
D_IN = 128
CLS = 40
H1 = 64
H2 = 32
OUT = CLS + 1


def _init_linear(key, fan_in, fan_out, bias=True):
    k1, k2 = jax.random.split(key)
    lim = 1.0 / np.sqrt(fan_in)
    W = jax.random.uniform(k1, (fan_in, fan_out), jnp.float32, -lim, lim)
    if bias:
        b = jax.random.uniform(k2, (fan_out,), jnp.float32, -lim, lim)
        return W, b
    return W


def setup_inputs(seed: int = 0):
    key = jax.random.key(seed)
    ks = jax.random.split(key, 12)
    x = jax.random.normal(ks[0], (N_NODES, D_IN), dtype=jnp.float32)
    edge_index = jax.random.randint(ks[1], (2, N_EDGES), 0, N_NODES, dtype=jnp.int32)
    Wl1, bl1 = _init_linear(ks[2], D_IN, H1)
    Wr1 = _init_linear(ks[3], D_IN, H1, bias=False)
    g1 = jnp.ones((H1,), jnp.float32)
    b1 = jnp.zeros((H1,), jnp.float32)
    Wl2, bl2 = _init_linear(ks[4], H1, H2)
    Wr2 = _init_linear(ks[5], H1, H2, bias=False)
    g2 = jnp.ones((H2,), jnp.float32)
    b2 = jnp.zeros((H2,), jnp.float32)
    Wl3, bl3 = _init_linear(ks[6], H2, OUT)
    Wr3 = _init_linear(ks[7], H2, OUT, bias=False)
    return {"x": x, "edge_index": edge_index,
            "Wl1": Wl1, "bl1": bl1, "Wr1": Wr1, "g1": g1, "b1": b1,
            "Wl2": Wl2, "bl2": bl2, "Wr2": Wr2, "g2": g2, "b2": b2,
            "Wl3": Wl3, "bl3": bl3, "Wr3": Wr3}


def _sage_conv(x, edge_index, Wl, bl, Wr):
    # PyG SAGEConv (aggr='mean'): out = lin_l(mean_{j in N(i)} x_j) + lin_r(x_i)
    src = edge_index[0]
    dst = edge_index[1]
    msgs = jnp.take(x, src, axis=0)
    agg = jax.ops.segment_sum(msgs, dst, num_segments=N_NODES)
    deg = jax.ops.segment_sum(jnp.ones((edge_index.shape[1],), x.dtype), dst, num_segments=N_NODES)
    mean = agg / jnp.maximum(deg, 1.0)[:, None]
    return mean @ Wl + bl + x @ Wr


def _batchnorm(x, gamma, beta, eps=1e-5):
    m = jnp.mean(x, axis=0)
    v = jnp.var(x, axis=0)
    return (x - m) / jnp.sqrt(v + eps) * gamma + beta


def reference(x, edge_index, Wl1, bl1, Wr1, g1, b1, Wl2, bl2, Wr2, g2, b2, Wl3, bl3, Wr3):
    h = _sage_conv(x, edge_index, Wl1, bl1, Wr1)
    h = _batchnorm(h, g1, b1)
    h = jax.nn.relu(h)
    h = _sage_conv(h, edge_index, Wl2, bl2, Wr2)
    h = _batchnorm(h, g2, b2)
    h = jax.nn.relu(h)
    h = _sage_conv(h, edge_index, Wl3, bl3, Wr3)
    return jax.nn.log_softmax(h, axis=1)

if __name__ == "__main__":
    import jax
    _d = setup_inputs()
    print(jax.jit(kernel)(*tuple(_d.values())))

</pallas_src>

<mosaic_0001>
#map = affine_map<(d0, d1) -> (0, 0)>
#map1 = affine_map<(d0, d1) -> (0, 0, 0)>
module attributes {stable_mosaic.version = 14 : i64} {
  func.func @_sc_agg_body(%arg0: i32, %arg1: i32, %arg2: memref<10000x64xf32, #tpu.memory_space<hbm>>, %arg3: memref<2560x128xi32, #tpu.memory_space<hbm>>, %arg4: memref<2560x128xi32, #tpu.memory_space<hbm>>, %arg5: memref<1x640x64xf32, #tpu.memory_space<hbm>>, %arg6: memref<1x640x16xf32, #tpu.memory_space<hbm>>, %arg7: memref<128x16xf32, #tpu.memory_space<hbm>>, %arg8: memref<1x10240x64xf32, #tpu.memory_space<hbm>>, %arg9: memref<1x10240x16xf32, #tpu.memory_space<hbm>>, %arg10: memref<160x128xi32, #tpu.memory_space<vmem>>, %arg11: memref<160x128xi32, #tpu.memory_space<vmem>>, %arg12: memref<128x16xf32, #tpu.memory_space<vmem>>, %arg13: memref<10240x64xf32, #tpu.memory_space<vmem_shared>>, %arg14: memref<10240x16xf32, #tpu.memory_space<vmem_shared>>, %arg15: memref<!tpu.dma_semaphore, #tpu.memory_space<semaphore_mem>>, %arg16: memref<128x64xf32, #tpu.memory_space<vmem>>, %arg17: memref<128x64xf32, #tpu.memory_space<vmem>>, %arg18: memref<128x64xf32, #tpu.memory_space<vmem>>, %arg19: memref<128x64xf32, #tpu.memory_space<vmem>>, %arg20: memref<!tpu.dma_semaphore, #tpu.memory_space<semaphore_mem>>, %arg21: memref<!tpu.dma_semaphore, #tpu.memory_space<semaphore_mem>>, %arg22: memref<!tpu.dma_semaphore, #tpu.memory_space<semaphore_mem>>, %arg23: memref<!tpu.dma_semaphore, #tpu.memory_space<semaphore_mem>>) attributes {dimension_semantics = [#tpu.dimension_semantics<core_parallel>, #tpu.dimension_semantics<subcore_parallel>], iteration_bounds = array<i64: 1, 16>, scalar_prefetch = 0 : i64, scratch_operands = 14 : i64, tpu.core_type = #tpu.core_type<sc_vector_subcore>, window_params = [{transform_indices = #map}, {transform_indices = #map}, {transform_indices = #map}, {transform_indices = #map1}, {transform_indices = #map1}, {transform_indices = #map}, {transform_indices = #map1}, {transform_indices = #map1}]} {
    %mul3A = arith.constant 160 : i32
    %mul3A_0 = arith.muli %arg1, %mul3A : i32
    %mul3A_1 = arith.constant 640 : i32
    %mul3A_2 = arith.muli %arg1, %mul3A_1 : i32
    "tpu.region"() ({
      %run_scoped3A = tpu.sem_alloc : memref<!tpu.dma_semaphore, #tpu.memory_space<semaphore_mem>>
      %dma_start3A_91 = arith.constant 0 : i32
      %dma_start3A_92 = tpu.memref_slice %arg13[%mul3A_2, %dma_start3A_91] : memref<10240x64xf32, #tpu.memory_space<vmem_shared>> -> memref<640x64xf32, #tpu.memory_space<vmem_shared>>
      %dma_start3A_93 = arith.constant 0 : i32
      %dma_start3A_94 = arith.constant 0 : i32
      %dma_start3A_95 = tpu.memref_slice %arg5[%arg0, %dma_start3A_93, %dma_start3A_94] : memref<1x640x64xf32, #tpu.memory_space<hbm>> -> memref<1x640x64xf32, #tpu.memory_space<hbm>>
      %dma_start3A_96 = tpu.memref_squeeze %dma_start3A_95 : memref<1x640x64xf32, #tpu.memory_space<hbm>> -> memref<640x64xf32, #tpu.memory_space<hbm>>
      tpu.enqueue_dma source(%dma_start3A_96 : memref<640x64xf32, #tpu.memory_space<hbm>>) target(%dma_start3A_92 : memref<640x64xf32, #tpu.memory_space<vmem_shared>>) target_semaphore(%run_scoped3A : memref<!tpu.dma_semaphore, #tpu.memory_space<semaphore_mem>>)
      %dma_wait3A_97 = arith.constant 0 : i32
      %dma_wait3A_98 = tpu.memref_slice %arg13[%mul3A_2, %dma_wait3A_97] : memref<10240x64xf32, #tpu.memory_space<vmem_shared>> -> memref<640x64xf32, #tpu.memory_space<vmem_shared>>
      %dma_wait3A_99 = arith.constant 0 : i32
      %dma_wait3A_100 = arith.constant 0 : i32
      %dma_wait3A_101 = tpu.memref_slice %arg5[%arg0, %dma_wait3A_99, %dma_wait3A_100] : memref<1x640x64xf32, #tpu.memory_space<hbm>> -> memref<1x640x64xf32, #tpu.memory_space<hbm>>
      %dma_wait3A_102 = tpu.memref_squeeze %dma_wait3A_101 : memref<1x640x64xf32, #tpu.memory_space<hbm>> -> memref<640x64xf32, #tpu.memory_space<hbm>>
      tpu.wait_dma2 semaphore(%run_scoped3A : memref<!tpu.dma_semaphore, #tpu.memory_space<semaphore_mem>>) src(%dma_wait3A_102 : memref<640x64xf32, #tpu.memory_space<hbm>>) dst(%dma_wait3A_98 : memref<640x64xf32, #tpu.memory_space<vmem_shared>>)
      tpu.yield
    }) : () -> ()
    %mul3A_3 = arith.constant 640 : i32
    %mul3A_4 = arith.muli %arg1, %mul3A_3 : i32
    "tpu.region"() ({
      %run_scoped3A = tpu.sem_alloc : memref<!tpu.dma_semaphore, #tpu.memory_space<semaphore_mem>>
      %dma_start3A_91 = arith.constant 0 : i32
      %dma_start3A_92 = tpu.memref_slice %arg14[%mul3A_4, %dma_start3A_91] : memref<10240x16xf32, #tpu.memory_space<vmem_shared>> -> memref<640x16xf32, #tpu.memory_space<vmem_shared>>
      %dma_start3A_93 = arith.constant 0 : i32
      %dma_start3A_94 = arith.constant 0 : i32
      %dma_start3A_95 = tpu.memref_slice %arg6[%arg0, %dma_start3A_93, %dma_start3A_94] : memref<1x640x16xf32, #tpu.memory_space<hbm>> -> memref<1x640x16xf32, #tpu.memory_space<hbm>>
      %dma_start3A_96 = tpu.memref_squeeze %dma_start3A_95 : memref<1x640x16xf32, #tpu.memory_space<hbm>> -> memref<640x16xf32, #tpu.memory_space<hbm>>
      tpu.enqueue_dma source(%dma_start3A_96 : memref<640x16xf32, #tpu.memory_space<hbm>>) target(%dma_start3A_92 : memref<640x16xf32, #tpu.memory_space<vmem_shared>>) target_semaphore(%run_scoped3A : memref<!tpu.dma_semaphore, #tpu.memory_space<semaphore_mem>>)
      %dma_wait3A_97 = arith.constant 0 : i32
      %dma_wait3A_98 = tpu.memref_slice %arg14[%mul3A_4, %dma_wait3A_97] : memref<10240x16xf32, #tpu.memory_space<vmem_shared>> -> memref<640x16xf32, #tpu.memory_space<vmem_shared>>
      %dma_wait3A_99 = arith.constant 0 : i32
      %dma_wait3A_100 = arith.constant 0 : i32
      %dma_wait3A_101 = tpu.memref_slice %arg6[%arg0, %dma_wait3A_99, %dma_wait3A_100] : memref<1x640x16xf32, #tpu.memory_space<hbm>> -> memref<1x640x16xf32, #tpu.memory_space<hbm>>
      %dma_wait3A_102 = tpu.memref_squeeze %dma_wait3A_101 : memref<1x640x16xf32, #tpu.memory_space<hbm>> -> memref<640x16xf32, #tpu.memory_space<hbm>>
      tpu.wait_dma2 semaphore(%run_scoped3A : memref<!tpu.dma_semaphore, #tpu.memory_space<semaphore_mem>>) src(%dma_wait3A_102 : memref<640x16xf32, #tpu.memory_space<hbm>>) dst(%dma_wait3A_98 : memref<640x16xf32, #tpu.memory_space<vmem_shared>>)
      tpu.yield
    }) : () -> ()
    "tpu.region"() ({
      %run_scoped3A = tpu.sem_alloc : memref<!tpu.dma_semaphore, #tpu.memory_space<semaphore_mem>>
      tpu.enqueue_dma source(%arg7 : memref<128x16xf32, #tpu.memory_space<hbm>>) target(%arg12 : memref<128x16xf32, #tpu.memory_space<vmem>>) target_semaphore(%run_scoped3A : memref<!tpu.dma_semaphore, #tpu.memory_space<semaphore_mem>>)
      tpu.wait_dma2 semaphore(%run_scoped3A : memref<!tpu.dma_semaphore, #tpu.memory_space<semaphore_mem>>) src(%arg7 : memref<128x16xf32, #tpu.memory_space<hbm>>) dst(%arg12 : memref<128x16xf32, #tpu.memory_space<vmem>>)
      tpu.yield
    }) : () -> ()
    "tpu.region"() ({
      %run_scoped3A = tpu.sem_alloc : memref<!tpu.dma_semaphore, #tpu.memory_space<semaphore_mem>>
      %dma_start3A_91 = arith.constant 0 : i32
      %dma_start3A_92 = tpu.memref_slice %arg3[%mul3A_0, %dma_start3A_91] : memref<2560x128xi32, #tpu.memory_space<hbm>> -> memref<160x128xi32, #tpu.memory_space<hbm>>
      %dma_start3A_93 = arith.constant 0 : i32
      %dma_start3A_94 = tpu.memref_slice %arg3[%mul3A_0, %dma_start3A_93] : memref<2560x128xi32, #tpu.memory_space<hbm>> -> memref<160x128xi32, #tpu.memory_space<hbm>>
      tpu.enqueue_dma source(%dma_start3A_94 : memref<160x128xi32, #tpu.memory_space<hbm>>) target(%arg10 : memref<160x128xi32, #tpu.memory_space<vmem>>) target_semaphore(%run_scoped3A : memref<!tpu.dma_semaphore, #tpu.memory_space<semaphore_mem>>)
      %dma_wait3A_95 = arith.constant 0 : i32
      %dma_wait3A_96 = tpu.memref_slice %arg3[%mul3A_0, %dma_wait3A_95] : memref<2560x128xi32, #tpu.memory_space<hbm>> -> memref<160x128xi32, #tpu.memory_space<hbm>>
      %dma_wait3A_97 = arith.constant 0 : i32
      %dma_wait3A_98 = tpu.memref_slice %arg3[%mul3A_0, %dma_wait3A_97] : memref<2560x128xi32, #tpu.memory_space<hbm>> -> memref<160x128xi32, #tpu.memory_space<hbm>>
      tpu.wait_dma2 semaphore(%run_scoped3A : memref<!tpu.dma_semaphore, #tpu.memory_space<semaphore_mem>>) src(%dma_wait3A_98 : memref<160x128xi32, #tpu.memory_space<hbm>>) dst(%arg10 : memref<160x128xi32, #tpu.memory_space<vmem>>)
      tpu.yield
    }) : () -> ()
    "tpu.region"() ({
      %run_scoped3A = tpu.sem_alloc : memref<!tpu.dma_semaphore, #tpu.memory_space<semaphore_mem>>
      %dma_start3A_91 = arith.constant 0 : i32
      %dma_start3A_92 = tpu.memref_slice %arg4[%mul3A_0, %dma_start3A_91] : memref<2560x128xi32, #tpu.memory_space<hbm>> -> memref<160x128xi32, #tpu.memory_space<hbm>>
      %dma_start3A_93 = arith.constant 0 : i32
      %dma_start3A_94 = tpu.memref_slice %arg4[%mul3A_0, %dma_start3A_93] : memref<2560x128xi32, #tpu.memory_space<hbm>> -> memref<160x128xi32, #tpu.memory_space<hbm>>
      tpu.enqueue_dma source(%dma_start3A_94 : memref<160x128xi32, #tpu.memory_space<hbm>>) target(%arg11 : memref<160x128xi32, #tpu.memory_space<vmem>>) target_semaphore(%run_scoped3A : memref<!tpu.dma_semaphore, #tpu.memory_space<semaphore_mem>>)
      %dma_wait3A_95 = arith.constant 0 : i32
      %dma_wait3A_96 = tpu.memref_slice %arg4[%mul3A_0, %dma_wait3A_95] : memref<2560x128xi32, #tpu.memory_space<hbm>> -> memref<160x128xi32, #tpu.memory_space<hbm>>
      %dma_wait3A_97 = arith.constant 0 : i32
      %dma_wait3A_98 = tpu.memref_slice %arg4[%mul3A_0, %dma_wait3A_97] : memref<2560x128xi32, #tpu.memory_space<hbm>> -> memref<160x128xi32, #tpu.memory_space<hbm>>
      tpu.wait_dma2 semaphore(%run_scoped3A : memref<!tpu.dma_semaphore, #tpu.memory_space<semaphore_mem>>) src(%dma_wait3A_98 : memref<160x128xi32, #tpu.memory_space<hbm>>) dst(%arg11 : memref<160x128xi32, #tpu.memory_space<vmem>>)
      tpu.yield
    }) : () -> ()
    %barrier3A = arith.constant 0 : index
    tpu.barrier barrier_id(%barrier3A)
    %ge3A = arith.constant 0 : i32
    %ge3A_5 = arith.constant 160 : i32
    %ge3A_6 = arith.cmpi sge, %ge3A, %ge3A_5 : i32
    %sub3A = arith.constant 0 : i32
    %sub3A_7 = arith.constant 160 : i32
    %sub3A_8 = arith.subi %sub3A, %sub3A_7 : i32
    %jit3A = arith.constant 0 : i32
    %select_n3A = arith.select %ge3A_6, %sub3A_8, %jit3A : i32
    %dma_start3A = arith.constant 0 : i32
    %dma_start3A_9 = tpu.memref_slice %arg10[%select_n3A, %dma_start3A] : memref<160x128xi32, #tpu.memory_space<vmem>> -> memref<1x128xi32, #tpu.memory_space<vmem>>
    %dma_start3A_10 = tpu.memref_squeeze %dma_start3A_9 : memref<1x128xi32, #tpu.memory_space<vmem>> -> memref<128xi32, #tpu.memory_space<vmem>>
    %dma_start3A_11 = arith.constant 0 : i32
    %dma_start3A_12 = arith.constant 0 : i32
    %dma_start3A_13 = tpu.memref_slice %arg2[%dma_start3A_11, %dma_start3A_12] : memref<10000x64xf32, #tpu.memory_space<hbm>> -> memref<10000x64xf32, #tpu.memory_space<hbm>>
    tpu.enqueue_indirect_dma source(%dma_start3A_13 : memref<10000x64xf32, #tpu.memory_space<hbm>>) target(%arg16 : memref<128x64xf32, #tpu.memory_space<vmem>>) offsets(%dma_start3A_10 : memref<128xi32, #tpu.memory_space<vmem>>) semaphore(%arg20 : memref<!tpu.dma_semaphore, #tpu.memory_space<semaphore_mem>>)
    %ge3A_14 = arith.constant 1 : i32
    %ge3A_15 = arith.constant 160 : i32
    %ge3A_16 = arith.cmpi sge, %ge3A_14, %ge3A_15 : i32
    %sub3A_17 = arith.constant 1 : i32
    %sub3A_18 = arith.constant 160 : i32
    %sub3A_19 = arith.subi %sub3A_17, %sub3A_18 : i32
    %jit3A_20 = arith.constant 1 : i32
    %select_n3A_21 = arith.select %ge3A_16, %sub3A_19, %jit3A_20 : i32
    %dma_start3A_22 = arith.constant 0 : i32
    %dma_start3A_23 = tpu.memref_slice %arg10[%select_n3A_21, %dma_start3A_22] : memref<160x128xi32, #tpu.memory_space<vmem>> -> memref<1x128xi32, #tpu.memory_space<vmem>>
    %dma_start3A_24 = tpu.memref_squeeze %dma_start3A_23 : memref<1x128xi32, #tpu.memory_space<vmem>> -> memref<128xi32, #tpu.memory_space<vmem>>
    %dma_start3A_25 = arith.constant 0 : i32
    %dma_start3A_26 = arith.constant 0 : i32
    %dma_start3A_27 = tpu.memref_slice %arg2[%dma_start3A_25, %dma_start3A_26] : memref<10000x64xf32, #tpu.memory_space<hbm>> -> memref<10000x64xf32, #tpu.memory_space<hbm>>
    tpu.enqueue_indirect_dma source(%dma_start3A_27 : memref<10000x64xf32, #tpu.memory_space<hbm>>) target(%arg17 : memref<128x64xf32, #tpu.memory_space<vmem>>) offsets(%dma_start3A_24 : memref<128xi32, #tpu.memory_space<vmem>>) semaphore(%arg21 : memref<!tpu.dma_semaphore, #tpu.memory_space<semaphore_mem>>)
    %ge3A_28 = arith.constant 2 : i32
    %ge3A_29 = arith.constant 160 : i32
    %ge3A_30 = arith.cmpi sge, %ge3A_28, %ge3A_29 : i32
    %sub3A_31 = arith.constant 2 : i32
    %sub3A_32 = arith.constant 160 : i32
    %sub3A_33 = arith.subi %sub3A_31, %sub3A_32 : i32
    %jit3A_34 = arith.constant 2 : i32
    %select_n3A_35 = arith.select %ge3A_30, %sub3A_33, %jit3A_34 : i32
    %dma_start3A_36 = arith.constant 0 : i32
    %dma_start3A_37 = tpu.memref_slice %arg10[%select_n3A_35, %dma_start3A_36] : memref<160x128xi32, #tpu.memory_space<vmem>> -> memref<1x128xi32, #tpu.memory_space<vmem>>
    %dma_start3A_38 = tpu.memref_squeeze %dma_start3A_37 : memref<1x128xi32, #tpu.memory_space<vmem>> -> memref<128xi32, #tpu.memory_space<vmem>>
    %dma_start3A_39 = arith.constant 0 : i32
    %dma_start3A_40 = arith.constant 0 : i32
    %dma_start3A_41 = tpu.memref_slice %arg2[%dma_start3A_39, %dma_start3A_40] : memref<10000x64xf32, #tpu.memory_space<hbm>> -> memref<10000x64xf32, #tpu.memory_space<hbm>>
    tpu.enqueue_indirect_dma source(%dma_start3A_41 : memref<10000x64xf32, #tpu.memory_space<hbm>>) target(%arg18 : memref<128x64xf32, #tpu.memory_space<vmem>>) offsets(%dma_start3A_38 : memref<128xi32, #tpu.memory_space<vmem>>) semaphore(%arg22 : memref<!tpu.dma_semaphore, #tpu.memory_space<semaphore_mem>>)
    %ge3A_42 = arith.constant 3 : i32
    %ge3A_43 = arith.constant 160 : i32
    %ge3A_44 = arith.cmpi sge, %ge3A_42, %ge3A_43 : i32
    %sub3A_45 = arith.constant 3 : i32
    %sub3A_46 = arith.constant 160 : i32
    %sub3A_47 = arith.subi %sub3A_45, %sub3A_46 : i32
    %jit3A_48 = arith.constant 3 : i32
    %select_n3A_49 = arith.select %ge3A_44, %sub3A_47, %jit3A_48 : i32
    %dma_start3A_50 = arith.constant 0 : i32
    %dma_start3A_51 = tpu.memref_slice %arg10[%select_n3A_49, %dma_start3A_50] : memref<160x128xi32, #tpu.memory_space<vmem>> -> memref<1x128xi32, #tpu.memory_space<vmem>>
    %dma_start3A_52 = tpu.memref_squeeze %dma_start3A_51 : memref<1x128xi32, #tpu.memory_space<vmem>> -> memref<128xi32, #tpu.memory_space<vmem>>
    %dma_start3A_53 = arith.constant 0 : i32
    %dma_start3A_54 = arith.constant 0 : i32
    %dma_start3A_55 = tpu.memref_slice %arg2[%dma_start3A_53, %dma_start3A_54] : memref<10000x64xf32, #tpu.memory_space<hbm>> -> memref<10000x64xf32, #tpu.memory_space<hbm>>
    tpu.enqueue_indirect_dma source(%dma_start3A_55 : memref<10000x64xf32, #tpu.memory_space<hbm>>) target(%arg19 : memref<128x64xf32, #tpu.memory_space<vmem>>) offsets(%dma_start3A_52 : memref<128xi32, #tpu.memory_space<vmem>>) semaphore(%arg23 : memref<!tpu.dma_semaphore, #tpu.memory_space<semaphore_mem>>)
    %scan3A = arith.constant 0 : i32
    %scan3A_56 = arith.constant 0 : i32
    %scan3A_57 = arith.constant 40 : i32
    %scan3A_58 = arith.addi %scan3A_56, %scan3A_57 : i32
    %scan3A_59 = arith.constant 1 : i32
    scf.for %scan3A_91 = %scan3A_56 to %scan3A_58 step %scan3A_59  : i32 {
      %mul3A_92 = arith.constant 4 : i32
      %mul3A_93 = arith.muli %scan3A_91, %mul3A_92 : i32
      %add3A = arith.constant 0 : i32
      %add3A_94 = arith.addi %mul3A_93, %add3A : i32
      %dma_wait3A_95 = arith.constant 0 : i32
      %dma_wait3A_96 = tpu.memref_slice %arg10[%add3A_94, %dma_wait3A_95] : memref<160x128xi32, #tpu.memory_space<vmem>> -> memref<1x128xi32, #tpu.memory_space<vmem>>
      %dma_wait3A_97 = tpu.memref_squeeze %dma_wait3A_96 : memref<1x128xi32, #tpu.memory_space<vmem>> -> memref<128xi32, #tpu.memory_space<vmem>>
      %dma_wait3A_98 = arith.constant 0 : i32
      %dma_wait3A_99 = arith.constant 0 : i32
      %dma_wait3A_100 = tpu.memref_slice %arg2[%dma_wait3A_98, %dma_wait3A_99] : memref<10000x64xf32, #tpu.memory_space<hbm>> -> memref<10000x64xf32, #tpu.memory_space<hbm>>
      tpu.wait_indirect_dma semaphore(%arg20 : memref<!tpu.dma_semaphore, #tpu.memory_space<semaphore_mem>>) src(%dma_wait3A_100 : memref<10000x64xf32, #tpu.memory_space<hbm>>) dst(%arg16 : memref<128x64xf32, #tpu.memory_space<vmem>>)
      "tpu.region"() ({
        %run_scoped3A = tpu.sem_alloc : memref<!tpu.dma_semaphore, #tpu.memory_space<semaphore_mem>>
        %dma_start3A_177 = arith.constant 0 : i32
        %dma_start3A_178 = tpu.memref_slice %arg11[%add3A_94, %dma_start3A_177] : memref<160x128xi32, #tpu.memory_space<vmem>> -> memref<1x128xi32, #tpu.memory_space<vmem>>
        %dma_start3A_179 = tpu.memref_squeeze %dma_start3A_178 : memref<1x128xi32, #tpu.memory_space<vmem>> -> memref<128xi32, #tpu.memory_space<vmem>>
        %dma_start3A_180 = arith.constant 0 : i32
        %dma_start3A_181 = arith.constant 0 : i32
        %dma_start3A_182 = tpu.memref_slice %arg13[%dma_start3A_180, %dma_start3A_181] : memref<10240x64xf32, #tpu.memory_space<vmem_shared>> -> memref<10240x64xf32, #tpu.memory_space<vmem_shared>>
        tpu.enqueue_indirect_dma source(%arg16 : memref<128x64xf32, #tpu.memory_space<vmem>>) target(%dma_start3A_182 : memref<10240x64xf32, #tpu.memory_space<vmem_shared>>) offsets(%dma_start3A_179 : memref<128xi32, #tpu.memory_space<vmem>>) semaphore(%run_scoped3A : memref<!tpu.dma_semaphore, #tpu.memory_space<semaphore_mem>>) {add = true}
        %dma_wait3A_183 = arith.constant 0 : i32
        %dma_wait3A_184 = tpu.memref_slice %arg11[%add3A_94, %dma_wait3A_183] : memref<160x128xi32, #tpu.memory_space<vmem>> -> memref<1x128xi32, #tpu.memory_space<vmem>>
        %dma_wait3A_185 = tpu.memref_squeeze %dma_wait3A_184 : memref<1x128xi32, #tpu.memory_space<vmem>> -> memref<128xi32, #tpu.memory_space<vmem>>
        %dma_wait3A_186 = arith.constant 0 : i32
        %dma_wait3A_187 = arith.constant 0 : i32
        %dma_wait3A_188 = tpu.memref_slice %arg13[%dma_wait3A_186, %dma_wait3A_187] : memref<10240x64xf32, #tpu.memory_space<vmem_shared>> -> memref<10240x64xf32, #tpu.memory_space<vmem_shared>>
        tpu.wait_indirect_dma semaphore(%run_scoped3A : memref<!tpu.dma_semaphore, #tpu.memory_space<semaphore_mem>>) src(%arg16 : memref<128x64xf32, #tpu.memory_space<vmem>>) dst(%dma_wait3A_188 : memref<10240x64xf32, #tpu.memory_space<vmem_shared>>)
        tpu.yield
      }) : () -> ()
      "tpu.region"() ({
        %run_scoped3A = tpu.sem_alloc : memref<!tpu.dma_semaphore, #tpu.memory_space<semaphore_mem>>
        %dma_start3A_177 = arith.constant 0 : i32
        %dma_start3A_178 = tpu.memref_slice %arg11[%add3A_94, %dma_start3A_177] : memref<160x128xi32, #tpu.memory_space<vmem>> -> memref<1x128xi32, #tpu.memory_space<vmem>>
        %dma_start3A_179 = tpu.memref_squeeze %dma_start3A_178 : memref<1x128xi32, #tpu.memory_space<vmem>> -> memref<128xi32, #tpu.memory_space<vmem>>
        %dma_start3A_180 = arith.constant 0 : i32
        %dma_start3A_181 = arith.constant 0 : i32
        %dma_start3A_182 = tpu.memref_slice %arg14[%dma_start3A_180, %dma_start3A_181] : memref<10240x16xf32, #tpu.memory_space<vmem_shared>> -> memref<10240x16xf32, #tpu.memory_space<vmem_shared>>
        tpu.enqueue_indirect_dma source(%arg12 : memref<128x16xf32, #tpu.memory_space<vmem>>) target(%dma_start3A_182 : memref<10240x16xf32, #tpu.memory_space<vmem_shared>>) offsets(%dma_start3A_179 : memref<128xi32, #tpu.memory_space<vmem>>) semaphore(%run_scoped3A : memref<!tpu.dma_semaphore, #tpu.memory_space<semaphore_mem>>) {add = true}
        %dma_wait3A_183 = arith.constant 0 : i32
        %dma_wait3A_184 = tpu.memref_slice %arg11[%add3A_94, %dma_wait3A_183] : memref<160x128xi32, #tpu.memory_space<vmem>> -> memref<1x128xi32, #tpu.memory_space<vmem>>
        %dma_wait3A_185 = tpu.memref_squeeze %dma_wait3A_184 : memref<1x128xi32, #tpu.memory_space<vmem>> -> memref<128xi32, #tpu.memory_space<vmem>>
        %dma_wait3A_186 = arith.constant 0 : i32
        %dma_wait3A_187 = arith.constant 0 : i32
        %dma_wait3A_188 = tpu.memref_slice %arg14[%dma_wait3A_186, %dma_wait3A_187] : memref<10240x16xf32, #tpu.memory_space<vmem_shared>> -> memref<10240x16xf32, #tpu.memory_space<vmem_shared>>
        tpu.wait_indirect_dma semaphore(%run_scoped3A : memref<!tpu.dma_semaphore, #tpu.memory_space<semaphore_mem>>) src(%arg12 : memref<128x16xf32, #tpu.memory_space<vmem>>) dst(%dma_wait3A_188 : memref<10240x16xf32, #tpu.memory_space<vmem_shared>>)
        tpu.yield
      }) : () -> ()
      %add3A_101 = arith.constant 4 : i32
      %add3A_102 = arith.addi %add3A_94, %add3A_101 : i32
      %ge3A_103 = arith.constant 160 : i32
      %ge3A_104 = arith.cmpi sge, %add3A_102, %ge3A_103 : i32
      %sub3A_105 = arith.constant 160 : i32
      %sub3A_106 = arith.subi %add3A_102, %sub3A_105 : i32
      %select_n3A_107 = arith.select %ge3A_104, %sub3A_106, %add3A_102 : i32
      %dma_start3A_108 = arith.constant 0 : i32
      %dma_start3A_109 = tpu.memref_slice %arg10[%select_n3A_107, %dma_start3A_108] : memref<160x128xi32, #tpu.memory_space<vmem>> -> memref<1x128xi32, #tpu.memory_space<vmem>>
      %dma_start3A_110 = tpu.memref_squeeze %dma_start3A_109 : memref<1x128xi32, #tpu.memory_space<vmem>> -> memref<128xi32, #tpu.memory_space<vmem>>
      %dma_start3A_111 = arith.constant 0 : i32
      %dma_start3A_112 = arith.constant 0 : i32
      %dma_start3A_113 = tpu.memref_slice %arg2[%dma_start3A_111, %dma_start3A_112] : memref<10000x64xf32, #tpu.memory_space<hbm>> -> memref<10000x64xf32, #tpu.memory_space<hbm>>
      tpu.enqueue_indirect_dma source(%dma_start3A_113 : memref<10000x64xf32, #tpu.memory_space<hbm>>) target(%arg16 : memref<128x64xf32, #tpu.memory_space<vmem>>) offsets(%dma_start3A_110 : memref<128xi32, #tpu.memory_space<vmem>>) semaphore(%arg20 : memref<!tpu.dma_semaphore, #tpu.memory_space<semaphore_mem>>)
      %add3A_114 = arith.constant 1 : i32
      %add3A_115 = arith.addi %mul3A_93, %add3A_114 : i32
      %dma_wait3A_116 = arith.constant 0 : i32
      %dma_wait3A_117 = tpu.memref_slice %arg10[%add3A_115, %dma_wait3A_116] : memref<160x128xi32, #tpu.memory_space<vmem>> -> memref<1x128xi32, #tpu.memory_space<vmem>>
      %dma_wait3A_118 = tpu.memref_squeeze %dma_wait3A_117 : memref<1x128xi32, #tpu.memory_space<vmem>> -> memref<128xi32, #tpu.memory_space<vmem>>
      %dma_wait3A_119 = arith.constant 0 : i32
      %dma_wait3A_120 = arith.constant 0 : i32
      %dma_wait3A_121 = tpu.memref_slice %arg2[%dma_wait3A_119, %dma_wait3A_120] : memref<10000x64xf32, #tpu.memory_space<hbm>> -> memref<10000x64xf32, #tpu.memory_space<hbm>>
      tpu.wait_indirect_dma semaphore(%arg21 : memref<!tpu.dma_semaphore, #tpu.memory_space<semaphore_mem>>) src(%dma_wait3A_121 : memref<10000x64xf32, #tpu.memory_space<hbm>>) dst(%arg17 : memref<128x64xf32, #tpu.memory_space<vmem>>)
      "tpu.region"() ({
        %run_scoped3A = tpu.sem_alloc : memref<!tpu.dma_semaphore, #tpu.memory_space<semaphore_mem>>
        %dma_start3A_177 = arith.constant 0 : i32
        %dma_start3A_178 = tpu.memref_slice %arg11[%add3A_115, %dma_start3A_177] : memref<160x128xi32, #tpu.memory_space<vmem>> -> memref<1x128xi32, #tpu.memory_space<vmem>>
        %dma_start3A_179 = tpu.memref_squeeze %dma_start3A_178 : memref<1x128xi32, #tpu.memory_space<vmem>> -> memref<128xi32, #tpu.memory_space<vmem>>
        %dma_start3A_180 = arith.constant 0 : i32
        %dma_start3A_181 = arith.constant 0 : i32
        %dma_start3A_182 = tpu.memref_slice %arg13[%dma_start3A_180, %dma_start3A_181] : memref<10240x64xf32, #tpu.memory_space<vmem_shared>> -> memref<10240x64xf32, #tpu.memory_space<vmem_shared>>
        tpu.enqueue_indirect_dma source(%arg17 : memref<128x64xf32, #tpu.memory_space<vmem>>) target(%dma_start3A_182 : memref<10240x64xf32, #tpu.memory_space<vmem_shared>>) offsets(%dma_start3A_179 : memref<128xi32, #tpu.memory_space<vmem>>) semaphore(%run_scoped3A : memref<!tpu.dma_semaphore, #tpu.memory_space<semaphore_mem>>) {add = true}
        %dma_wait3A_183 = arith.constant 0 : i32
        %dma_wait3A_184 = tpu.memref_slice %arg11[%add3A_115, %dma_wait3A_183] : memref<160x128xi32, #tpu.memory_space<vmem>> -> memref<1x128xi32, #tpu.memory_space<vmem>>
        %dma_wait3A_185 = tpu.memref_squeeze %dma_wait3A_184 : memref<1x128xi32, #tpu.memory_space<vmem>> -> memref<128xi32, #tpu.memory_space<vmem>>
        %dma_wait3A_186 = arith.constant 0 : i32
        %dma_wait3A_187 = arith.constant 0 : i32
        %dma_wait3A_188 = tpu.memref_slice %arg13[%dma_wait3A_186, %dma_wait3A_187] : memref<10240x64xf32, #tpu.memory_space<vmem_shared>> -> memref<10240x64xf32, #tpu.memory_space<vmem_shared>>
        tpu.wait_indirect_dma semaphore(%run_scoped3A : memref<!tpu.dma_semaphore, #tpu.memory_space<semaphore_mem>>) src(%arg17 : memref<128x64xf32, #tpu.memory_space<vmem>>) dst(%dma_wait3A_188 : memref<10240x64xf32, #tpu.memory_space<vmem_shared>>)
        tpu.yield
      }) : () -> ()
      "tpu.region"() ({
        %run_scoped3A = tpu.sem_alloc : memref<!tpu.dma_semaphore, #tpu.memory_space<semaphore_mem>>
        %dma_start3A_177 = arith.constant 0 : i32
        %dma_start3A_178 = tpu.memref_slice %arg11[%add3A_115, %dma_start3A_177] : memref<160x128xi32, #tpu.memory_space<vmem>> -> memref<1x128xi32, #tpu.memory_space<vmem>>
        %dma_start3A_179 = tpu.memref_squeeze %dma_start3A_178 : memref<1x128xi32, #tpu.memory_space<vmem>> -> memref<128xi32, #tpu.memory_space<vmem>>
        %dma_start3A_180 = arith.constant 0 : i32
        %dma_start3A_181 = arith.constant 0 : i32
        %dma_start3A_182 = tpu.memref_slice %arg14[%dma_start3A_180, %dma_start3A_181] : memref<10240x16xf32, #tpu.memory_space<vmem_shared>> -> memref<10240x16xf32, #tpu.memory_space<vmem_shared>>
        tpu.enqueue_indirect_dma source(%arg12 : memref<128x16xf32, #tpu.memory_space<vmem>>) target(%dma_start3A_182 : memref<10240x16xf32, #tpu.memory_space<vmem_shared>>) offsets(%dma_start3A_179 : memref<128xi32, #tpu.memory_space<vmem>>) semaphore(%run_scoped3A : memref<!tpu.dma_semaphore, #tpu.memory_space<semaphore_mem>>) {add = true}
        %dma_wait3A_183 = arith.constant 0 : i32
        %dma_wait3A_184 = tpu.memref_slice %arg11[%add3A_115, %dma_wait3A_183] : memref<160x128xi32, #tpu.memory_space<vmem>> -> memref<1x128xi32, #tpu.memory_space<vmem>>
        %dma_wait3A_185 = tpu.memref_squeeze %dma_wait3A_184 : memref<1x128xi32, #tpu.memory_space<vmem>> -> memref<128xi32, #tpu.memory_space<vmem>>
        %dma_wait3A_186 = arith.constant 0 : i32
        %dma_wait3A_187 = arith.constant 0 : i32
        %dma_wait3A_188 = tpu.memref_slice %arg14[%dma_wait3A_186, %dma_wait3A_187] : memref<10240x16xf32, #tpu.memory_space<vmem_shared>> -> memref<10240x16xf32, #tpu.memory_space<vmem_shared>>
        tpu.wait_indirect_dma semaphore(%run_scoped3A : memref<!tpu.dma_semaphore, #tpu.memory_space<semaphore_mem>>) src(%arg12 : memref<128x16xf32, #tpu.memory_space<vmem>>) dst(%dma_wait3A_188 : memref<10240x16xf32, #tpu.memory_space<vmem_shared>>)
        tpu.yield
      }) : () -> ()
      %add3A_122 = arith.constant 4 : i32
      %add3A_123 = arith.addi %add3A_115, %add3A_122 : i32
      %ge3A_124 = arith.constant 160 : i32
      %ge3A_125 = arith.cmpi sge, %add3A_123, %ge3A_124 : i32
      %sub3A_126 = arith.constant 160 : i32
      %sub3A_127 = arith.subi %add3A_123, %sub3A_126 : i32
      %select_n3A_128 = arith.select %ge3A_125, %sub3A_127, %add3A_123 : i32
      %dma_start3A_129 = arith.constant 0 : i32
      %dma_start3A_130 = tpu.memref_slice %arg10[%select_n3A_128, %dma_start3A_129] : memref<160x128xi32, #tpu.memory_space<vmem>> -> memref<1x128xi32, #tpu.memory_space<vmem>>
      %dma_start3A_131 = tpu.memref_squeeze %dma_start3A_130 : memref<1x128xi32, #tpu.memory_space<vmem>> -> memref<128xi32, #tpu.memory_space<vmem>>
      %dma_start3A_132 = arith.constant 0 : i32
      %dma_start3A_133 = arith.constant 0 : i32
      %dma_start3A_134 = tpu.memref_slice %arg2[%dma_start3A_132, %dma_start3A_133] : memref<10000x64xf32, #tpu.memory_space<hbm>> -> memref<10000x64xf32, #tpu.memory_space<hbm>>
      tpu.enqueue_indirect_dma source(%dma_start3A_134 : memref<10000x64xf32, #tpu.memory_space<hbm>>) target(%arg17 : memref<128x64xf32, #tpu.memory_space<vmem>>) offsets(%dma_start3A_131 : memref<128xi32, #tpu.memory_space<vmem>>) semaphore(%arg21 : memref<!tpu.dma_semaphore, #tpu.memory_space<semaphore_mem>>)
      %add3A_135 = arith.constant 2 : i32
      %add3A_136 = arith.addi %mul3A_93, %add3A_135 : i32
      %dma_wait3A_137 = arith.constant 0 : i32
      %dma_wait3A_138 = tpu.memref_slice %arg10[%add3A_136, %dma_wait3A_137] : memref<160x128xi32, #tpu.memory_space<vmem>> -> memref<1x128xi32, #tpu.memory_space<vmem>>
      %dma_wait3A_139 = tpu.memref_squeeze %dma_wait3A_138 : memref<1x128xi32, #tpu.memory_space<vmem>> -> memref<128xi32, #tpu.memory_space<vmem>>
      %dma_wait3A_140 = arith.constant 0 : i32
      %dma_wait3A_141 = arith.constant 0 : i32
      %dma_wait3A_142 = tpu.memref_slice %arg2[%dma_wait3A_140, %dma_wait3A_141] : memref<10000x64xf32, #tpu.memory_space<hbm>> -> memref<10000x64xf32, #tpu.memory_space<hbm>>
      tpu.wait_indirect_dma semaphore(%arg22 : memref<!tpu.dma_semaphore, #tpu.memory_space<semaphore_mem>>) src(%dma_wait3A_142 : memref<10000x64xf32, #tpu.memory_space<hbm>>) dst(%arg18 : memref<128x64xf32, #tpu.memory_space<vmem>>)
      "tpu.region"() ({
        %run_scoped3A = tpu.sem_alloc : memref<!tpu.dma_semaphore, #tpu.memory_space<semaphore_mem>>
        %dma_start3A_177 = arith.constant 0 : i32
        %dma_start3A_178 = tpu.memref_slice %arg11[%add3A_136, %dma_start3A_177] : memref<160x128xi32, #tpu.memory_space<vmem>> -> memref<1x128xi32, #tpu.memory_space<vmem>>
        %dma_start3A_179 = tpu.memref_squeeze %dma_start3A_178 : memref<1x128xi32, #tpu.memory_space<vmem>> -> memref<128xi32, #tpu.memory_space<vmem>>
        %dma_start3A_180 = arith.constant 0 : i32
        %dma_start3A_181 = arith.constant 0 : i32
        %dma_start3A_182 = tpu.memref_slice %arg13[%dma_start3A_180, %dma_start3A_181] : memref<10240x64xf32, #tpu.memory_space<vmem_shared>> -> memref<10240x64xf32, #tpu.memory_space<vmem_shared>>
        tpu.enqueue_indirect_dma source(%arg18 : memref<128x64xf32, #tpu.memory_space<vmem>>) target(%dma_start3A_182 : memref<10240x64xf32, #tpu.memory_space<vmem_shared>>) offsets(%dma_start3A_179 : memref<128xi32, #tpu.memory_space<vmem>>) semaphore(%run_scoped3A : memref<!tpu.dma_semaphore, #tpu.memory_space<semaphore_mem>>) {add = true}
        %dma_wait3A_183 = arith.constant 0 : i32
        %dma_wait3A_184 = tpu.memref_slice %arg11[%add3A_136, %dma_wait3A_183] : memref<160x128xi32, #tpu.memory_space<vmem>> -> memref<1x128xi32, #tpu.memory_space<vmem>>
        %dma_wait3A_185 = tpu.memref_squeeze %dma_wait3A_184 : memref<1x128xi32, #tpu.memory_space<vmem>> -> memref<128xi32, #tpu.memory_space<vmem>>
        %dma_wait3A_186 = arith.constant 0 : i32
        %dma_wait3A_187 = arith.constant 0 : i32
        %dma_wait3A_188 = tpu.memref_slice %arg13[%dma_wait3A_186, %dma_wait3A_187] : memref<10240x64xf32, #tpu.memory_space<vmem_shared>> -> memref<10240x64xf32, #tpu.memory_space<vmem_shared>>
        tpu.wait_indirect_dma semaphore(%run_scoped3A : memref<!tpu.dma_semaphore, #tpu.memory_space<semaphore_mem>>) src(%arg18 : memref<128x64xf32, #tpu.memory_space<vmem>>) dst(%dma_wait3A_188 : memref<10240x64xf32, #tpu.memory_space<vmem_shared>>)
        tpu.yield
      }) : () -> ()
      "tpu.region"() ({
        %run_scoped3A = tpu.sem_alloc : memref<!tpu.dma_semaphore, #tpu.memory_space<semaphore_mem>>
        %dma_start3A_177 = arith.constant 0 : i32
        %dma_start3A_178 = tpu.memref_slice %arg11[%add3A_136, %dma_start3A_177] : memref<160x128xi32, #tpu.memory_space<vmem>> -> memref<1x128xi32, #tpu.memory_space<vmem>>
        %dma_start3A_179 = tpu.memref_squeeze %dma_start3A_178 : memref<1x128xi32, #tpu.memory_space<vmem>> -> memref<128xi32, #tpu.memory_space<vmem>>
        %dma_start3A_180 = arith.constant 0 : i32
        %dma_start3A_181 = arith.constant 0 : i32
        %dma_start3A_182 = tpu.memref_slice %arg14[%dma_start3A_180, %dma_start3A_181] : memref<10240x16xf32, #tpu.memory_space<vmem_shared>> -> memref<10240x16xf32, #tpu.memory_space<vmem_shared>>
        tpu.enqueue_indirect_dma source(%arg12 : memref<128x16xf32, #tpu.memory_space<vmem>>) target(%dma_start3A_182 : memref<10240x16xf32, #tpu.memory_space<vmem_shared>>) offsets(%dma_start3A_179 : memref<128xi32, #tpu.memory_space<vmem>>) semaphore(%run_scoped3A : memref<!tpu.dma_semaphore, #tpu.memory_space<semaphore_mem>>) {add = true}
        %dma_wait3A_183 = arith.constant 0 : i32
        %dma_wait3A_184 = tpu.memref_slice %arg11[%add3A_136, %dma_wait3A_183] : memref<160x128xi32, #tpu.memory_space<vmem>> -> memref<1x128xi32, #tpu.memory_space<vmem>>
        %dma_wait3A_185 = tpu.memref_squeeze %dma_wait3A_184 : memref<1x128xi32, #tpu.memory_space<vmem>> -> memref<128xi32, #tpu.memory_space<vmem>>
        %dma_wait3A_186 = arith.constant 0 : i32
        %dma_wait3A_187 = arith.constant 0 : i32
        %dma_wait3A_188 = tpu.memref_slice %arg14[%dma_wait3A_186, %dma_wait3A_187] : memref<10240x16xf32, #tpu.memory_space<vmem_shared>> -> memref<10240x16xf32, #tpu.memory_space<vmem_shared>>
        tpu.wait_indirect_dma semaphore(%run_scoped3A : memref<!tpu.dma_semaphore, #tpu.memory_space<semaphore_mem>>) src(%arg12 : memref<128x16xf32, #tpu.memory_space<vmem>>) dst(%dma_wait3A_188 : memref<10240x16xf32, #tpu.memory_space<vmem_shared>>)
        tpu.yield
      }) : () -> ()
      %add3A_143 = arith.constant 4 : i32
      %add3A_144 = arith.addi %add3A_136, %add3A_143 : i32
      %ge3A_145 = arith.constant 160 : i32
      %ge3A_146 = arith.cmpi sge, %add3A_144, %ge3A_145 : i32
      %sub3A_147 = arith.constant 160 : i32
      %sub3A_148 = arith.subi %add3A_144, %sub3A_147 : i32
      %select_n3A_149 = arith.select %ge3A_146, %sub3A_148, %add3A_144 : i32
      %dma_start3A_150 = arith.constant 0 : i32
      %dma_start3A_151 = tpu.memref_slice %arg10[%select_n3A_149, %dma_start3A_150] : memref<160x128xi32, #tpu.memory_space<vmem>> -> memref<1x128xi32, #tpu.memory_space<vmem>>
      %dma_start3A_152 = tpu.memref_squeeze %dma_start3A_151 : memref<1x128xi32, #tpu.memory_space<vmem>> -> memref<128xi32, #tpu.memory_space<vmem>>
      %dma_start3A_153 = arith.constant 0 : i32
      %dma_start3A_154 = arith.constant 0 : i32
      %dma_start3A_155 = tpu.memref_slice %arg2[%dma_start3A_153, %dma_start3A_154] : memref<10000x64xf32, #tpu.memory_space<hbm>> -> memref<10000x64xf32, #tpu.memory_space<hbm>>
      tpu.enqueue_indirect_dma source(%dma_start3A_155 : memref<10000x64xf32, #tpu.memory_space<hbm>>) target(%arg18 : memref<128x64xf32, #tpu.memory_space<vmem>>) offsets(%dma_start3A_152 : memref<128xi32, #tpu.memory_space<vmem>>) semaphore(%arg22 : memref<!tpu.dma_semaphore, #tpu.memory_space<semaphore_mem>>)
      %add3A_156 = arith.constant 3 : i32
      %add3A_157 = arith.addi %mul3A_93, %add3A_156 : i32
      %dma_wait3A_158 = arith.constant 0 : i32
      %dma_wait3A_159 = tpu.memref_slice %arg10[%add3A_157, %dma_wait3A_158] : memref<160x128xi32, #tpu.memory_space<vmem>> -> memref<1x128xi32, #tpu.memory_space<vmem>>
      %dma_wait3A_160 = tpu.memref_squeeze %dma_wait3A_159 : memref<1x128xi32, #tpu.memory_space<vmem>> -> memref<128xi32, #tpu.memory_space<vmem>>
      %dma_wait3A_161 = arith.constant 0 : i32
      %dma_wait3A_162 = arith.constant 0 : i32
      %dma_wait3A_163 = tpu.memref_slice %arg2[%dma_wait3A_161, %dma_wait3A_162] : memref<10000x64xf32, #tpu.memory_space<hbm>> -> memref<10000x64xf32, #tpu.memory_space<hbm>>
      tpu.wait_indirect_dma semaphore(%arg23 : memref<!tpu.dma_semaphore, #tpu.memory_space<semaphore_mem>>) src(%dma_wait3A_163 : memref<10000x64xf32, #tpu.memory_space<hbm>>) dst(%arg19 : memref<128x64xf32, #tpu.memory_space<vmem>>)
      "tpu.region"() ({
        %run_scoped3A = tpu.sem_alloc : memref<!tpu.dma_semaphore, #tpu.memory_space<semaphore_mem>>
        %dma_start3A_177 = arith.constant 0 : i32
        %dma_start3A_178 = tpu.memref_slice %arg11[%add3A_157, %dma_start3A_177] : memref<160x128xi32, #tpu.memory_space<vmem>> -> memref<1x128xi32, #tpu.memory_space<vmem>>
        %dma_start3A_179 = tpu.memref_squeeze %dma_start3A_178 : memref<1x128xi32, #tpu.memory_space<vmem>> -> memref<128xi32, #tpu.memory_space<vmem>>
        %dma_start3A_180 = arith.constant 0 : i32
        %dma_start3A_181 = arith.constant 0 : i32
        %dma_start3A_182 = tpu.memref_slice %arg13[%dma_start3A_180, %dma_start3A_181] : memref<10240x64xf32, #tpu.memory_space<vmem_shared>> -> memref<10240x64xf32, #tpu.memory_space<vmem_shared>>
        tpu.enqueue_indirect_dma source(%arg19 : memref<128x64xf32, #tpu.memory_space<vmem>>) target(%dma_start3A_182 : memref<10240x64xf32, #tpu.memory_space<vmem_shared>>) offsets(%dma_start3A_179 : memref<128xi32, #tpu.memory_space<vmem>>) semaphore(%run_scoped3A : memref<!tpu.dma_semaphore, #tpu.memory_space<semaphore_mem>>) {add = true}
        %dma_wait3A_183 = arith.constant 0 : i32
        %dma_wait3A_184 = tpu.memref_slice %arg11[%add3A_157, %dma_wait3A_183] : memref<160x128xi32, #tpu.memory_space<vmem>> -> memref<1x128xi32, #tpu.memory_space<vmem>>
        %dma_wait3A_185 = tpu.memref_squeeze %dma_wait3A_184 : memref<1x128xi32, #tpu.memory_space<vmem>> -> memref<128xi32, #tpu.memory_space<vmem>>
        %dma_wait3A_186 = arith.constant 0 : i32
        %dma_wait3A_187 = arith.constant 0 : i32
        %dma_wait3A_188 = tpu.memref_slice %arg13[%dma_wait3A_186, %dma_wait3A_187] : memref<10240x64xf32, #tpu.memory_space<vmem_shared>> -> memref<10240x64xf32, #tpu.memory_space<vmem_shared>>
        tpu.wait_indirect_dma semaphore(%run_scoped3A : memref<!tpu.dma_semaphore, #tpu.memory_space<semaphore_mem>>) src(%arg19 : memref<128x64xf32, #tpu.memory_space<vmem>>) dst(%dma_wait3A_188 : memref<10240x64xf32, #tpu.memory_space<vmem_shared>>)
        tpu.yield
      }) : () -> ()
      "tpu.region"() ({
        %run_scoped3A = tpu.sem_alloc : memref<!tpu.dma_semaphore, #tpu.memory_space<semaphore_mem>>
        %dma_start3A_177 = arith.constant 0 : i32
        %dma_start3A_178 = tpu.memref_slice %arg11[%add3A_157, %dma_start3A_177] : memref<160x128xi32, #tpu.memory_space<vmem>> -> memref<1x128xi32, #tpu.memory_space<vmem>>
        %dma_start3A_179 = tpu.memref_squeeze %dma_start3A_178 : memref<1x128xi32, #tpu.memory_space<vmem>> -> memref<128xi32, #tpu.memory_space<vmem>>
        %dma_start3A_180 = arith.constant 0 : i32
        %dma_start3A_181 = arith.constant 0 : i32
        %dma_start3A_182 = tpu.memref_slice %arg14[%dma_start3A_180, %dma_start3A_181] : memref<10240x16xf32, #tpu.memory_space<vmem_shared>> -> memref<10240x16xf32, #tpu.memory_space<vmem_shared>>
        tpu.enqueue_indirect_dma source(%arg12 : memref<128x16xf32, #tpu.memory_space<vmem>>) target(%dma_start3A_182 : memref<10240x16xf32, #tpu.memory_space<vmem_shared>>) offsets(%dma_start3A_179 : memref<128xi32, #tpu.memory_space<vmem>>) semaphore(%run_scoped3A : memref<!tpu.dma_semaphore, #tpu.memory_space<semaphore_mem>>) {add = true}
        %dma_wait3A_183 = arith.constant 0 : i32
        %dma_wait3A_184 = tpu.memref_slice %arg11[%add3A_157, %dma_wait3A_183] : memref<160x128xi32, #tpu.memory_space<vmem>> -> memref<1x128xi32, #tpu.memory_space<vmem>>
        %dma_wait3A_185 = tpu.memref_squeeze %dma_wait3A_184 : memref<1x128xi32, #tpu.memory_space<vmem>> -> memref<128xi32, #tpu.memory_space<vmem>>
        %dma_wait3A_186 = arith.constant 0 : i32
        %dma_wait3A_187 = arith.constant 0 : i32
        %dma_wait3A_188 = tpu.memref_slice %arg14[%dma_wait3A_186, %dma_wait3A_187] : memref<10240x16xf32, #tpu.memory_space<vmem_shared>> -> memref<10240x16xf32, #tpu.memory_space<vmem_shared>>
        tpu.wait_indirect_dma semaphore(%run_scoped3A : memref<!tpu.dma_semaphore, #tpu.memory_space<semaphore_mem>>) src(%arg12 : memref<128x16xf32, #tpu.memory_space<vmem>>) dst(%dma_wait3A_188 : memref<10240x16xf32, #tpu.memory_space<vmem_shared>>)
        tpu.yield
      }) : () -> ()
      %add3A_164 = arith.constant 4 : i32
      %add3A_165 = arith.addi %add3A_157, %add3A_164 : i32
      %ge3A_166 = arith.constant 160 : i32
      %ge3A_167 = arith.cmpi sge, %add3A_165, %ge3A_166 : i32
      %sub3A_168 = arith.constant 160 : i32
      %sub3A_169 = arith.subi %add3A_165, %sub3A_168 : i32
      %select_n3A_170 = arith.select %ge3A_167, %sub3A_169, %add3A_165 : i32
      %dma_start3A_171 = arith.constant 0 : i32
      %dma_start3A_172 = tpu.memref_slice %arg10[%select_n3A_170, %dma_start3A_171] : memref<160x128xi32, #tpu.memory_space<vmem>> -> memref<1x128xi32, #tpu.memory_space<vmem>>
      %dma_start3A_173 = tpu.memref_squeeze %dma_start3A_172 : memref<1x128xi32, #tpu.memory_space<vmem>> -> memref<128xi32, #tpu.memory_space<vmem>>
      %dma_start3A_174 = arith.constant 0 : i32
      %dma_start3A_175 = arith.constant 0 : i32
      %dma_start3A_176 = tpu.memref_slice %arg2[%dma_start3A_174, %dma_start3A_175] : memref<10000x64xf32, #tpu.memory_space<hbm>> -> memref<10000x64xf32, #tpu.memory_space<hbm>>
      tpu.enqueue_indirect_dma source(%dma_start3A_176 : memref<10000x64xf32, #tpu.memory_space<hbm>>) target(%arg19 : memref<128x64xf32, #tpu.memory_space<vmem>>) offsets(%dma_start3A_173 : memref<128xi32, #tpu.memory_space<vmem>>) semaphore(%arg23 : memref<!tpu.dma_semaphore, #tpu.memory_space<semaphore_mem>>)
    }
    %scan3A_60 = arith.constant 40 : i32
    %dma_wait3A = arith.constant 0 : i32
    %dma_wait3A_61 = arith.constant 0 : i32
    %dma_wait3A_62 = tpu.memref_slice %arg10[%dma_wait3A, %dma_wait3A_61] : memref<160x128xi32, #tpu.memory_space<vmem>> -> memref<1x128xi32, #tpu.memory_space<vmem>>
    %dma_wait3A_63 = tpu.memref_squeeze %dma_wait3A_62 : memref<1x128xi32, #tpu.memory_space<vmem>> -> memref<128xi32, #tpu.memory_space<vmem>>
    %dma_wait3A_64 = arith.constant 0 : i32
    %dma_wait3A_65 = arith.constant 0 : i32
    %dma_wait3A_66 = tpu.memref_slice %arg2[%dma_wait3A_64, %dma_wait3A_65] : memref<10000x64xf32, #tpu.memory_space<hbm>> -> memref<10000x64xf32, #tpu.memory_space<hbm>>
    tpu.wait_indirect_dma semaphore(%arg20 : memref<!tpu.dma_semaphore, #tpu.memory_space<semaphore_mem>>) src(%dma_wait3A_66 : memref<10000x64xf32, #tpu.memory_space<hbm>>) dst(%arg16 : memref<128x64xf32, #tpu.memory_space<vmem>>)
    %dma_wait3A_67 = arith.constant 1 : i32
    %dma_wait3A_68 = arith.constant 0 : i32
    %dma_wait3A_69 = tpu.memref_slice %arg10[%dma_wait3A_67, %dma_wait3A_68] : memref<160x128xi32, #tpu.memory_space<vmem>> -> memref<1x128xi32, #tpu.memory_space<vmem>>
    %dma_wait3A_70 = tpu.memref_squeeze %dma_wait3A_69 : memref<1x128xi32, #tpu.memory_space<vmem>> -> memref<128xi32, #tpu.memory_space<vmem>>
    %dma_wait3A_71 = arith.constant 0 : i32
    %dma_wait3A_72 = arith.constant 0 : i32
    %dma_wait3A_73 = tpu.memref_slice %arg2[%dma_wait3A_71, %dma_wait3A_72] : memref<10000x64xf32, #tpu.memory_space<hbm>> -> memref<10000x64xf32, #tpu.memory_space<hbm>>
    tpu.wait_indirect_dma semaphore(%arg21 : memref<!tpu.dma_semaphore, #tpu.memory_space<semaphore_mem>>) src(%dma_wait3A_73 : memref<10000x64xf32, #tpu.memory_space<hbm>>) dst(%arg17 : memref<128x64xf32, #tpu.memory_space<vmem>>)
    %dma_wait3A_74 = arith.constant 2 : i32
    %dma_wait3A_75 = arith.constant 0 : i32
    %dma_wait3A_76 = tpu.memref_slice %arg10[%dma_wait3A_74, %dma_wait3A_75] : memref<160x128xi32, #tpu.memory_space<vmem>> -> memref<1x128xi32, #tpu.memory_space<vmem>>
    %dma_wait3A_77 = tpu.memref_squeeze %dma_wait3A_76 : memref<1x128xi32, #tpu.memory_space<vmem>> -> memref<128xi32, #tpu.memory_space<vmem>>
    %dma_wait3A_78 = arith.constant 0 : i32
    %dma_wait3A_79 = arith.constant 0 : i32
    %dma_wait3A_80 = tpu.memref_slice %arg2[%dma_wait3A_78, %dma_wait3A_79] : memref<10000x64xf32, #tpu.memory_space<hbm>> -> memref<10000x64xf32, #tpu.memory_space<hbm>>
    tpu.wait_indirect_dma semaphore(%arg22 : memref<!tpu.dma_semaphore, #tpu.memory_space<semaphore_mem>>) src(%dma_wait3A_80 : memref<10000x64xf32, #tpu.memory_space<hbm>>) dst(%arg18 : memref<128x64xf32, #tpu.memory_space<vmem>>)
    %dma_wait3A_81 = arith.constant 3 : i32
    %dma_wait3A_82 = arith.constant 0 : i32
    %dma_wait3A_83 = tpu.memref_slice %arg10[%dma_wait3A_81, %dma_wait3A_82] : memref<160x128xi32, #tpu.memory_space<vmem>> -> memref<1x128xi32, #tpu.memory_space<vmem>>
    %dma_wait3A_84 = tpu.memref_squeeze %dma_wait3A_83 : memref<1x128xi32, #tpu.memory_space<vmem>> -> memref<128xi32, #tpu.memory_space<vmem>>
    %dma_wait3A_85 = arith.constant 0 : i32
    %dma_wait3A_86 = arith.constant 0 : i32
    %dma_wait3A_87 = tpu.memref_slice %arg2[%dma_wait3A_85, %dma_wait3A_86] : memref<10000x64xf32, #tpu.memory_space<hbm>> -> memref<10000x64xf32, #tpu.memory_space<hbm>>
    tpu.wait_indirect_dma semaphore(%arg23 : memref<!tpu.dma_semaphore, #tpu.memory_space<semaphore_mem>>) src(%dma_wait3A_87 : memref<10000x64xf32, #tpu.memory_space<hbm>>) dst(%arg19 : memref<128x64xf32, #tpu.memory_space<vmem>>)
    %barrier3A_88 = arith.constant 0 : index
    tpu.barrier barrier_id(%barrier3A_88)
    %mul3A_89 = arith.constant 640 : i32
    %mul3A_90 = arith.muli %arg1, %mul3A_89 : i32
    "tpu.region"() ({
      %run_scoped3A = tpu.sem_alloc : memref<!tpu.dma_semaphore, #tpu.memory_space<semaphore_mem>>
      %dma_start3A_91 = arith.constant 0 : i32
      %dma_start3A_92 = tpu.memref_slice %arg8[%arg0, %mul3A_90, %dma_start3A_91] : memref<1x10240x64xf32, #tpu.memory_space<hbm>> -> memref<1x640x64xf32, #tpu.memory_space<hbm>>
      %dma_start3A_93 = tpu.memref_squeeze %dma_start3A_92 : memref<1x640x64xf32, #tpu.memory_space<hbm>> -> memref<640x64xf32, #tpu.memory_space<hbm>>
      %dma_start3A_94 = arith.constant 0 : i32
      %dma_start3A_95 = tpu.memref_slice %arg13[%mul3A_90, %dma_start3A_94] : memref<10240x64xf32, #tpu.memory_space<vmem_shared>> -> memref<640x64xf32, #tpu.memory_space<vmem_shared>>
      tpu.enqueue_dma source(%dma_start3A_95 : memref<640x64xf32, #tpu.memory_space<vmem_shared>>) target(%dma_start3A_93 : memref<640x64xf32, #tpu.memory_space<hbm>>) target_semaphore(%run_scoped3A : memref<!tpu.dma_semaphore, #tpu.memory_space<semaphore_mem>>)
      %dma_wait3A_96 = arith.constant 0 : i32
      %dma_wait3A_97 = tpu.memref_slice %arg8[%arg0, %mul3A_90, %dma_wait3A_96] : memref<1x10240x64xf32, #tpu.memory_space<hbm>> -> memref<1x640x64xf32, #tpu.memory_space<hbm>>
      %dma_wait3A_98 = tpu.memref_squeeze %dma_wait3A_97 : memref<1x640x64xf32, #tpu.memory_space<hbm>> -> memref<640x64xf32, #tpu.memory_space<hbm>>
      %dma_wait3A_99 = arith.constant 0 : i32
      %dma_wait3A_100 = tpu.memref_slice %arg13[%mul3A_90, %dma_wait3A_99] : memref<10240x64xf32, #tpu.memory_space<vmem_shared>> -> memref<640x64xf32, #tpu.memory_space<vmem_shared>>
      tpu.wait_dma2 semaphore(%run_scoped3A : memref<!tpu.dma_semaphore, #tpu.memory_space<semaphore_mem>>) src(%dma_wait3A_100 : memref<640x64xf32, #tpu.memory_space<vmem_shared>>) dst(%dma_wait3A_98 : memref<640x64xf32, #tpu.memory_space<hbm>>)
      tpu.yield
    }) : () -> ()
    "tpu.region"() ({
      %run_scoped3A = tpu.sem_alloc : memref<!tpu.dma_semaphore, #tpu.memory_space<semaphore_mem>>
      %dma_start3A_91 = arith.constant 0 : i32
      %dma_start3A_92 = tpu.memref_slice %arg9[%arg0, %mul3A_90, %dma_start3A_91] : memref<1x10240x16xf32, #tpu.memory_space<hbm>> -> memref<1x640x16xf32, #tpu.memory_space<hbm>>
      %dma_start3A_93 = tpu.memref_squeeze %dma_start3A_92 : memref<1x640x16xf32, #tpu.memory_space<hbm>> -> memref<640x16xf32, #tpu.memory_space<hbm>>
      %dma_start3A_94 = arith.constant 0 : i32
      %dma_start3A_95 = tpu.memref_slice %arg14[%mul3A_90, %dma_start3A_94] : memref<10240x16xf32, #tpu.memory_space<vmem_shared>> -> memref<640x16xf32, #tpu.memory_space<vmem_shared>>
      tpu.enqueue_dma source(%dma_start3A_95 : memref<640x16xf32, #tpu.memory_space<vmem_shared>>) target(%dma_start3A_93 : memref<640x16xf32, #tpu.memory_space<hbm>>) target_semaphore(%run_scoped3A : memref<!tpu.dma_semaphore, #tpu.memory_space<semaphore_mem>>)
      %dma_wait3A_96 = arith.constant 0 : i32
      %dma_wait3A_97 = tpu.memref_slice %arg9[%arg0, %mul3A_90, %dma_wait3A_96] : memref<1x10240x16xf32, #tpu.memory_space<hbm>> -> memref<1x640x16xf32, #tpu.memory_space<hbm>>
      %dma_wait3A_98 = tpu.memref_squeeze %dma_wait3A_97 : memref<1x640x16xf32, #tpu.memory_space<hbm>> -> memref<640x16xf32, #tpu.memory_space<hbm>>
      %dma_wait3A_99 = arith.constant 0 : i32
      %dma_wait3A_100 = tpu.memref_slice %arg14[%mul3A_90, %dma_wait3A_99] : memref<10240x16xf32, #tpu.memory_space<vmem_shared>> -> memref<640x16xf32, #tpu.memory_space<vmem_shared>>
      tpu.wait_dma2 semaphore(%run_scoped3A : memref<!tpu.dma_semaphore, #tpu.memory_space<semaphore_mem>>) src(%dma_wait3A_100 : memref<640x16xf32, #tpu.memory_space<vmem_shared>>) dst(%dma_wait3A_98 : memref<640x16xf32, #tpu.memory_space<hbm>>)
      tpu.yield
    }) : () -> ()
    return
  }
}

#map = affine_map<(d0, d1) -> (0, 0)>
#map1 = affine_map<(d0, d1) -> (0, 0, 0)>
module attributes {stable_mosaic.version = 14 : i64} {
  func.func @_sc_agg_body(%arg0: i32, %arg1: i32, %arg2: memref<10000x32xf32, #tpu.memory_space<hbm>>, %arg3: memref<2560x128xi32, #tpu.memory_space<hbm>>, %arg4: memref<2560x128xi32, #tpu.memory_space<hbm>>, %arg5: memref<1x640x32xf32, #tpu.memory_space<hbm>>, %arg6: memref<1x10240x32xf32, #tpu.memory_space<hbm>>, %arg7: memref<160x128xi32, #tpu.memory_space<vmem>>, %arg8: memref<160x128xi32, #tpu.memory_space<vmem>>, %arg9: memref<10240x32xf32, #tpu.memory_space<vmem_shared>>, %arg10: memref<128x32xf32, #tpu.memory_space<vmem>>, %arg11: memref<128x32xf32, #tpu.memory_space<vmem>>, %arg12: memref<128x32xf32, #tpu.memory_space<vmem>>, %arg13: memref<128x32xf32, #tpu.memory_space<vmem>>, %arg14: memref<128x32xf32, #tpu.memory_space<vmem>>, %arg15: memref<128x32xf32, #tpu.memory_space<vmem>>, %arg16: memref<128x32xf32, #tpu.memory_space<vmem>>, %arg17: memref<128x32xf32, #tpu.memory_space<vmem>>, %arg18: memref<!tpu.dma_semaphore, #tpu.memory_space<semaphore_mem>>, %arg19: memref<!tpu.dma_semaphore, #tpu.memory_space<semaphore_mem>>, %arg20: memref<!tpu.dma_semaphore, #tpu.memory_space<semaphore_mem>>, %arg21: memref<!tpu.dma_semaphore, #tpu.memory_space<semaphore_mem>>, %arg22: memref<!tpu.dma_semaphore, #tpu.memory_space<semaphore_mem>>, %arg23: memref<!tpu.dma_semaphore, #tpu.memory_space<semaphore_mem>>, %arg24: memref<!tpu.dma_semaphore, #tpu.memory_space<semaphore_mem>>, %arg25: memref<!tpu.dma_semaphore, #tpu.memory_space<semaphore_mem>>) attributes {dimension_semantics = [#tpu.dimension_semantics<core_parallel>, #tpu.dimension_semantics<subcore_parallel>], iteration_bounds = array<i64: 1, 16>, scalar_prefetch = 0 : i64, scratch_operands = 19 : i64, tpu.core_type = #tpu.core_type<sc_vector_subcore>, window_params = [{transform_indices = #map}, {transform_indices = #map}, {transform_indices = #map}, {transform_indices = #map1}, {transform_indices = #map1}]} {
    %mul3A = arith.constant 160 : i32
    %mul3A_0 = arith.muli %arg1, %mul3A : i32
    %mul3A_1 = arith.constant 640 : i32
    %mul3A_2 = arith.muli %arg1, %mul3A_1 : i32
    "tpu.region"() ({
      %run_scoped3A = tpu.sem_alloc : memref<!tpu.dma_semaphore, #tpu.memory_space<semaphore_mem>>
      %dma_start3A_173 = arith.constant 0 : i32
      %dma_start3A_174 = tpu.memref_slice %arg9[%mul3A_2, %dma_start3A_173] : memref<10240x32xf32, #tpu.memory_space<vmem_shared>> -> memref<640x32xf32, #tpu.memory_space<vmem_shared>>
      %dma_start3A_175 = arith.constant 0 : i32
      %dma_start3A_176 = arith.constant 0 : i32
      %dma_start3A_177 = tpu.memref_slice %arg5[%arg0, %dma_start3A_175, %dma_start3A_176] : memref<1x640x32xf32, #tpu.memory_space<hbm>> -> memref<1x640x32xf32, #tpu.memory_space<hbm>>
      %dma_start3A_178 = tpu.memref_squeeze %dma_start3A_177 : memref<1x640x32xf32, #tpu.memory_space<hbm>> -> memref<640x32xf32, #tpu.memory_space<hbm>>
      tpu.enqueue_dma source(%dma_start3A_178 : memref<640x32xf32, #tpu.memory_space<hbm>>) target(%dma_start3A_174 : memref<640x32xf32, #tpu.memory_space<vmem_shared>>) target_semaphore(%run_scoped3A : memref<!tpu.dma_semaphore, #tpu.memory_space<semaphore_mem>>)
      %dma_wait3A_179 = arith.constant 0 : i32
      %dma_wait3A_180 = tpu.memref_slice %arg9[%mul3A_2, %dma_wait3A_179] : memref<10240x32xf32, #tpu.memory_space<vmem_shared>> -> memref<640x32xf32, #tpu.memory_space<vmem_shared>>
      %dma_wait3A_181 = arith.constant 0 : i32
      %dma_wait3A_182 = arith.constant 0 : i32
      %dma_wait3A_183 = tpu.memref_slice %arg5[%arg0, %dma_wait3A_181, %dma_wait3A_182] : memref<1x640x32xf32, #tpu.memory_space<hbm>> -> memref<1x640x32xf32, #tpu.memory_space<hbm>>
      %dma_wait3A_184 = tpu.memref_squeeze %dma_wait3A_183 : memref<1x640x32xf32, #tpu.memory_space<hbm>> -> memref<640x32xf32, #tpu.memory_space<hbm>>
      tpu.wait_dma2 semaphore(%run_scoped3A : memref<!tpu.dma_semaphore, #tpu.memory_space<semaphore_mem>>) src(%dma_wait3A_184 : memref<640x32xf32, #tpu.memory_space<hbm>>) dst(%dma_wait3A_180 : memref<640x32xf32, #tpu.memory_space<vmem_shared>>)
      tpu.yield
    }) : () -> ()
    "tpu.region"() ({
      %run_scoped3A = tpu.sem_alloc : memref<!tpu.dma_semaphore, #tpu.memory_space<semaphore_mem>>
      %dma_start3A_173 = arith.constant 0 : i32
      %dma_start3A_174 = tpu.memref_slice %arg3[%mul3A_0, %dma_start3A_173] : memref<2560x128xi32, #tpu.memory_space<hbm>> -> memref<160x128xi32, #tpu.memory_space<hbm>>
      %dma_start3A_175 = arith.constant 0 : i32
      %dma_start3A_176 = tpu.memref_slice %arg3[%mul3A_0, %dma_start3A_175] : memref<2560x128xi32, #tpu.memory_space<hbm>> -> memref<160x128xi32, #tpu.memory_space<hbm>>
      tpu.enqueue_dma source(%dma_start3A_176 : memref<160x128xi32, #tpu.memory_space<hbm>>) target(%arg7 : memref<160x128xi32, #tpu.memory_space<vmem>>) target_semaphore(%run_scoped3A : memref<!tpu.dma_semaphore, #tpu.memory_space<semaphore_mem>>)
      %dma_wait3A_177 = arith.constant 0 : i32
      %dma_wait3A_178 = tpu.memref_slice %arg3[%mul3A_0, %dma_wait3A_177] : memref<2560x128xi32, #tpu.memory_space<hbm>> -> memref<160x128xi32, #tpu.memory_space<hbm>>
      %dma_wait3A_179 = arith.constant 0 : i32
      %dma_wait3A_180 = tpu.memref_slice %arg3[%mul3A_0, %dma_wait3A_179] : memref<2560x128xi32, #tpu.memory_space<hbm>> -> memref<160x128xi32, #tpu.memory_space<hbm>>
      tpu.wait_dma2 semaphore(%run_scoped3A : memref<!tpu.dma_semaphore, #tpu.memory_space<semaphore_mem>>) src(%dma_wait3A_180 : memref<160x128xi32, #tpu.memory_space<hbm>>) dst(%arg7 : memref<160x128xi32, #tpu.memory_space<vmem>>)
      tpu.yield
    }) : () -> ()
    "tpu.region"() ({
      %run_scoped3A = tpu.sem_alloc : memref<!tpu.dma_semaphore, #tpu.memory_space<semaphore_mem>>
      %dma_start3A_173 = arith.constant 0 : i32
      %dma_start3A_174 = tpu.memref_slice %arg4[%mul3A_0, %dma_start3A_173] : memref<2560x128xi32, #tpu.memory_space<hbm>> -> memref<160x128xi32, #tpu.memory_space<hbm>>
      %dma_start3A_175 = arith.constant 0 : i32
      %dma_start3A_176 = tpu.memref_slice %arg4[%mul3A_0, %dma_start3A_175] : memref<2560x128xi32, #tpu.memory_space<hbm>> -> memref<160x128xi32, #tpu.memory_space<hbm>>
      tpu.enqueue_dma source(%dma_start3A_176 : memref<160x128xi32, #tpu.memory_space<hbm>>) target(%arg8 : memref<160x128xi32, #tpu.memory_space<vmem>>) target_semaphore(%run_scoped3A : memref<!tpu.dma_semaphore, #tpu.memory_space<semaphore_mem>>)
      %dma_wait3A_177 = arith.constant 0 : i32
      %dma_wait3A_178 = tpu.memref_slice %arg4[%mul3A_0, %dma_wait3A_177] : memref<2560x128xi32, #tpu.memory_space<hbm>> -> memref<160x128xi32, #tpu.memory_space<hbm>>
      %dma_wait3A_179 = arith.constant 0 : i32
      %dma_wait3A_180 = tpu.memref_slice %arg4[%mul3A_0, %dma_wait3A_179] : memref<2560x128xi32, #tpu.memory_space<hbm>> -> memref<160x128xi32, #tpu.memory_space<hbm>>
      tpu.wait_dma2 semaphore(%run_scoped3A : memref<!tpu.dma_semaphore, #tpu.memory_space<semaphore_mem>>) src(%dma_wait3A_180 : memref<160x128xi32, #tpu.memory_space<hbm>>) dst(%arg8 : memref<160x128xi32, #tpu.memory_space<vmem>>)
      tpu.yield
    }) : () -> ()
    %barrier3A = arith.constant 0 : index
    tpu.barrier barrier_id(%barrier3A)
    %ge3A = arith.constant 0 : i32
    %ge3A_3 = arith.constant 160 : i32
    %ge3A_4 = arith.cmpi sge, %ge3A, %ge3A_3 : i32
    %sub3A = arith.constant 0 : i32
    %sub3A_5 = arith.constant 160 : i32
    %sub3A_6 = arith.subi %sub3A, %sub3A_5 : i32
    %jit3A = arith.constant 0 : i32
    %select_n3A = arith.select %ge3A_4, %sub3A_6, %jit3A : i32
    %dma_start3A = arith.constant 0 : i32
    %dma_start3A_7 = tpu.memref_slice %arg7[%select_n3A, %dma_start3A] : memref<160x128xi32, #tpu.memory_space<vmem>> -> memref<1x128xi32, #tpu.memory_space<vmem>>
    %dma_start3A_8 = tpu.memref_squeeze %dma_start3A_7 : memref<1x128xi32, #tpu.memory_space<vmem>> -> memref<128xi32, #tpu.memory_space<vmem>>
    %dma_start3A_9 = arith.constant 0 : i32
    %dma_start3A_10 = arith.constant 0 : i32
    %dma_start3A_11 = tpu.memref_slice %arg2[%dma_start3A_9, %dma_start3A_10] : memref<10000x32xf32, #tpu.memory_space<hbm>> -> memref<10000x32xf32, #tpu.memory_space<hbm>>
    tpu.enqueue_indirect_dma source(%dma_start3A_11 : memref<10000x32xf32, #tpu.memory_space<hbm>>) target(%arg10 : memref<128x32xf32, #tpu.memory_space<vmem>>) offsets(%dma_start3A_8 : memref<128xi32, #tpu.memory_space<vmem>>) semaphore(%arg18 : memref<!tpu.dma_semaphore, #tpu.memory_space<semaphore_mem>>)
    %ge3A_12 = arith.constant 1 : i32
    %ge3A_13 = arith.constant 160 : i32
    %ge3A_14 = arith.cmpi sge, %ge3A_12, %ge3A_13 : i32
    %sub3A_15 = arith.constant 1 : i32
    %sub3A_16 = arith.constant 160 : i32
    %sub3A_17 = arith.subi %sub3A_15, %sub3A_16 : i32
    %jit3A_18 = arith.constant 1 : i32
    %select_n3A_19 = arith.select %ge3A_14, %sub3A_17, %jit3A_18 : i32
    %dma_start3A_20 = arith.constant 0 : i32
    %dma_start3A_21 = tpu.memref_slice %arg7[%select_n3A_19, %dma_start3A_20] : memref<160x128xi32, #tpu.memory_space<vmem>> -> memref<1x128xi32, #tpu.memory_space<vmem>>
    %dma_start3A_22 = tpu.memref_squeeze %dma_start3A_21 : memref<1x128xi32, #tpu.memory_space<vmem>> -> memref<128xi32, #tpu.memory_space<vmem>>
    %dma_start3A_23 = arith.constant 0 : i32
    %dma_start3A_24 = arith.constant 0 : i32
    %dma_start3A_25 = tpu.memref_slice %arg2[%dma_start3A_23, %dma_start3A_24] : memref<10000x32xf32, #tpu.memory_space<hbm>> -> memref<10000x32xf32, #tpu.memory_space<hbm>>
    tpu.enqueue_indirect_dma source(%dma_start3A_25 : memref<10000x32xf32, #tpu.memory_space<hbm>>) target(%arg11 : memref<128x32xf32, #tpu.memory_space<vmem>>) offsets(%dma_start3A_22 : memref<128xi32, #tpu.memory_space<vmem>>) semaphore(%arg19 : memref<!tpu.dma_semaphore, #tpu.memory_space<semaphore_mem>>)
    %ge3A_26 = arith.constant 2 : i32
    %ge3A_27 = arith.constant 160 : i32
    %ge3A_28 = arith.cmpi sge, %ge3A_26, %ge3A_27 : i32
    %sub3A_29 = arith.constant 2 : i32
    %sub3A_30 = arith.constant 160 : i32
    %sub3A_31 = arith.subi %sub3A_29, %sub3A_30 : i32
    %jit3A_32 = arith.constant 2 : i32
    %select_n3A_33 = arith.select %ge3A_28, %sub3A_31, %jit3A_32 : i32
    %dma_start3A_34 = arith.constant 0 : i32
    %dma_start3A_35 = tpu.memref_slice %arg7[%select_n3A_33, %dma_start3A_34] : memref<160x128xi32, #tpu.memory_space<vmem>> -> memref<1x128xi32, #tpu.memory_space<vmem>>
    %dma_start3A_36 = tpu.memref_squeeze %dma_start3A_35 : memref<1x128xi32, #tpu.memory_space<vmem>> -> memref<128xi32, #tpu.memory_space<vmem>>
    %dma_start3A_37 = arith.constant 0 : i32
    %dma_start3A_38 = arith.constant 0 : i32
    %dma_start3A_39 = tpu.memref_slice %arg2[%dma_start3A_37, %dma_start3A_38] : memref<10000x32xf32, #tpu.memory_space<hbm>> -> memref<10000x32xf32, #tpu.memory_space<hbm>>
    tpu.enqueue_indirect_dma source(%dma_start3A_39 : memref<10000x32xf32, #tpu.memory_space<hbm>>) target(%arg12 : memref<128x32xf32, #tpu.memory_space<vmem>>) offsets(%dma_start3A_36 : memref<128xi32, #tpu.memory_space<vmem>>) semaphore(%arg20 : memref<!tpu.dma_semaphore, #tpu.memory_space<semaphore_mem>>)
    %ge3A_40 = arith.constant 3 : i32
    %ge3A_41 = arith.constant 160 : i32
    %ge3A_42 = arith.cmpi sge, %ge3A_40, %ge3A_41 : i32
    %sub3A_43 = arith.constant 3 : i32
    %sub3A_44 = arith.constant 160 : i32
    %sub3A_45 = arith.subi %sub3A_43, %sub3A_44 : i32
    %jit3A_46 = arith.constant 3 : i32
    %select_n3A_47 = arith.select %ge3A_42, %sub3A_45, %jit3A_46 : i32
    %dma_start3A_48 = arith.constant 0 : i32
    %dma_start3A_49 = tpu.memref_slice %arg7[%select_n3A_47, %dma_start3A_48] : memref<160x128xi32, #tpu.memory_space<vmem>> -> memref<1x128xi32, #tpu.memory_space<vmem>>
    %dma_start3A_50 = tpu.memref_squeeze %dma_start3A_49 : memref<1x128xi32, #tpu.memory_space<vmem>> -> memref<128xi32, #tpu.memory_space<vmem>>
    %dma_start3A_51 = arith.constant 0 : i32
    %dma_start3A_52 = arith.constant 0 : i32
    %dma_start3A_53 = tpu.memref_slice %arg2[%dma_start3A_51, %dma_start3A_52] : memref<10000x32xf32, #tpu.memory_space<hbm>> -> memref<10000x32xf32, #tpu.memory_space<hbm>>
    tpu.enqueue_indirect_dma source(%dma_start3A_53 : memref<10000x32xf32, #tpu.memory_space<hbm>>) target(%arg13 : memref<128x32xf32, #tpu.memory_space<vmem>>) offsets(%dma_start3A_50 : memref<128xi32, #tpu.memory_space<vmem>>) semaphore(%arg21 : memref<!tpu.dma_semaphore, #tpu.memory_space<semaphore_mem>>)
    %ge3A_54 = arith.constant 4 : i32
    %ge3A_55 = arith.constant 160 : i32
    %ge3A_56 = arith.cmpi sge, %ge3A_54, %ge3A_55 : i32
    %sub3A_57 = arith.constant 4 : i32
    %sub3A_58 = arith.constant 160 : i32
    %sub3A_59 = arith.subi %sub3A_57, %sub3A_58 : i32
    %jit3A_60 = arith.constant 4 : i32
    %select_n3A_61 = arith.select %ge3A_56, %sub3A_59, %jit3A_60 : i32
    %dma_start3A_62 = arith.constant 0 : i32
    %dma_start3A_63 = tpu.memref_slice %arg7[%select_n3A_61, %dma_start3A_62] : memref<160x128xi32, #tpu.memory_space<vmem>> -> memref<1x128xi32, #tpu.memory_space<vmem>>
    %dma_start3A_64 = tpu.memref_squeeze %dma_start3A_63 : memref<1x128xi32, #tpu.memory_space<vmem>> -> memref<128xi32, #tpu.memory_space<vmem>>
    %dma_start3A_65 = arith.constant 0 : i32
    %dma_start3A_66 = arith.constant 0 : i32
    %dma_start3A_67 = tpu.memref_slice %arg2[%dma_start3A_65, %dma_start3A_66] : memref<10000x32xf32, #tpu.memory_space<hbm>> -> memref<10000x32xf32, #tpu.memory_space<hbm>>
    tpu.enqueue_indirect_dma source(%dma_start3A_67 : memref<10000x32xf32, #tpu.memory_space<hbm>>) target(%arg14 : memref<128x32xf32, #tpu.memory_space<vmem>>) offsets(%dma_start3A_64 : memref<128xi32, #tpu.memory_space<vmem>>) semaphore(%arg22 : memref<!tpu.dma_semaphore, #tpu.memory_space<semaphore_mem>>)
    %ge3A_68 = arith.constant 5 : i32
    %ge3A_69 = arith.constant 160 : i32
    %ge3A_70 = arith.cmpi sge, %ge3A_68, %ge3A_69 : i32
    %sub3A_71 = arith.constant 5 : i32
    %sub3A_72 = arith.constant 160 : i32
    %sub3A_73 = arith.subi %sub3A_71, %sub3A_72 : i32
    %jit3A_74 = arith.constant 5 : i32
    %select_n3A_75 = arith.select %ge3A_70, %sub3A_73, %jit3A_74 : i32
    %dma_start3A_76 = arith.constant 0 : i32
    %dma_start3A_77 = tpu.memref_slice %arg7[%select_n3A_75, %dma_start3A_76] : memref<160x128xi32, #tpu.memory_space<vmem>> -> memref<1x128xi32, #tpu.memory_space<vmem>>
    %dma_start3A_78 = tpu.memref_squeeze %dma_start3A_77 : memref<1x128xi32, #tpu.memory_space<vmem>> -> memref<128xi32, #tpu.memory_space<vmem>>
    %dma_start3A_79 = arith.constant 0 : i32
    %dma_start3A_80 = arith.constant 0 : i32
    %dma_start3A_81 = tpu.memref_slice %arg2[%dma_start3A_79, %dma_start3A_80] : memref<10000x32xf32, #tpu.memory_space<hbm>> -> memref<10000x32xf32, #tpu.memory_space<hbm>>
    tpu.enqueue_indirect_dma source(%dma_start3A_81 : memref<10000x32xf32, #tpu.memory_space<hbm>>) target(%arg15 : memref<128x32xf32, #tpu.memory_space<vmem>>) offsets(%dma_start3A_78 : memref<128xi32, #tpu.memory_space<vmem>>) semaphore(%arg23 : memref<!tpu.dma_semaphore, #tpu.memory_space<semaphore_mem>>)
    %ge3A_82 = arith.constant 6 : i32
    %ge3A_83 = arith.constant 160 : i32
    %ge3A_84 = arith.cmpi sge, %ge3A_82, %ge3A_83 : i32
    %sub3A_85 = arith.constant 6 : i32
    %sub3A_86 = arith.constant 160 : i32
    %sub3A_87 = arith.subi %sub3A_85, %sub3A_86 : i32
    %jit3A_88 = arith.constant 6 : i32
    %select_n3A_89 = arith.select %ge3A_84, %sub3A_87, %jit3A_88 : i32
    %dma_start3A_90 = arith.constant 0 : i32
    %dma_start3A_91 = tpu.memref_slice %arg7[%select_n3A_89, %dma_start3A_90] : memref<160x128xi32, #tpu.memory_space<vmem>> -> memref<1x128xi32, #tpu.memory_space<vmem>>
    %dma_start3A_92 = tpu.memref_squeeze %dma_start3A_91 : memref<1x128xi32, #tpu.memory_space<vmem>> -> memref<128xi32, #tpu.memory_space<vmem>>
    %dma_start3A_93 = arith.constant 0 : i32
    %dma_start3A_94 = arith.constant 0 : i32
    %dma_start3A_95 = tpu.memref_slice %arg2[%dma_start3A_93, %dma_start3A_94] : memref<10000x32xf32, #tpu.memory_space<hbm>> -> memref<10000x32xf32, #tpu.memory_space<hbm>>
    tpu.enqueue_indirect_dma source(%dma_start3A_95 : memref<10000x32xf32, #tpu.memory_space<hbm>>) target(%arg16 : memref<128x32xf32, #tpu.memory_space<vmem>>) offsets(%dma_start3A_92 : memref<128xi32, #tpu.memory_space<vmem>>) semaphore(%arg24 : memref<!tpu.dma_semaphore, #tpu.memory_space<semaphore_mem>>)
    %ge3A_96 = arith.constant 7 : i32
    %ge3A_97 = arith.constant 160 : i32
    %ge3A_98 = arith.cmpi sge, %ge3A_96, %ge3A_97 : i32
    %sub3A_99 = arith.constant 7 : i32
    %sub3A_100 = arith.constant 160 : i32
    %sub3A_101 = arith.subi %sub3A_99, %sub3A_100 : i32
    %jit3A_102 = arith.constant 7 : i32
    %select_n3A_103 = arith.select %ge3A_98, %sub3A_101, %jit3A_102 : i32
    %dma_start3A_104 = arith.constant 0 : i32
    %dma_start3A_105 = tpu.memref_slice %arg7[%select_n3A_103, %dma_start3A_104] : memref<160x128xi32, #tpu.memory_space<vmem>> -> memref<1x128xi32, #tpu.memory_space<vmem>>
    %dma_start3A_106 = tpu.memref_squeeze %dma_start3A_105 : memref<1x128xi32, #tpu.memory_space<vmem>> -> memref<128xi32, #tpu.memory_space<vmem>>
    %dma_start3A_107 = arith.constant 0 : i32
    %dma_start3A_108 = arith.constant 0 : i32
    %dma_start3A_109 = tpu.memref_slice %arg2[%dma_start3A_107, %dma_start3A_108] : memref<10000x32xf32, #tpu.memory_space<hbm>> -> memref<10000x32xf32, #tpu.memory_space<hbm>>
    tpu.enqueue_indirect_dma source(%dma_start3A_109 : memref<10000x32xf32, #tpu.memory_space<hbm>>) target(%arg17 : memref<128x32xf32, #tpu.memory_space<vmem>>) offsets(%dma_start3A_106 : memref<128xi32, #tpu.memory_space<vmem>>) semaphore(%arg25 : memref<!tpu.dma_semaphore, #tpu.memory_space<semaphore_mem>>)
    %scan3A = arith.constant 0 : i32
    %scan3A_110 = arith.constant 0 : i32
    %scan3A_111 = arith.constant 20 : i32
    %scan3A_112 = arith.addi %scan3A_110, %scan3A_111 : i32
    %scan3A_113 = arith.constant 1 : i32
    scf.for %scan3A_173 = %scan3A_110 to %scan3A_112 step %scan3A_113  : i32 {
      %mul3A_174 = arith.constant 8 : i32
      %mul3A_175 = arith.muli %scan3A_173, %mul3A_174 : i32
      %add3A = arith.constant 0 : i32
      %add3A_176 = arith.addi %mul3A_175, %add3A : i32
      %dma_wait3A_177 = arith.constant 0 : i32
      %dma_wait3A_178 = tpu.memref_slice %arg7[%add3A_176, %dma_wait3A_177] : memref<160x128xi32, #tpu.memory_space<vmem>> -> memref<1x128xi32, #tpu.memory_space<vmem>>
      %dma_wait3A_179 = tpu.memref_squeeze %dma_wait3A_178 : memref<1x128xi32, #tpu.memory_space<vmem>> -> memref<128xi32, #tpu.memory_space<vmem>>
      %dma_wait3A_180 = arith.constant 0 : i32
      %dma_wait3A_181 = arith.constant 0 : i32
      %dma_wait3A_182 = tpu.memref_slice %arg2[%dma_wait3A_180, %dma_wait3A_181] : memref<10000x32xf32, #tpu.memory_space<hbm>> -> memref<10000x32xf32, #tpu.memory_space<hbm>>
      tpu.wait_indirect_dma semaphore(%arg18 : memref<!tpu.dma_semaphore, #tpu.memory_space<semaphore_mem>>) src(%dma_wait3A_182 : memref<10000x32xf32, #tpu.memory_space<hbm>>) dst(%arg10 : memref<128x32xf32, #tpu.memory_space<vmem>>)
      "tpu.region"() ({
        %run_scoped3A = tpu.sem_alloc : memref<!tpu.dma_semaphore, #tpu.memory_space<semaphore_mem>>
        %dma_start3A_343 = arith.constant 0 : i32
        %dma_start3A_344 = tpu.memref_slice %arg8[%add3A_176, %dma_start3A_343] : memref<160x128xi32, #tpu.memory_space<vmem>> -> memref<1x128xi32, #tpu.memory_space<vmem>>
        %dma_start3A_345 = tpu.memref_squeeze %dma_start3A_344 : memref<1x128xi32, #tpu.memory_space<vmem>> -> memref<128xi32, #tpu.memory_space<vmem>>
        %dma_start3A_346 = arith.constant 0 : i32
        %dma_start3A_347 = arith.constant 0 : i32
        %dma_start3A_348 = tpu.memref_slice %arg9[%dma_start3A_346, %dma_start3A_347] : memref<10240x32xf32, #tpu.memory_space<vmem_shared>> -> memref<10240x32xf32, #tpu.memory_space<vmem_shared>>
        tpu.enqueue_indirect_dma source(%arg10 : memref<128x32xf32, #tpu.memory_space<vmem>>) target(%dma_start3A_348 : memref<10240x32xf32, #tpu.memory_space<vmem_shared>>) offsets(%dma_start3A_345 : memref<128xi32, #tpu.memory_space<vmem>>) semaphore(%run_scoped3A : memref<!tpu.dma_semaphore, #tpu.memory_space<semaphore_mem>>) {add = true}
        %dma_wait3A_349 = arith.constant 0 : i32
        %dma_wait3A_350 = tpu.memref_slice %arg8[%add3A_176, %dma_wait3A_349] : memref<160x128xi32, #tpu.memory_space<vmem>> -> memref<1x128xi32, #tpu.memory_space<vmem>>
        %dma_wait3A_351 = tpu.memref_squeeze %dma_wait3A_350 : memref<1x128xi32, #tpu.memory_space<vmem>> -> memref<128xi32, #tpu.memory_space<vmem>>
        %dma_wait3A_352 = arith.constant 0 : i32
        %dma_wait3A_353 = arith.constant 0 : i32
        %dma_wait3A_354 = tpu.memref_slice %arg9[%dma_wait3A_352, %dma_wait3A_353] : memref<10240x32xf32, #tpu.memory_space<vmem_shared>> -> memref<10240x32xf32, #tpu.memory_space<vmem_shared>>
        tpu.wait_indirect_dma semaphore(%run_scoped3A : memref<!tpu.dma_semaphore, #tpu.memory_space<semaphore_mem>>) src(%arg10 : memref<128x32xf32, #tpu.memory_space<vmem>>) dst(%dma_wait3A_354 : memref<10240x32xf32, #tpu.memory_space<vmem_shared>>)
        tpu.yield
      }) : () -> ()
      %add3A_183 = arith.constant 8 : i32
      %add3A_184 = arith.addi %add3A_176, %add3A_183 : i32
      %ge3A_185 = arith.constant 160 : i32
      %ge3A_186 = arith.cmpi sge, %add3A_184, %ge3A_185 : i32
      %sub3A_187 = arith.constant 160 : i32
      %sub3A_188 = arith.subi %add3A_184, %sub3A_187 : i32
      %select_n3A_189 = arith.select %ge3A_186, %sub3A_188, %add3A_184 : i32
      %dma_start3A_190 = arith.constant 0 : i32
      %dma_start3A_191 = tpu.memref_slice %arg7[%select_n3A_189, %dma_start3A_190] : memref<160x128xi32, #tpu.memory_space<vmem>> -> memref<1x128xi32, #tpu.memory_space<vmem>>
      %dma_start3A_192 = tpu.memref_squeeze %dma_start3A_191 : memref<1x128xi32, #tpu.memory_space<vmem>> -> memref<128xi32, #tpu.memory_space<vmem>>
      %dma_start3A_193 = arith.constant 0 : i32
      %dma_start3A_194 = arith.constant 0 : i32
      %dma_start3A_195 = tpu.memref_slice %arg2[%dma_start3A_193, %dma_start3A_194] : memref<10000x32xf32, #tpu.memory_space<hbm>> -> memref<10000x32xf32, #tpu.memory_space<hbm>>
      tpu.enqueue_indirect_dma source(%dma_start3A_195 : memref<10000x32xf32, #tpu.memory_space<hbm>>) target(%arg10 : memref<128x32xf32, #tpu.memory_space<vmem>>) offsets(%dma_start3A_192 : memref<128xi32, #tpu.memory_space<vmem>>) semaphore(%arg18 : memref<!tpu.dma_semaphore, #tpu.memory_space<semaphore_mem>>)
      %add3A_196 = arith.constant 1 : i32
      %add3A_197 = arith.addi %mul3A_175, %add3A_196 : i32
      %dma_wait3A_198 = arith.constant 0 : i32
      %dma_wait3A_199 = tpu.memref_slice %arg7[%add3A_197, %dma_wait3A_198] : memref<160x128xi32, #tpu.memory_space<vmem>> -> memref<1x128xi32, #tpu.memory_space<vmem>>
      %dma_wait3A_200 = tpu.memref_squeeze %dma_wait3A_199 : memref<1x128xi32, #tpu.memory_space<vmem>> -> memref<128xi32, #tpu.memory_space<vmem>>
      %dma_wait3A_201 = arith.constant 0 : i32
      %dma_wait3A_202 = arith.constant 0 : i32
      %dma_wait3A_203 = tpu.memref_slice %arg2[%dma_wait3A_201, %dma_wait3A_202] : memref<10000x32xf32, #tpu.memory_space<hbm>> -> memref<10000x32xf32, #tpu.memory_space<hbm>>
      tpu.wait_indirect_dma semaphore(%arg19 : memref<!tpu.dma_semaphore, #tpu.memory_space<semaphore_mem>>) src(%dma_wait3A_203 : memref<10000x32xf32, #tpu.memory_space<hbm>>) dst(%arg11 : memref<128x32xf32, #tpu.memory_space<vmem>>)
      "tpu.region"() ({
        %run_scoped3A = tpu.sem_alloc : memref<!tpu.dma_semaphore, #tpu.memory_space<semaphore_mem>>
        %dma_start3A_343 = arith.constant 0 : i32
        %dma_start3A_344 = tpu.memref_slice %arg8[%add3A_197, %dma_start3A_343] : memref<160x128xi32, #tpu.memory_space<vmem>> -> memref<1x128xi32, #tpu.memory_space<vmem>>
        %dma_start3A_345 = tpu.memref_squeeze %dma_start3A_344 : memref<1x128xi32, #tpu.memory_space<vmem>> -> memref<128xi32, #tpu.memory_space<vmem>>
        %dma_start3A_346 = arith.constant 0 : i32
        %dma_start3A_347 = arith.constant 0 : i32
        %dma_start3A_348 = tpu.memref_slice %arg9[%dma_start3A_346, %dma_start3A_347] : memref<10240x32xf32, #tpu.memory_space<vmem_shared>> -> memref<10240x32xf32, #tpu.memory_space<vmem_shared>>
        tpu.enqueue_indirect_dma source(%arg11 : memref<128x32xf32, #tpu.memory_space<vmem>>) target(%dma_start3A_348 : memref<10240x32xf32, #tpu.memory_space<vmem_shared>>) offsets(%dma_start3A_345 : memref<128xi32, #tpu.memory_space<vmem>>) semaphore(%run_scoped3A : memref<!tpu.dma_semaphore, #tpu.memory_space<semaphore_mem>>) {add = true}
        %dma_wait3A_349 = arith.constant 0 : i32
        %dma_wait3A_350 = tpu.memref_slice %arg8[%add3A_197, %dma_wait3A_349] : memref<160x128xi32, #tpu.memory_space<vmem>> -> memref<1x128xi32, #tpu.memory_space<vmem>>
        %dma_wait3A_351 = tpu.memref_squeeze %dma_wait3A_350 : memref<1x128xi32, #tpu.memory_space<vmem>> -> memref<128xi32, #tpu.memory_space<vmem>>
        %dma_wait3A_352 = arith.constant 0 : i32
        %dma_wait3A_353 = arith.constant 0 : i32
        %dma_wait3A_354 = tpu.memref_slice %arg9[%dma_wait3A_352, %dma_wait3A_353] : memref<10240x32xf32, #tpu.memory_space<vmem_shared>> -> memref<10240x32xf32, #tpu.memory_space<vmem_shared>>
        tpu.wait_indirect_dma semaphore(%run_scoped3A : memref<!tpu.dma_semaphore, #tpu.memory_space<semaphore_mem>>) src(%arg11 : memref<128x32xf32, #tpu.memory_space<vmem>>) dst(%dma_wait3A_354 : memref<10240x32xf32, #tpu.memory_space<vmem_shared>>)
        tpu.yield
      }) : () -> ()
      %add3A_204 = arith.constant 8 : i32
      %add3A_205 = arith.addi %add3A_197, %add3A_204 : i32
      %ge3A_206 = arith.constant 160 : i32
      %ge3A_207 = arith.cmpi sge, %add3A_205, %ge3A_206 : i32
      %sub3A_208 = arith.constant 160 : i32
      %sub3A_209 = arith.subi %add3A_205, %sub3A_208 : i32
      %select_n3A_210 = arith.select %ge3A_207, %sub3A_209, %add3A_205 : i32
      %dma_start3A_211 = arith.constant 0 : i32
      %dma_start3A_212 = tpu.memref_slice %arg7[%select_n3A_210, %dma_start3A_211] : memref<160x128xi32, #tpu.memory_space<vmem>> -> memref<1x128xi32, #tpu.memory_space<vmem>>
      %dma_start3A_213 = tpu.memref_squeeze %dma_start3A_212 : memref<1x128xi32, #tpu.memory_space<vmem>> -> memref<128xi32, #tpu.memory_space<vmem>>
      %dma_start3A_214 = arith.constant 0 : i32
      %dma_start3A_215 = arith.constant 0 : i32
      %dma_start3A_216 = tpu.memref_slice %arg2[%dma_start3A_214, %dma_start3A_215] : memref<10000x32xf32, #tpu.memory_space<hbm>> -> memref<10000x32xf32, #tpu.memory_space<hbm>>
      tpu.enqueue_indirect_dma source(%dma_start3A_216 : memref<10000x32xf32, #tpu.memory_space<hbm>>) target(%arg11 : memref<128x32xf32, #tpu.memory_space<vmem>>) offsets(%dma_start3A_213 : memref<128xi32, #tpu.memory_space<vmem>>) semaphore(%arg19 : memref<!tpu.dma_semaphore, #tpu.memory_space<semaphore_mem>>)
      %add3A_217 = arith.constant 2 : i32
      %add3A_218 = arith.addi %mul3A_175, %add3A_217 : i32
      %dma_wait3A_219 = arith.constant 0 : i32
      %dma_wait3A_220 = tpu.memref_slice %arg7[%add3A_218, %dma_wait3A_219] : memref<160x128xi32, #tpu.memory_space<vmem>> -> memref<1x128xi32, #tpu.memory_space<vmem>>
      %dma_wait3A_221 = tpu.memref_squeeze %dma_wait3A_220 : memref<1x128xi32, #tpu.memory_space<vmem>> -> memref<128xi32, #tpu.memory_space<vmem>>
      %dma_wait3A_222 = arith.constant 0 : i32
      %dma_wait3A_223 = arith.constant 0 : i32
      %dma_wait3A_224 = tpu.memref_slice %arg2[%dma_wait3A_222, %dma_wait3A_223] : memref<10000x32xf32, #tpu.memory_space<hbm>> -> memref<10000x32xf32, #tpu.memory_space<hbm>>
      tpu.wait_indirect_dma semaphore(%arg20 : memref<!tpu.dma_semaphore, #tpu.memory_space<semaphore_mem>>) src(%dma_wait3A_224 : memref<10000x32xf32, #tpu.memory_space<hbm>>) dst(%arg12 : memref<128x32xf32, #tpu.memory_space<vmem>>)
      "tpu.region"() ({
        %run_scoped3A = tpu.sem_alloc : memref<!tpu.dma_semaphore, #tpu.memory_space<semaphore_mem>>
        %dma_start3A_343 = arith.constant 0 : i32
        %dma_start3A_344 = tpu.memref_slice %arg8[%add3A_218, %dma_start3A_343] : memref<160x128xi32, #tpu.memory_space<vmem>> -> memref<1x128xi32, #tpu.memory_space<vmem>>
        %dma_start3A_345 = tpu.memref_squeeze %dma_start3A_344 : memref<1x128xi32, #tpu.memory_space<vmem>> -> memref<128xi32, #tpu.memory_space<vmem>>
        %dma_start3A_346 = arith.constant 0 : i32
        %dma_start3A_347 = arith.constant 0 : i32
        %dma_start3A_348 = tpu.memref_slice %arg9[%dma_start3A_346, %dma_start3A_347] : memref<10240x32xf32, #tpu.memory_space<vmem_shared>> -> memref<10240x32xf32, #tpu.memory_space<vmem_shared>>
        tpu.enqueue_indirect_dma source(%arg12 : memref<128x32xf32, #tpu.memory_space<vmem>>) target(%dma_start3A_348 : memref<10240x32xf32, #tpu.memory_space<vmem_shared>>) offsets(%dma_start3A_345 : memref<128xi32, #tpu.memory_space<vmem>>) semaphore(%run_scoped3A : memref<!tpu.dma_semaphore, #tpu.memory_space<semaphore_mem>>) {add = true}
        %dma_wait3A_349 = arith.constant 0 : i32
        %dma_wait3A_350 = tpu.memref_slice %arg8[%add3A_218, %dma_wait3A_349] : memref<160x128xi32, #tpu.memory_space<vmem>> -> memref<1x128xi32, #tpu.memory_space<vmem>>
        %dma_wait3A_351 = tpu.memref_squeeze %dma_wait3A_350 : memref<1x128xi32, #tpu.memory_space<vmem>> -> memref<128xi32, #tpu.memory_space<vmem>>
        %dma_wait3A_352 = arith.constant 0 : i32
        %dma_wait3A_353 = arith.constant 0 : i32
        %dma_wait3A_354 = tpu.memref_slice %arg9[%dma_wait3A_352, %dma_wait3A_353] : memref<10240x32xf32, #tpu.memory_space<vmem_shared>> -> memref<10240x32xf32, #tpu.memory_space<vmem_shared>>
        tpu.wait_indirect_dma semaphore(%run_scoped3A : memref<!tpu.dma_semaphore, #tpu.memory_space<semaphore_mem>>) src(%arg12 : memref<128x32xf32, #tpu.memory_space<vmem>>) dst(%dma_wait3A_354 : memref<10240x32xf32, #tpu.memory_space<vmem_shared>>)
        tpu.yield
      }) : () -> ()
      %add3A_225 = arith.constant 8 : i32
      %add3A_226 = arith.addi %add3A_218, %add3A_225 : i32
      %ge3A_227 = arith.constant 160 : i32
      %ge3A_228 = arith.cmpi sge, %add3A_226, %ge3A_227 : i32
      %sub3A_229 = arith.constant 160 : i32
      %sub3A_230 = arith.subi %add3A_226, %sub3A_229 : i32
      %select_n3A_231 = arith.select %ge3A_228, %sub3A_230, %add3A_226 : i32
      %dma_start3A_232 = arith.constant 0 : i32
      %dma_start3A_233 = tpu.memref_slice %arg7[%select_n3A_231, %dma_start3A_232] : memref<160x128xi32, #tpu.memory_space<vmem>> -> memref<1x128xi32, #tpu.memory_space<vmem>>
      %dma_start3A_234 = tpu.memref_squeeze %dma_start3A_233 : memref<1x128xi32, #tpu.memory_space<vmem>> -> memref<128xi32, #tpu.memory_space<vmem>>
      %dma_start3A_235 = arith.constant 0 : i32
      %dma_start3A_236 = arith.constant 0 : i32
      %dma_start3A_237 = tpu.memref_slice %arg2[%dma_start3A_235, %dma_start3A_236] : memref<10000x32xf32, #tpu.memory_space<hbm>> -> memref<10000x32xf32, #tpu.memory_space<hbm>>
      tpu.enqueue_indirect_dma source(%dma_start3A_237 : memref<10000x32xf32, #tpu.memory_space<hbm>>) target(%arg12 : memref<128x32xf32, #tpu.memory_space<vmem>>) offsets(%dma_start3A_234 : memref<128xi32, #tpu.memory_space<vmem>>) semaphore(%arg20 : memref<!tpu.dma_semaphore, #tpu.memory_space<semaphore_mem>>)
      %add3A_238 = arith.constant 3 : i32
      %add3A_239 = arith.addi %mul3A_175, %add3A_238 : i32
      %dma_wait3A_240 = arith.constant 0 : i32
      %dma_wait3A_241 = tpu.memref_slice %arg7[%add3A_239, %dma_wait3A_240] : memref<160x128xi32, #tpu.memory_space<vmem>> -> memref<1x128xi32, #tpu.memory_space<vmem>>
      %dma_wait3A_242 = tpu.memref_squeeze %dma_wait3A_241 : memref<1x128xi32, #tpu.memory_space<vmem>> -> memref<128xi32, #tpu.memory_space<vmem>>
      %dma_wait3A_243 = arith.constant 0 : i32
      %dma_wait3A_244 = arith.constant 0 : i32
      %dma_wait3A_245 = tpu.memref_slice %arg2[%dma_wait3A_243, %dma_wait3A_244] : memref<10000x32xf32, #tpu.memory_space<hbm>> -> memref<10000x32xf32, #tpu.memory_space<hbm>>
      tpu.wait_indirect_dma semaphore(%arg21 : memref<!tpu.dma_semaphore, #tpu.memory_space<semaphore_mem>>) src(%dma_wait3A_245 : memref<10000x32xf32, #tpu.memory_space<hbm>>) dst(%arg13 : memref<128x32xf32, #tpu.memory_space<vmem>>)
      "tpu.region"() ({
        %run_scoped3A = tpu.sem_alloc : memref<!tpu.dma_semaphore, #tpu.memory_space<semaphore_mem>>
        %dma_start3A_343 = arith.constant 0 : i32
        %dma_start3A_344 = tpu.memref_slice %arg8[%add3A_239, %dma_start3A_343] : memref<160x128xi32, #tpu.memory_space<vmem>> -> memref<1x128xi32, #tpu.memory_space<vmem>>
        %dma_start3A_345 = tpu.memref_squeeze %dma_start3A_344 : memref<1x128xi32, #tpu.memory_space<vmem>> -> memref<128xi32, #tpu.memory_space<vmem>>
        %dma_start3A_346 = arith.constant 0 : i32
        %dma_start3A_347 = arith.constant 0 : i32
        %dma_start3A_348 = tpu.memref_slice %arg9[%dma_start3A_346, %dma_start3A_347] : memref<10240x32xf32, #tpu.memory_space<vmem_shared>> -> memref<10240x32xf32, #tpu.memory_space<vmem_shared>>
        tpu.enqueue_indirect_dma source(%arg13 : memref<128x32xf32, #tpu.memory_space<vmem>>) target(%dma_start3A_348 : memref<10240x32xf32, #tpu.memory_space<vmem_shared>>) offsets(%dma_start3A_345 : memref<128xi32, #tpu.memory_space<vmem>>) semaphore(%run_scoped3A : memref<!tpu.dma_semaphore, #tpu.memory_space<semaphore_mem>>) {add = true}
        %dma_wait3A_349 = arith.constant 0 : i32
        %dma_wait3A_350 = tpu.memref_slice %arg8[%add3A_239, %dma_wait3A_349] : memref<160x128xi32, #tpu.memory_space<vmem>> -> memref<1x128xi32, #tpu.memory_space<vmem>>
        %dma_wait3A_351 = tpu.memref_squeeze %dma_wait3A_350 : memref<1x128xi32, #tpu.memory_space<vmem>> -> memref<128xi32, #tpu.memory_space<vmem>>
        %dma_wait3A_352 = arith.constant 0 : i32
        %dma_wait3A_353 = arith.constant 0 : i32
        %dma_wait3A_354 = tpu.memref_slice %arg9[%dma_wait3A_352, %dma_wait3A_353] : memref<10240x32xf32, #tpu.memory_space<vmem_shared>> -> memref<10240x32xf32, #tpu.memory_space<vmem_shared>>
        tpu.wait_indirect_dma semaphore(%run_scoped3A : memref<!tpu.dma_semaphore, #tpu.memory_space<semaphore_mem>>) src(%arg13 : memref<128x32xf32, #tpu.memory_space<vmem>>) dst(%dma_wait3A_354 : memref<10240x32xf32, #tpu.memory_space<vmem_shared>>)
        tpu.yield
      }) : () -> ()
      %add3A_246 = arith.constant 8 : i32
      %add3A_247 = arith.addi %add3A_239, %add3A_246 : i32
      %ge3A_248 = arith.constant 160 : i32
      %ge3A_249 = arith.cmpi sge, %add3A_247, %ge3A_248 : i32
      %sub3A_250 = arith.constant 160 : i32
      %sub3A_251 = arith.subi %add3A_247, %sub3A_250 : i32
      %select_n3A_252 = arith.select %ge3A_249, %sub3A_251, %add3A_247 : i32
      %dma_start3A_253 = arith.constant 0 : i32
      %dma_start3A_254 = tpu.memref_slice %arg7[%select_n3A_252, %dma_start3A_253] : memref<160x128xi32, #tpu.memory_space<vmem>> -> memref<1x128xi32, #tpu.memory_space<vmem>>
      %dma_start3A_255 = tpu.memref_squeeze %dma_start3A_254 : memref<1x128xi32, #tpu.memory_space<vmem>> -> memref<128xi32, #tpu.memory_space<vmem>>
      %dma_start3A_256 = arith.constant 0 : i32
      %dma_start3A_257 = arith.constant 0 : i32
      %dma_start3A_258 = tpu.memref_slice %arg2[%dma_start3A_256, %dma_start3A_257] : memref<10000x32xf32, #tpu.memory_space<hbm>> -> memref<10000x32xf32, #tpu.memory_space<hbm>>
      tpu.enqueue_indirect_dma source(%dma_start3A_258 : memref<10000x32xf32, #tpu.memory_space<hbm>>) target(%arg13 : memref<128x32xf32, #tpu.memory_space<vmem>>) offsets(%dma_start3A_255 : memref<128xi32, #tpu.memory_space<vmem>>) semaphore(%arg21 : memref<!tpu.dma_semaphore, #tpu.memory_space<semaphore_mem>>)
      %add3A_259 = arith.constant 4 : i32
      %add3A_260 = arith.addi %mul3A_175, %add3A_259 : i32
      %dma_wait3A_261 = arith.constant 0 : i32
      %dma_wait3A_262 = tpu.memref_slice %arg7[%add3A_260, %dma_wait3A_261] : memref<160x128xi32, #tpu.memory_space<vmem>> -> memref<1x128xi32, #tpu.memory_space<vmem>>
      %dma_wait3A_263 = tpu.memref_squeeze %dma_wait3A_262 : memref<1x128xi32, #tpu.memory_space<vmem>> -> memref<128xi32, #tpu.memory_space<vmem>>
      %dma_wait3A_264 = arith.constant 0 : i32
      %dma_wait3A_265 = arith.constant 0 : i32
      %dma_wait3A_266 = tpu.memref_slice %arg2[%dma_wait3A_264, %dma_wait3A_265] : memref<10000x32xf32, #tpu.memory_space<hbm>> -> memref<10000x32xf32, #tpu.memory_space<hbm>>
      tpu.wait_indirect_dma semaphore(%arg22 : memref<!tpu.dma_semaphore, #tpu.memory_space<semaphore_mem>>) src(%dma_wait3A_266 : memref<10000x32xf32, #tpu.memory_space<hbm>>) dst(%arg14 : memref<128x32xf32, #tpu.memory_space<vmem>>)
      "tpu.region"() ({
        %run_scoped3A = tpu.sem_alloc : memref<!tpu.dma_semaphore, #tpu.memory_space<semaphore_mem>>
        %dma_start3A_343 = arith.constant 0 : i32
        %dma_start3A_344 = tpu.memref_slice %arg8[%add3A_260, %dma_start3A_343] : memref<160x128xi32, #tpu.memory_space<vmem>> -> memref<1x128xi32, #tpu.memory_space<vmem>>
        %dma_start3A_345 = tpu.memref_squeeze %dma_start3A_344 : memref<1x128xi32, #tpu.memory_space<vmem>> -> memref<128xi32, #tpu.memory_space<vmem>>
        %dma_start3A_346 = arith.constant 0 : i32
        %dma_start3A_347 = arith.constant 0 : i32
        %dma_start3A_348 = tpu.memref_slice %arg9[%dma_start3A_346, %dma_start3A_347] : memref<10240x32xf32, #tpu.memory_space<vmem_shared>> -> memref<10240x32xf32, #tpu.memory_space<vmem_shared>>
        tpu.enqueue_indirect_dma source(%arg14 : memref<128x32xf32, #tpu.memory_space<vmem>>) target(%dma_start3A_348 : memref<10240x32xf32, #tpu.memory_space<vmem_shared>>) offsets(%dma_start3A_345 : memref<128xi32, #tpu.memory_space<vmem>>) semaphore(%run_scoped3A : memref<!tpu.dma_semaphore, #tpu.memory_space<semaphore_mem>>) {add = true}
        %dma_wait3A_349 = arith.constant 0 : i32
        %dma_wait3A_350 = tpu.memref_slice %arg8[%add3A_260, %dma_wait3A_349] : memref<160x128xi32, #tpu.memory_space<vmem>> -> memref<1x128xi32, #tpu.memory_space<vmem>>
        %dma_wait3A_351 = tpu.memref_squeeze %dma_wait3A_350 : memref<1x128xi32, #tpu.memory_space<vmem>> -> memref<128xi32, #tpu.memory_space<vmem>>
        %dma_wait3A_352 = arith.constant 0 : i32
        %dma_wait3A_353 = arith.constant 0 : i32
        %dma_wait3A_354 = tpu.memref_slice %arg9[%dma_wait3A_352, %dma_wait3A_353] : memref<10240x32xf32, #tpu.memory_space<vmem_shared>> -> memref<10240x32xf32, #tpu.memory_space<vmem_shared>>
        tpu.wait_indirect_dma semaphore(%run_scoped3A : memref<!tpu.dma_semaphore, #tpu.memory_space<semaphore_mem>>) src(%arg14 : memref<128x32xf32, #tpu.memory_space<vmem>>) dst(%dma_wait3A_354 : memref<10240x32xf32, #tpu.memory_space<vmem_shared>>)
        tpu.yield
      }) : () -> ()
      %add3A_267 = arith.constant 8 : i32
      %add3A_268 = arith.addi %add3A_260, %add3A_267 : i32
      %ge3A_269 = arith.constant 160 : i32
      %ge3A_270 = arith.cmpi sge, %add3A_268, %ge3A_269 : i32
      %sub3A_271 = arith.constant 160 : i32
      %sub3A_272 = arith.subi %add3A_268, %sub3A_271 : i32
      %select_n3A_273 = arith.select %ge3A_270, %sub3A_272, %add3A_268 : i32
      %dma_start3A_274 = arith.constant 0 : i32
      %dma_start3A_275 = tpu.memref_slice %arg7[%select_n3A_273, %dma_start3A_274] : memref<160x128xi32, #tpu.memory_space<vmem>> -> memref<1x128xi32, #tpu.memory_space<vmem>>
      %dma_start3A_276 = tpu.memref_squeeze %dma_start3A_275 : memref<1x128xi32, #tpu.memory_space<vmem>> -> memref<128xi32, #tpu.memory_space<vmem>>
      %dma_start3A_277 = arith.constant 0 : i32
      %dma_start3A_278 = arith.constant 0 : i32
      %dma_start3A_279 = tpu.memref_slice %arg2[%dma_start3A_277, %dma_start3A_278] : memref<10000x32xf32, #tpu.memory_space<hbm>> -> memref<10000x32xf32, #tpu.memory_space<hbm>>
      tpu.enqueue_indirect_dma source(%dma_start3A_279 : memref<10000x32xf32, #tpu.memory_space<hbm>>) target(%arg14 : memref<128x32xf32, #tpu.memory_space<vmem>>) offsets(%dma_start3A_276 : memref<128xi32, #tpu.memory_space<vmem>>) semaphore(%arg22 : memref<!tpu.dma_semaphore, #tpu.memory_space<semaphore_mem>>)
      %add3A_280 = arith.constant 5 : i32
      %add3A_281 = arith.addi %mul3A_175, %add3A_280 : i32
      %dma_wait3A_282 = arith.constant 0 : i32
      %dma_wait3A_283 = tpu.memref_slice %arg7[%add3A_281, %dma_wait3A_282] : memref<160x128xi32, #tpu.memory_space<vmem>> -> memref<1x128xi32, #tpu.memory_space<vmem>>
      %dma_wait3A_284 = tpu.memref_squeeze %dma_wait3A_283 : memref<1x128xi32, #tpu.memory_space<vmem>> -> memref<128xi32, #tpu.memory_space<vmem>>
      %dma_wait3A_285 = arith.constant 0 : i32
      %dma_wait3A_286 = arith.constant 0 : i32
      %dma_wait3A_287 = tpu.memref_slice %arg2[%dma_wait3A_285, %dma_wait3A_286] : memref<10000x32xf32, #tpu.memory_space<hbm>> -> memref<10000x32xf32, #tpu.memory_space<hbm>>
      tpu.wait_indirect_dma semaphore(%arg23 : memref<!tpu.dma_semaphore, #tpu.memory_space<semaphore_mem>>) src(%dma_wait3A_287 : memref<10000x32xf32, #tpu.memory_space<hbm>>) dst(%arg15 : memref<128x32xf32, #tpu.memory_space<vmem>>)
      "tpu.region"() ({
        %run_scoped3A = tpu.sem_alloc : memref<!tpu.dma_semaphore, #tpu.memory_space<semaphore_mem>>
        %dma_start3A_343 = arith.constant 0 : i32
        %dma_start3A_344 = tpu.memref_slice %arg8[%add3A_281, %dma_start3A_343] : memref<160x128xi32, #tpu.memory_space<vmem>> -> memref<1x128xi32, #tpu.memory_space<vmem>>
        %dma_start3A_345 = tpu.memref_squeeze %dma_start3A_344 : memref<1x128xi32, #tpu.memory_space<vmem>> -> memref<128xi32, #tpu.memory_space<vmem>>
        %dma_start3A_346 = arith.constant 0 : i32
        %dma_start3A_347 = arith.constant 0 : i32
        %dma_start3A_348 = tpu.memref_slice %arg9[%dma_start3A_346, %dma_start3A_347] : memref<10240x32xf32, #tpu.memory_space<vmem_shared>> -> memref<10240x32xf32, #tpu.memory_space<vmem_shared>>
        tpu.enqueue_indirect_dma source(%arg15 : memref<128x32xf32, #tpu.memory_space<vmem>>) target(%dma_start3A_348 : memref<10240x32xf32, #tpu.memory_space<vmem_shared>>) offsets(%dma_start3A_345 : memref<128xi32, #tpu.memory_space<vmem>>) semaphore(%run_scoped3A : memref<!tpu.dma_semaphore, #tpu.memory_space<semaphore_mem>>) {add = true}
        %dma_wait3A_349 = arith.constant 0 : i32
        %dma_wait3A_350 = tpu.memref_slice %arg8[%add3A_281, %dma_wait3A_349] : memref<160x128xi32, #tpu.memory_space<vmem>> -> memref<1x128xi32, #tpu.memory_space<vmem>>
        %dma_wait3A_351 = tpu.memref_squeeze %dma_wait3A_350 : memref<1x128xi32, #tpu.memory_space<vmem>> -> memref<128xi32, #tpu.memory_space<vmem>>
        %dma_wait3A_352 = arith.constant 0 : i32
        %dma_wait3A_353 = arith.constant 0 : i32
        %dma_wait3A_354 = tpu.memref_slice %arg9[%dma_wait3A_352, %dma_wait3A_353] : memref<10240x32xf32, #tpu.memory_space<vmem_shared>> -> memref<10240x32xf32, #tpu.memory_space<vmem_shared>>
        tpu.wait_indirect_dma semaphore(%run_scoped3A : memref<!tpu.dma_semaphore, #tpu.memory_space<semaphore_mem>>) src(%arg15 : memref<128x32xf32, #tpu.memory_space<vmem>>) dst(%dma_wait3A_354 : memref<10240x32xf32, #tpu.memory_space<vmem_shared>>)
        tpu.yield
      }) : () -> ()
      %add3A_288 = arith.constant 8 : i32
      %add3A_289 = arith.addi %add3A_281, %add3A_288 : i32
      %ge3A_290 = arith.constant 160 : i32
      %ge3A_291 = arith.cmpi sge, %add3A_289, %ge3A_290 : i32
      %sub3A_292 = arith.constant 160 : i32
      %sub3A_293 = arith.subi %add3A_289, %sub3A_292 : i32
      %select_n3A_294 = arith.select %ge3A_291, %sub3A_293, %add3A_289 : i32
      %dma_start3A_295 = arith.constant 0 : i32
      %dma_start3A_296 = tpu.memref_slice %arg7[%select_n3A_294, %dma_start3A_295] : memref<160x128xi32, #tpu.memory_space<vmem>> -> memref<1x128xi32, #tpu.memory_space<vmem>>
      %dma_start3A_297 = tpu.memref_squeeze %dma_start3A_296 : memref<1x128xi32, #tpu.memory_space<vmem>> -> memref<128xi32, #tpu.memory_space<vmem>>
      %dma_start3A_298 = arith.constant 0 : i32
      %dma_start3A_299 = arith.constant 0 : i32
      %dma_start3A_300 = tpu.memref_slice %arg2[%dma_start3A_298, %dma_start3A_299] : memref<10000x32xf32, #tpu.memory_space<hbm>> -> memref<10000x32xf32, #tpu.memory_space<hbm>>
      tpu.enqueue_indirect_dma source(%dma_start3A_300 : memref<10000x32xf32, #tpu.memory_space<hbm>>) target(%arg15 : memref<128x32xf32, #tpu.memory_space<vmem>>) offsets(%dma_start3A_297 : memref<128xi32, #tpu.memory_space<vmem>>) semaphore(%arg23 : memref<!tpu.dma_semaphore, #tpu.memory_space<semaphore_mem>>)
      %add3A_301 = arith.constant 6 : i32
      %add3A_302 = arith.addi %mul3A_175, %add3A_301 : i32
      %dma_wait3A_303 = arith.constant 0 : i32
      %dma_wait3A_304 = tpu.memref_slice %arg7[%add3A_302, %dma_wait3A_303] : memref<160x128xi32, #tpu.memory_space<vmem>> -> memref<1x128xi32, #tpu.memory_space<vmem>>
      %dma_wait3A_305 = tpu.memref_squeeze %dma_wait3A_304 : memref<1x128xi32, #tpu.memory_space<vmem>> -> memref<128xi32, #tpu.memory_space<vmem>>
      %dma_wait3A_306 = arith.constant 0 : i32
      %dma_wait3A_307 = arith.constant 0 : i32
      %dma_wait3A_308 = tpu.memref_slice %arg2[%dma_wait3A_306, %dma_wait3A_307] : memref<10000x32xf32, #tpu.memory_space<hbm>> -> memref<10000x32xf32, #tpu.memory_space<hbm>>
      tpu.wait_indirect_dma semaphore(%arg24 : memref<!tpu.dma_semaphore, #tpu.memory_space<semaphore_mem>>) src(%dma_wait3A_308 : memref<10000x32xf32, #tpu.memory_space<hbm>>) dst(%arg16 : memref<128x32xf32, #tpu.memory_space<vmem>>)
      "tpu.region"() ({
        %run_scoped3A = tpu.sem_alloc : memref<!tpu.dma_semaphore, #tpu.memory_space<semaphore_mem>>
        %dma_start3A_343 = arith.constant 0 : i32
        %dma_start3A_344 = tpu.memref_slice %arg8[%add3A_302, %dma_start3A_343] : memref<160x128xi32, #tpu.memory_space<vmem>> -> memref<1x128xi32, #tpu.memory_space<vmem>>
        %dma_start3A_345 = tpu.memref_squeeze %dma_start3A_344 : memref<1x128xi32, #tpu.memory_space<vmem>> -> memref<128xi32, #tpu.memory_space<vmem>>
        %dma_start3A_346 = arith.constant 0 : i32
        %dma_start3A_347 = arith.constant 0 : i32
        %dma_start3A_348 = tpu.memref_slice %arg9[%dma_start3A_346, %dma_start3A_347] : memref<10240x32xf32, #tpu.memory_space<vmem_shared>> -> memref<10240x32xf32, #tpu.memory_space<vmem_shared>>
        tpu.enqueue_indirect_dma source(%arg16 : memref<128x32xf32, #tpu.memory_space<vmem>>) target(%dma_start3A_348 : memref<10240x32xf32, #tpu.memory_space<vmem_shared>>) offsets(%dma_start3A_345 : memref<128xi32, #tpu.memory_space<vmem>>) semaphore(%run_scoped3A : memref<!tpu.dma_semaphore, #tpu.memory_space<semaphore_mem>>) {add = true}
        %dma_wait3A_349 = arith.constant 0 : i32
        %dma_wait3A_350 = tpu.memref_slice %arg8[%add3A_302, %dma_wait3A_349] : memref<160x128xi32, #tpu.memory_space<vmem>> -> memref<1x128xi32, #tpu.memory_space<vmem>>
        %dma_wait3A_351 = tpu.memref_squeeze %dma_wait3A_350 : memref<1x128xi32, #tpu.memory_space<vmem>> -> memref<128xi32, #tpu.memory_space<vmem>>
        %dma_wait3A_352 = arith.constant 0 : i32
        %dma_wait3A_353 = arith.constant 0 : i32
        %dma_wait3A_354 = tpu.memref_slice %arg9[%dma_wait3A_352, %dma_wait3A_353] : memref<10240x32xf32, #tpu.memory_space<vmem_shared>> -> memref<10240x32xf32, #tpu.memory_space<vmem_shared>>
        tpu.wait_indirect_dma semaphore(%run_scoped3A : memref<!tpu.dma_semaphore, #tpu.memory_space<semaphore_mem>>) src(%arg16 : memref<128x32xf32, #tpu.memory_space<vmem>>) dst(%dma_wait3A_354 : memref<10240x32xf32, #tpu.memory_space<vmem_shared>>)
        tpu.yield
      }) : () -> ()
      %add3A_309 = arith.constant 8 : i32
      %add3A_310 = arith.addi %add3A_302, %add3A_309 : i32
      %ge3A_311 = arith.constant 160 : i32
      %ge3A_312 = arith.cmpi sge, %add3A_310, %ge3A_311 : i32
      %sub3A_313 = arith.constant 160 : i32
      %sub3A_314 = arith.subi %add3A_310, %sub3A_313 : i32
      %select_n3A_315 = arith.select %ge3A_312, %sub3A_314, %add3A_310 : i32
      %dma_start3A_316 = arith.constant 0 : i32
      %dma_start3A_317 = tpu.memref_slice %arg7[%select_n3A_315, %dma_start3A_316] : memref<160x128xi32, #tpu.memory_space<vmem>> -> memref<1x128xi32, #tpu.memory_space<vmem>>
      %dma_start3A_318 = tpu.memref_squeeze %dma_start3A_317 : memref<1x128xi32, #tpu.memory_space<vmem>> -> memref<128xi32, #tpu.memory_space<vmem>>
      %dma_start3A_319 = arith.constant 0 : i32
      %dma_start3A_320 = arith.constant 0 : i32
      %dma_start3A_321 = tpu.memref_slice %arg2[%dma_start3A_319, %dma_start3A_320] : memref<10000x32xf32, #tpu.memory_space<hbm>> -> memref<10000x32xf32, #tpu.memory_space<hbm>>
      tpu.enqueue_indirect_dma source(%dma_start3A_321 : memref<10000x32xf32, #tpu.memory_space<hbm>>) target(%arg16 : memref<128x32xf32, #tpu.memory_space<vmem>>) offsets(%dma_start3A_318 : memref<128xi32, #tpu.memory_space<vmem>>) semaphore(%arg24 : memref<!tpu.dma_semaphore, #tpu.memory_space<semaphore_mem>>)
      %add3A_322 = arith.constant 7 : i32
      %add3A_323 = arith.addi %mul3A_175, %add3A_322 : i32
      %dma_wait3A_324 = arith.constant 0 : i32
      %dma_wait3A_325 = tpu.memref_slice %arg7[%add3A_323, %dma_wait3A_324] : memref<160x128xi32, #tpu.memory_space<vmem>> -> memref<1x128xi32, #tpu.memory_space<vmem>>
      %dma_wait3A_326 = tpu.memref_squeeze %dma_wait3A_325 : memref<1x128xi32, #tpu.memory_space<vmem>> -> memref<128xi32, #tpu.memory_space<vmem>>
      %dma_wait3A_327 = arith.constant 0 : i32
      %dma_wait3A_328 = arith.constant 0 : i32
      %dma_wait3A_329 = tpu.memref_slice %arg2[%dma_wait3A_327, %dma_wait3A_328] : memref<10000x32xf32, #tpu.memory_space<hbm>> -> memref<10000x32xf32, #tpu.memory_space<hbm>>
      tpu.wait_indirect_dma semaphore(%arg25 : memref<!tpu.dma_semaphore, #tpu.memory_space<semaphore_mem>>) src(%dma_wait3A_329 : memref<10000x32xf32, #tpu.memory_space<hbm>>) dst(%arg17 : memref<128x32xf32, #tpu.memory_space<vmem>>)
      "tpu.region"() ({
        %run_scoped3A = tpu.sem_alloc : memref<!tpu.dma_semaphore, #tpu.memory_space<semaphore_mem>>
        %dma_start3A_343 = arith.constant 0 : i32
        %dma_start3A_344 = tpu.memref_slice %arg8[%add3A_323, %dma_start3A_343] : memref<160x128xi32, #tpu.memory_space<vmem>> -> memref<1x128xi32, #tpu.memory_space<vmem>>
        %dma_start3A_345 = tpu.memref_squeeze %dma_start3A_344 : memref<1x128xi32, #tpu.memory_space<vmem>> -> memref<128xi32, #tpu.memory_space<vmem>>
        %dma_start3A_346 = arith.constant 0 : i32
        %dma_start3A_347 = arith.constant 0 : i32
        %dma_start3A_348 = tpu.memref_slice %arg9[%dma_start3A_346, %dma_start3A_347] : memref<10240x32xf32, #tpu.memory_space<vmem_shared>> -> memref<10240x32xf32, #tpu.memory_space<vmem_shared>>
        tpu.enqueue_indirect_dma source(%arg17 : memref<128x32xf32, #tpu.memory_space<vmem>>) target(%dma_start3A_348 : memref<10240x32xf32, #tpu.memory_space<vmem_shared>>) offsets(%dma_start3A_345 : memref<128xi32, #tpu.memory_space<vmem>>) semaphore(%run_scoped3A : memref<!tpu.dma_semaphore, #tpu.memory_space<semaphore_mem>>) {add = true}
        %dma_wait3A_349 = arith.constant 0 : i32
        %dma_wait3A_350 = tpu.memref_slice %arg8[%add3A_323, %dma_wait3A_349] : memref<160x128xi32, #tpu.memory_space<vmem>> -> memref<1x128xi32, #tpu.memory_space<vmem>>
        %dma_wait3A_351 = tpu.memref_squeeze %dma_wait3A_350 : memref<1x128xi32, #tpu.memory_space<vmem>> -> memref<128xi32, #tpu.memory_space<vmem>>
        %dma_wait3A_352 = arith.constant 0 : i32
        %dma_wait3A_353 = arith.constant 0 : i32
        %dma_wait3A_354 = tpu.memref_slice %arg9[%dma_wait3A_352, %dma_wait3A_353] : memref<10240x32xf32, #tpu.memory_space<vmem_shared>> -> memref<10240x32xf32, #tpu.memory_space<vmem_shared>>
        tpu.wait_indirect_dma semaphore(%run_scoped3A : memref<!tpu.dma_semaphore, #tpu.memory_space<semaphore_mem>>) src(%arg17 : memref<128x32xf32, #tpu.memory_space<vmem>>) dst(%dma_wait3A_354 : memref<10240x32xf32, #tpu.memory_space<vmem_shared>>)
        tpu.yield
      }) : () -> ()
      %add3A_330 = arith.constant 8 : i32
      %add3A_331 = arith.addi %add3A_323, %add3A_330 : i32
      %ge3A_332 = arith.constant 160 : i32
      %ge3A_333 = arith.cmpi sge, %add3A_331, %ge3A_332 : i32
      %sub3A_334 = arith.constant 160 : i32
      %sub3A_335 = arith.subi %add3A_331, %sub3A_334 : i32
      %select_n3A_336 = arith.select %ge3A_333, %sub3A_335, %add3A_331 : i32
      %dma_start3A_337 = arith.constant 0 : i32
      %dma_start3A_338 = tpu.memref_slice %arg7[%select_n3A_336, %dma_start3A_337] : memref<160x128xi32, #tpu.memory_space<vmem>> -> memref<1x128xi32, #tpu.memory_space<vmem>>
      %dma_start3A_339 = tpu.memref_squeeze %dma_start3A_338 : memref<1x128xi32, #tpu.memory_space<vmem>> -> memref<128xi32, #tpu.memory_space<vmem>>
      %dma_start3A_340 = arith.constant 0 : i32
      %dma_start3A_341 = arith.constant 0 : i32
      %dma_start3A_342 = tpu.memref_slice %arg2[%dma_start3A_340, %dma_start3A_341] : memref<10000x32xf32, #tpu.memory_space<hbm>> -> memref<10000x32xf32, #tpu.memory_space<hbm>>
      tpu.enqueue_indirect_dma source(%dma_start3A_342 : memref<10000x32xf32, #tpu.memory_space<hbm>>) target(%arg17 : memref<128x32xf32, #tpu.memory_space<vmem>>) offsets(%dma_start3A_339 : memref<128xi32, #tpu.memory_space<vmem>>) semaphore(%arg25 : memref<!tpu.dma_semaphore, #tpu.memory_space<semaphore_mem>>)
    }
    %scan3A_114 = arith.constant 20 : i32
    %dma_wait3A = arith.constant 0 : i32
    %dma_wait3A_115 = arith.constant 0 : i32
    %dma_wait3A_116 = tpu.memref_slice %arg7[%dma_wait3A, %dma_wait3A_115] : memref<160x128xi32, #tpu.memory_space<vmem>> -> memref<1x128xi32, #tpu.memory_space<vmem>>
    %dma_wait3A_117 = tpu.memref_squeeze %dma_wait3A_116 : memref<1x128xi32, #tpu.memory_space<vmem>> -> memref<128xi32, #tpu.memory_space<vmem>>
    %dma_wait3A_118 = arith.constant 0 : i32
    %dma_wait3A_119 = arith.constant 0 : i32
    %dma_wait3A_120 = tpu.memref_slice %arg2[%dma_wait3A_118, %dma_wait3A_119] : memref<10000x32xf32, #tpu.memory_space<hbm>> -> memref<10000x32xf32, #tpu.memory_space<hbm>>
    tpu.wait_indirect_dma semaphore(%arg18 : memref<!tpu.dma_semaphore, #tpu.memory_space<semaphore_mem>>) src(%dma_wait3A_120 : memref<10000x32xf32, #tpu.memory_space<hbm>>) dst(%arg10 : memref<128x32xf32, #tpu.memory_space<vmem>>)
    %dma_wait3A_121 = arith.constant 1 : i32
    %dma_wait3A_122 = arith.constant 0 : i32
    %dma_wait3A_123 = tpu.memref_slice %arg7[%dma_wait3A_121, %dma_wait3A_122] : memref<160x128xi32, #tpu.memory_space<vmem>> -> memref<1x128xi32, #tpu.memory_space<vmem>>
    %dma_wait3A_124 = tpu.memref_squeeze %dma_wait3A_123 : memref<1x128xi32, #tpu.memory_space<vmem>> -> memref<128xi32, #tpu.memory_space<vmem>>
    %dma_wait3A_125 = arith.constant 0 : i32
    %dma_wait3A_126 = arith.constant 0 : i32
    %dma_wait3A_127 = tpu.memref_slice %arg2[%dma_wait3A_125, %dma_wait3A_126] : memref<10000x32xf32, #tpu.memory_space<hbm>> -> memref<10000x32xf32, #tpu.memory_space<hbm>>
    tpu.wait_indirect_dma semaphore(%arg19 : memref<!tpu.dma_semaphore, #tpu.memory_space<semaphore_mem>>) src(%dma_wait3A_127 : memref<10000x32xf32, #tpu.memory_space<hbm>>) dst(%arg11 : memref<128x32xf32, #tpu.memory_space<vmem>>)
    %dma_wait3A_128 = arith.constant 2 : i32
    %dma_wait3A_129 = arith.constant 0 : i32
    %dma_wait3A_130 = tpu.memref_slice %arg7[%dma_wait3A_128, %dma_wait3A_129] : memref<160x128xi32, #tpu.memory_space<vmem>> -> memref<1x128xi32, #tpu.memory_space<vmem>>
    %dma_wait3A_131 = tpu.memref_squeeze %dma_wait3A_130 : memref<1x128xi32, #tpu.memory_space<vmem>> -> memref<128xi32, #tpu.memory_space<vmem>>
    %dma_wait3A_132 = arith.constant 0 : i32
    %dma_wait3A_133 = arith.constant 0 : i32
    %dma_wait3A_134 = tpu.memref_slice %arg2[%dma_wait3A_132, %dma_wait3A_133] : memref<10000x32xf32, #tpu.memory_space<hbm>> -> memref<10000x32xf32, #tpu.memory_space<hbm>>
    tpu.wait_indirect_dma semaphore(%arg20 : memref<!tpu.dma_semaphore, #tpu.memory_space<semaphore_mem>>) src(%dma_wait3A_134 : memref<10000x32xf32, #tpu.memory_space<hbm>>) dst(%arg12 : memref<128x32xf32, #tpu.memory_space<vmem>>)
    %dma_wait3A_135 = arith.constant 3 : i32
    %dma_wait3A_136 = arith.constant 0 : i32
    %dma_wait3A_137 = tpu.memref_slice %arg7[%dma_wait3A_135, %dma_wait3A_136] : memref<160x128xi32, #tpu.memory_space<vmem>> -> memref<1x128xi32, #tpu.memory_space<vmem>>
    %dma_wait3A_138 = tpu.memref_squeeze %dma_wait3A_137 : memref<1x128xi32, #tpu.memory_space<vmem>> -> memref<128xi32, #tpu.memory_space<vmem>>
    %dma_wait3A_139 = arith.constant 0 : i32
    %dma_wait3A_140 = arith.constant 0 : i32
    %dma_wait3A_141 = tpu.memref_slice %arg2[%dma_wait3A_139, %dma_wait3A_140] : memref<10000x32xf32, #tpu.memory_space<hbm>> -> memref<10000x32xf32, #tpu.memory_space<hbm>>
    tpu.wait_indirect_dma semaphore(%arg21 : memref<!tpu.dma_semaphore, #tpu.memory_space<semaphore_mem>>) src(%dma_wait3A_141 : memref<10000x32xf32, #tpu.memory_space<hbm>>) dst(%arg13 : memref<128x32xf32, #tpu.memory_space<vmem>>)
    %dma_wait3A_142 = arith.constant 4 : i32
    %dma_wait3A_143 = arith.constant 0 : i32
    %dma_wait3A_144 = tpu.memref_slice %arg7[%dma_wait3A_142, %dma_wait3A_143] : memref<160x128xi32, #tpu.memory_space<vmem>> -> memref<1x128xi32, #tpu.memory_space<vmem>>
    %dma_wait3A_145 = tpu.memref_squeeze %dma_wait3A_144 : memref<1x128xi32, #tpu.memory_space<vmem>> -> memref<128xi32, #tpu.memory_space<vmem>>
    %dma_wait3A_146 = arith.constant 0 : i32
    %dma_wait3A_147 = arith.constant 0 : i32
    %dma_wait3A_148 = tpu.memref_slice %arg2[%dma_wait3A_146, %dma_wait3A_147] : memref<10000x32xf32, #tpu.memory_space<hbm>> -> memref<10000x32xf32, #tpu.memory_space<hbm>>
    tpu.wait_indirect_dma semaphore(%arg22 : memref<!tpu.dma_semaphore, #tpu.memory_space<semaphore_mem>>) src(%dma_wait3A_148 : memref<10000x32xf32, #tpu.memory_space<hbm>>) dst(%arg14 : memref<128x32xf32, #tpu.memory_space<vmem>>)
    %dma_wait3A_149 = arith.constant 5 : i32
    %dma_wait3A_150 = arith.constant 0 : i32
    %dma_wait3A_151 = tpu.memref_slice %arg7[%dma_wait3A_149, %dma_wait3A_150] : memref<160x128xi32, #tpu.memory_space<vmem>> -> memref<1x128xi32, #tpu.memory_space<vmem>>
    %dma_wait3A_152 = tpu.memref_squeeze %dma_wait3A_151 : memref<1x128xi32, #tpu.memory_space<vmem>> -> memref<128xi32, #tpu.memory_space<vmem>>
    %dma_wait3A_153 = arith.constant 0 : i32
    %dma_wait3A_154 = arith.constant 0 : i32
    %dma_wait3A_155 = tpu.memref_slice %arg2[%dma_wait3A_153, %dma_wait3A_154] : memref<10000x32xf32, #tpu.memory_space<hbm>> -> memref<10000x32xf32, #tpu.memory_space<hbm>>
    tpu.wait_indirect_dma semaphore(%arg23 : memref<!tpu.dma_semaphore, #tpu.memory_space<semaphore_mem>>) src(%dma_wait3A_155 : memref<10000x32xf32, #tpu.memory_space<hbm>>) dst(%arg15 : memref<128x32xf32, #tpu.memory_space<vmem>>)
    %dma_wait3A_156 = arith.constant 6 : i32
    %dma_wait3A_157 = arith.constant 0 : i32
    %dma_wait3A_158 = tpu.memref_slice %arg7[%dma_wait3A_156, %dma_wait3A_157] : memref<160x128xi32, #tpu.memory_space<vmem>> -> memref<1x128xi32, #tpu.memory_space<vmem>>
    %dma_wait3A_159 = tpu.memref_squeeze %dma_wait3A_158 : memref<1x128xi32, #tpu.memory_space<vmem>> -> memref<128xi32, #tpu.memory_space<vmem>>
    %dma_wait3A_160 = arith.constant 0 : i32
    %dma_wait3A_161 = arith.constant 0 : i32
    %dma_wait3A_162 = tpu.memref_slice %arg2[%dma_wait3A_160, %dma_wait3A_161] : memref<10000x32xf32, #tpu.memory_space<hbm>> -> memref<10000x32xf32, #tpu.memory_space<hbm>>
    tpu.wait_indirect_dma semaphore(%arg24 : memref<!tpu.dma_semaphore, #tpu.memory_space<semaphore_mem>>) src(%dma_wait3A_162 : memref<10000x32xf32, #tpu.memory_space<hbm>>) dst(%arg16 : memref<128x32xf32, #tpu.memory_space<vmem>>)
    %dma_wait3A_163 = arith.constant 7 : i32
    %dma_wait3A_164 = arith.constant 0 : i32
    %dma_wait3A_165 = tpu.memref_slice %arg7[%dma_wait3A_163, %dma_wait3A_164] : memref<160x128xi32, #tpu.memory_space<vmem>> -> memref<1x128xi32, #tpu.memory_space<vmem>>
    %dma_wait3A_166 = tpu.memref_squeeze %dma_wait3A_165 : memref<1x128xi32, #tpu.memory_space<vmem>> -> memref<128xi32, #tpu.memory_space<vmem>>
    %dma_wait3A_167 = arith.constant 0 : i32
    %dma_wait3A_168 = arith.constant 0 : i32
    %dma_wait3A_169 = tpu.memref_slice %arg2[%dma_wait3A_167, %dma_wait3A_168] : memref<10000x32xf32, #tpu.memory_space<hbm>> -> memref<10000x32xf32, #tpu.memory_space<hbm>>
    tpu.wait_indirect_dma semaphore(%arg25 : memref<!tpu.dma_semaphore, #tpu.memory_space<semaphore_mem>>) src(%dma_wait3A_169 : memref<10000x32xf32, #tpu.memory_space<hbm>>) dst(%arg17 : memref<128x32xf32, #tpu.memory_space<vmem>>)
    %barrier3A_170 = arith.constant 0 : index
    tpu.barrier barrier_id(%barrier3A_170)
    %mul3A_171 = arith.constant 640 : i32
    %mul3A_172 = arith.muli %arg1, %mul3A_171 : i32
    "tpu.region"() ({
      %run_scoped3A = tpu.sem_alloc : memref<!tpu.dma_semaphore, #tpu.memory_space<semaphore_mem>>
      %dma_start3A_173 = arith.constant 0 : i32
      %dma_start3A_174 = tpu.memref_slice %arg6[%arg0, %mul3A_172, %dma_start3A_173] : memref<1x10240x32xf32, #tpu.memory_space<hbm>> -> memref<1x640x32xf32, #tpu.memory_space<hbm>>
      %dma_start3A_175 = tpu.memref_squeeze %dma_start3A_174 : memref<1x640x32xf32, #tpu.memory_space<hbm>> -> memref<640x32xf32, #tpu.memory_space<hbm>>
      %dma_start3A_176 = arith.constant 0 : i32
      %dma_start3A_177 = tpu.memref_slice %arg9[%mul3A_172, %dma_start3A_176] : memref<10240x32xf32, #tpu.memory_space<vmem_shared>> -> memref<640x32xf32, #tpu.memory_space<vmem_shared>>
      tpu.enqueue_dma source(%dma_start3A_177 : memref<640x32xf32, #tpu.memory_space<vmem_shared>>) target(%dma_start3A_175 : memref<640x32xf32, #tpu.memory_space<hbm>>) target_semaphore(%run_scoped3A : memref<!tpu.dma_semaphore, #tpu.memory_space<semaphore_mem>>)
      %dma_wait3A_178 = arith.constant 0 : i32
      %dma_wait3A_179 = tpu.memref_slice %arg6[%arg0, %mul3A_172, %dma_wait3A_178] : memref<1x10240x32xf32, #tpu.memory_space<hbm>> -> memref<1x640x32xf32, #tpu.memory_space<hbm>>
      %dma_wait3A_180 = tpu.memref_squeeze %dma_wait3A_179 : memref<1x640x32xf32, #tpu.memory_space<hbm>> -> memref<640x32xf32, #tpu.memory_space<hbm>>
      %dma_wait3A_181 = arith.constant 0 : i32
      %dma_wait3A_182 = tpu.memref_slice %arg9[%mul3A_172, %dma_wait3A_181] : memref<10240x32xf32, #tpu.memory_space<vmem_shared>> -> memref<640x32xf32, #tpu.memory_space<vmem_shared>>
      tpu.wait_dma2 semaphore(%run_scoped3A : memref<!tpu.dma_semaphore, #tpu.memory_space<semaphore_mem>>) src(%dma_wait3A_182 : memref<640x32xf32, #tpu.memory_space<vmem_shared>>) dst(%dma_wait3A_180 : memref<640x32xf32, #tpu.memory_space<hbm>>)
      tpu.yield
    }) : () -> ()
    return
  }
}

#map = affine_map<(d0, d1) -> (0, 0)>
#map1 = affine_map<(d0, d1) -> (0, 0, 0)>
module attributes {stable_mosaic.version = 14 : i64} {
  func.func @_sc_agg_body(%arg0: i32, %arg1: i32, %arg2: memref<10000x32xf32, #tpu.memory_space<hbm>>, %arg3: memref<2560x128xi32, #tpu.memory_space<hbm>>, %arg4: memref<2560x128xi32, #tpu.memory_space<hbm>>, %arg5: memref<1x640x32xf32, #tpu.memory_space<hbm>>, %arg6: memref<1x10240x32xf32, #tpu.memory_space<hbm>>, %arg7: memref<160x128xi32, #tpu.memory_space<vmem>>, %arg8: memref<160x128xi32, #tpu.memory_space<vmem>>, %arg9: memref<10240x32xf32, #tpu.memory_space<vmem_shared>>, %arg10: memref<128x32xf32, #tpu.memory_space<vmem>>, %arg11: memref<128x32xf32, #tpu.memory_space<vmem>>, %arg12: memref<128x32xf32, #tpu.memory_space<vmem>>, %arg13: memref<128x32xf32, #tpu.memory_space<vmem>>, %arg14: memref<128x32xf32, #tpu.memory_space<vmem>>, %arg15: memref<128x32xf32, #tpu.memory_space<vmem>>, %arg16: memref<128x32xf32, #tpu.memory_space<vmem>>, %arg17: memref<128x32xf32, #tpu.memory_space<vmem>>, %arg18: memref<!tpu.dma_semaphore, #tpu.memory_space<semaphore_mem>>, %arg19: memref<!tpu.dma_semaphore, #tpu.memory_space<semaphore_mem>>, %arg20: memref<!tpu.dma_semaphore, #tpu.memory_space<semaphore_mem>>, %arg21: memref<!tpu.dma_semaphore, #tpu.memory_space<semaphore_mem>>, %arg22: memref<!tpu.dma_semaphore, #tpu.memory_space<semaphore_mem>>, %arg23: memref<!tpu.dma_semaphore, #tpu.memory_space<semaphore_mem>>, %arg24: memref<!tpu.dma_semaphore, #tpu.memory_space<semaphore_mem>>, %arg25: memref<!tpu.dma_semaphore, #tpu.memory_space<semaphore_mem>>) attributes {dimension_semantics = [#tpu.dimension_semantics<core_parallel>, #tpu.dimension_semantics<subcore_parallel>], iteration_bounds = array<i64: 1, 16>, scalar_prefetch = 0 : i64, scratch_operands = 19 : i64, tpu.core_type = #tpu.core_type<sc_vector_subcore>, window_params = [{transform_indices = #map}, {transform_indices = #map}, {transform_indices = #map}, {transform_indices = #map1}, {transform_indices = #map1}]} {
    %mul3A = arith.constant 160 : i32
    %mul3A_0 = arith.muli %arg1, %mul3A : i32
    %mul3A_1 = arith.constant 640 : i32
    %mul3A_2 = arith.muli %arg1, %mul3A_1 : i32
    "tpu.region"() ({
      %run_scoped3A = tpu.sem_alloc : memref<!tpu.dma_semaphore, #tpu.memory_space<semaphore_mem>>
      %dma_start3A_173 = arith.constant 0 : i32
      %dma_start3A_174 = tpu.memref_slice %arg9[%mul3A_2, %dma_start3A_173] : memref<10240x32xf32, #tpu.memory_space<vmem_shared>> -> memref<640x32xf32, #tpu.memory_space<vmem_shared>>
      %dma_start3A_175 = arith.constant 0 : i32
      %dma_start3A_176 = arith.constant 0 : i32
      %dma_start3A_177 = tpu.memref_slice %arg5[%arg0, %dma_start3A_175, %dma_start3A_176] : memref<1x640x32xf32, #tpu.memory_space<hbm>> -> memref<1x640x32xf32, #tpu.memory_space<hbm>>
      %dma_start3A_178 = tpu.memref_squeeze %dma_start3A_177 : memref<1x640x32xf32, #tpu.memory_space<hbm>> -> memref<640x32xf32, #tpu.memory_space<hbm>>
      tpu.enqueue_dma source(%dma_start3A_178 : memref<640x32xf32, #tpu.memory_space<hbm>>) target(%dma_start3A_174 : memref<640x32xf32, #tpu.memory_space<vmem_shared>>) target_semaphore(%run_scoped3A : memref<!tpu.dma_semaphore, #tpu.memory_space<semaphore_mem>>)
      %dma_wait3A_179 = arith.constant 0 : i32
      %dma_wait3A_180 = tpu.memref_slice %arg9[%mul3A_2, %dma_wait3A_179] : memref<10240x32xf32, #tpu.memory_space<vmem_shared>> -> memref<640x32xf32, #tpu.memory_space<vmem_shared>>
      %dma_wait3A_181 = arith.constant 0 : i32
      %dma_wait3A_182 = arith.constant 0 : i32
      %dma_wait3A_183 = tpu.memref_slice %arg5[%arg0, %dma_wait3A_181, %dma_wait3A_182] : memref<1x640x32xf32, #tpu.memory_space<hbm>> -> memref<1x640x32xf32, #tpu.memory_space<hbm>>
      %dma_wait3A_184 = tpu.memref_squeeze %dma_wait3A_183 : memref<1x640x32xf32, #tpu.memory_space<hbm>> -> memref<640x32xf32, #tpu.memory_space<hbm>>
      tpu.wait_dma2 semaphore(%run_scoped3A : memref<!tpu.dma_semaphore, #tpu.memory_space<semaphore_mem>>) src(%dma_wait3A_184 : memref<640x32xf32, #tpu.memory_space<hbm>>) dst(%dma_wait3A_180 : memref<640x32xf32, #tpu.memory_space<vmem_shared>>)
      tpu.yield
    }) : () -> ()
    "tpu.region"() ({
      %run_scoped3A = tpu.sem_alloc : memref<!tpu.dma_semaphore, #tpu.memory_space<semaphore_mem>>
      %dma_start3A_173 = arith.constant 0 : i32
      %dma_start3A_174 = tpu.memref_slice %arg3[%mul3A_0, %dma_start3A_173] : memref<2560x128xi32, #tpu.memory_space<hbm>> -> memref<160x128xi32, #tpu.memory_space<hbm>>
      %dma_start3A_175 = arith.constant 0 : i32
      %dma_start3A_176 = tpu.memref_slice %arg3[%mul3A_0, %dma_start3A_175] : memref<2560x128xi32, #tpu.memory_space<hbm>> -> memref<160x128xi32, #tpu.memory_space<hbm>>
      tpu.enqueue_dma source(%dma_start3A_176 : memref<160x128xi32, #tpu.memory_space<hbm>>) target(%arg7 : memref<160x128xi32, #tpu.memory_space<vmem>>) target_semaphore(%run_scoped3A : memref<!tpu.dma_semaphore, #tpu.memory_space<semaphore_mem>>)
      %dma_wait3A_177 = arith.constant 0 : i32
      %dma_wait3A_178 = tpu.memref_slice %arg3[%mul3A_0, %dma_wait3A_177] : memref<2560x128xi32, #tpu.memory_space<hbm>> -> memref<160x128xi32, #tpu.memory_space<hbm>>
      %dma_wait3A_179 = arith.constant 0 : i32
      %dma_wait3A_180 = tpu.memref_slice %arg3[%mul3A_0, %dma_wait3A_179] : memref<2560x128xi32, #tpu.memory_space<hbm>> -> memref<160x128xi32, #tpu.memory_space<hbm>>
      tpu.wait_dma2 semaphore(%run_scoped3A : memref<!tpu.dma_semaphore, #tpu.memory_space<semaphore_mem>>) src(%dma_wait3A_180 : memref<160x128xi32, #tpu.memory_space<hbm>>) dst(%arg7 : memref<160x128xi32, #tpu.memory_space<vmem>>)
      tpu.yield
    }) : () -> ()
    "tpu.region"() ({
      %run_scoped3A = tpu.sem_alloc : memref<!tpu.dma_semaphore, #tpu.memory_space<semaphore_mem>>
      %dma_start3A_173 = arith.constant 0 : i32
      %dma_start3A_174 = tpu.memref_slice %arg4[%mul3A_0, %dma_start3A_173] : memref<2560x128xi32, #tpu.memory_space<hbm>> -> memref<160x128xi32, #tpu.memory_space<hbm>>
      %dma_start3A_175 = arith.constant 0 : i32
      %dma_start3A_176 = tpu.memref_slice %arg4[%mul3A_0, %dma_start3A_175] : memref<2560x128xi32, #tpu.memory_space<hbm>> -> memref<160x128xi32, #tpu.memory_space<hbm>>
      tpu.enqueue_dma source(%dma_start3A_176 : memref<160x128xi32, #tpu.memory_space<hbm>>) target(%arg8 : memref<160x128xi32, #tpu.memory_space<vmem>>) target_semaphore(%run_scoped3A : memref<!tpu.dma_semaphore, #tpu.memory_space<semaphore_mem>>)
      %dma_wait3A_177 = arith.constant 0 : i32
      %dma_wait3A_178 = tpu.memref_slice %arg4[%mul3A_0, %dma_wait3A_177] : memref<2560x128xi32, #tpu.memory_space<hbm>> -> memref<160x128xi32, #tpu.memory_space<hbm>>
      %dma_wait3A_179 = arith.constant 0 : i32
      %dma_wait3A_180 = tpu.memref_slice %arg4[%mul3A_0, %dma_wait3A_179] : memref<2560x128xi32, #tpu.memory_space<hbm>> -> memref<160x128xi32, #tpu.memory_space<hbm>>
      tpu.wait_dma2 semaphore(%run_scoped3A : memref<!tpu.dma_semaphore, #tpu.memory_space<semaphore_mem>>) src(%dma_wait3A_180 : memref<160x128xi32, #tpu.memory_space<hbm>>) dst(%arg8 : memref<160x128xi32, #tpu.memory_space<vmem>>)
      tpu.yield
    }) : () -> ()
    %barrier3A = arith.constant 0 : index
    tpu.barrier barrier_id(%barrier3A)
    %ge3A = arith.constant 0 : i32
    %ge3A_3 = arith.constant 160 : i32
    %ge3A_4 = arith.cmpi sge, %ge3A, %ge3A_3 : i32
    %sub3A = arith.constant 0 : i32
    %sub3A_5 = arith.constant 160 : i32
    %sub3A_6 = arith.subi %sub3A, %sub3A_5 : i32
    %jit3A = arith.constant 0 : i32
    %select_n3A = arith.select %ge3A_4, %sub3A_6, %jit3A : i32
    %dma_start3A = arith.constant 0 : i32
    %dma_start3A_7 = tpu.memref_slice %arg7[%select_n3A, %dma_start3A] : memref<160x128xi32, #tpu.memory_space<vmem>> -> memref<1x128xi32, #tpu.memory_space<vmem>>
    %dma_start3A_8 = tpu.memref_squeeze %dma_start3A_7 : memref<1x128xi32, #tpu.memory_space<vmem>> -> memref<128xi32, #tpu.memory_space<vmem>>
    %dma_start3A_9 = arith.constant 0 : i32
    %dma_start3A_10 = arith.constant 0 : i32
    %dma_start3A_11 = tpu.memref_slice %arg2[%dma_start3A_9, %dma_start3A_10] : memref<10000x32xf32, #tpu.memory_space<hbm>> -> memref<10000x32xf32, #tpu.memory_space<hbm>>
    tpu.enqueue_indirect_dma source(%dma_start3A_11 : memref<10000x32xf32, #tpu.memory_space<hbm>>) target(%arg10 : memref<128x32xf32, #tpu.memory_space<vmem>>) offsets(%dma_start3A_8 : memref<128xi32, #tpu.memory_space<vmem>>) semaphore(%arg18 : memref<!tpu.dma_semaphore, #tpu.memory_space<semaphore_mem>>)
    %ge3A_12 = arith.constant 1 : i32
    %ge3A_13 = arith.constant 160 : i32
    %ge3A_14 = arith.cmpi sge, %ge3A_12, %ge3A_13 : i32
    %sub3A_15 = arith.constant 1 : i32
    %sub3A_16 = arith.constant 160 : i32
    %sub3A_17 = arith.subi %sub3A_15, %sub3A_16 : i32
    %jit3A_18 = arith.constant 1 : i32
    %select_n3A_19 = arith.select %ge3A_14, %sub3A_17, %jit3A_18 : i32
    %dma_start3A_20 = arith.constant 0 : i32
    %dma_start3A_21 = tpu.memref_slice %arg7[%select_n3A_19, %dma_start3A_20] : memref<160x128xi32, #tpu.memory_space<vmem>> -> memref<1x128xi32, #tpu.memory_space<vmem>>
    %dma_start3A_22 = tpu.memref_squeeze %dma_start3A_21 : memref<1x128xi32, #tpu.memory_space<vmem>> -> memref<128xi32, #tpu.memory_space<vmem>>
    %dma_start3A_23 = arith.constant 0 : i32
    %dma_start3A_24 = arith.constant 0 : i32
    %dma_start3A_25 = tpu.memref_slice %arg2[%dma_start3A_23, %dma_start3A_24] : memref<10000x32xf32, #tpu.memory_space<hbm>> -> memref<10000x32xf32, #tpu.memory_space<hbm>>
    tpu.enqueue_indirect_dma source(%dma_start3A_25 : memref<10000x32xf32, #tpu.memory_space<hbm>>) target(%arg11 : memref<128x32xf32, #tpu.memory_space<vmem>>) offsets(%dma_start3A_22 : memref<128xi32, #tpu.memory_space<vmem>>) semaphore(%arg19 : memref<!tpu.dma_semaphore, #tpu.memory_space<semaphore_mem>>)
    %ge3A_26 = arith.constant 2 : i32
    %ge3A_27 = arith.constant 160 : i32
    %ge3A_28 = arith.cmpi sge, %ge3A_26, %ge3A_27 : i32
    %sub3A_29 = arith.constant 2 : i32
    %sub3A_30 = arith.constant 160 : i32
    %sub3A_31 = arith.subi %sub3A_29, %sub3A_30 : i32
    %jit3A_32 = arith.constant 2 : i32
    %select_n3A_33 = arith.select %ge3A_28, %sub3A_31, %jit3A_32 : i32
    %dma_start3A_34 = arith.constant 0 : i32
    %dma_start3A_35 = tpu.memref_slice %arg7[%select_n3A_33, %dma_start3A_34] : memref<160x128xi32, #tpu.memory_space<vmem>> -> memref<1x128xi32, #tpu.memory_space<vmem>>
    %dma_start3A_36 = tpu.memref_squeeze %dma_start3A_35 : memref<1x128xi32, #tpu.memory_space<vmem>> -> memref<128xi32, #tpu.memory_space<vmem>>
    %dma_start3A_37 = arith.constant 0 : i32
    %dma_start3A_38 = arith.constant 0 : i32
    %dma_start3A_39 = tpu.memref_slice %arg2[%dma_start3A_37, %dma_start3A_38] : memref<10000x32xf32, #tpu.memory_space<hbm>> -> memref<10000x32xf32, #tpu.memory_space<hbm>>
    tpu.enqueue_indirect_dma source(%dma_start3A_39 : memref<10000x32xf32, #tpu.memory_space<hbm>>) target(%arg12 : memref<128x32xf32, #tpu.memory_space<vmem>>) offsets(%dma_start3A_36 : memref<128xi32, #tpu.memory_space<vmem>>) semaphore(%arg20 : memref<!tpu.dma_semaphore, #tpu.memory_space<semaphore_mem>>)
    %ge3A_40 = arith.constant 3 : i32
    %ge3A_41 = arith.constant 160 : i32
    %ge3A_42 = arith.cmpi sge, %ge3A_40, %ge3A_41 : i32
    %sub3A_43 = arith.constant 3 : i32
    %sub3A_44 = arith.constant 160 : i32
    %sub3A_45 = arith.subi %sub3A_43, %sub3A_44 : i32
    %jit3A_46 = arith.constant 3 : i32
    %select_n3A_47 = arith.select %ge3A_42, %sub3A_45, %jit3A_46 : i32
    %dma_start3A_48 = arith.constant 0 : i32
    %dma_start3A_49 = tpu.memref_slice %arg7[%select_n3A_47, %dma_start3A_48] : memref<160x128xi32, #tpu.memory_space<vmem>> -> memref<1x128xi32, #tpu.memory_space<vmem>>
    %dma_start3A_50 = tpu.memref_squeeze %dma_start3A_49 : memref<1x128xi32, #tpu.memory_space<vmem>> -> memref<128xi32, #tpu.memory_space<vmem>>
    %dma_start3A_51 = arith.constant 0 : i32
    %dma_start3A_52 = arith.constant 0 : i32
    %dma_start3A_53 = tpu.memref_slice %arg2[%dma_start3A_51, %dma_start3A_52] : memref<10000x32xf32, #tpu.memory_space<hbm>> -> memref<10000x32xf32, #tpu.memory_space<hbm>>
    tpu.enqueue_indirect_dma source(%dma_start3A_53 : memref<10000x32xf32, #tpu.memory_space<hbm>>) target(%arg13 : memref<128x32xf32, #tpu.memory_space<vmem>>) offsets(%dma_start3A_50 : memref<128xi32, #tpu.memory_space<vmem>>) semaphore(%arg21 : memref<!tpu.dma_semaphore, #tpu.memory_space<semaphore_mem>>)
    %ge3A_54 = arith.constant 4 : i32
    %ge3A_55 = arith.constant 160 : i32
    %ge3A_56 = arith.cmpi sge, %ge3A_54, %ge3A_55 : i32
    %sub3A_57 = arith.constant 4 : i32
    %sub3A_58 = arith.constant 160 : i32
    %sub3A_59 = arith.subi %sub3A_57, %sub3A_58 : i32
    %jit3A_60 = arith.constant 4 : i32
    %select_n3A_61 = arith.select %ge3A_56, %sub3A_59, %jit3A_60 : i32
    %dma_start3A_62 = arith.constant 0 : i32
    %dma_start3A_63 = tpu.memref_slice %arg7[%select_n3A_61, %dma_start3A_62] : memref<160x128xi32, #tpu.memory_space<vmem>> -> memref<1x128xi32, #tpu.memory_space<vmem>>
    %dma_start3A_64 = tpu.memref_squeeze %dma_start3A_63 : memref<1x128xi32, #tpu.memory_space<vmem>> -> memref<128xi32, #tpu.memory_space<vmem>>
    %dma_start3A_65 = arith.constant 0 : i32
    %dma_start3A_66 = arith.constant 0 : i32
    %dma_start3A_67 = tpu.memref_slice %arg2[%dma_start3A_65, %dma_start3A_66] : memref<10000x32xf32, #tpu.memory_space<hbm>> -> memref<10000x32xf32, #tpu.memory_space<hbm>>
    tpu.enqueue_indirect_dma source(%dma_start3A_67 : memref<10000x32xf32, #tpu.memory_space<hbm>>) target(%arg14 : memref<128x32xf32, #tpu.memory_space<vmem>>) offsets(%dma_start3A_64 : memref<128xi32, #tpu.memory_space<vmem>>) semaphore(%arg22 : memref<!tpu.dma_semaphore, #tpu.memory_space<semaphore_mem>>)
    %ge3A_68 = arith.constant 5 : i32
    %ge3A_69 = arith.constant 160 : i32
    %ge3A_70 = arith.cmpi sge, %ge3A_68, %ge3A_69 : i32
    %sub3A_71 = arith.constant 5 : i32
    %sub3A_72 = arith.constant 160 : i32
    %sub3A_73 = arith.subi %sub3A_71, %sub3A_72 : i32
    %jit3A_74 = arith.constant 5 : i32
    %select_n3A_75 = arith.select %ge3A_70, %sub3A_73, %jit3A_74 : i32
    %dma_start3A_76 = arith.constant 0 : i32
    %dma_start3A_77 = tpu.memref_slice %arg7[%select_n3A_75, %dma_start3A_76] : memref<160x128xi32, #tpu.memory_space<vmem>> -> memref<1x128xi32, #tpu.memory_space<vmem>>
    %dma_start3A_78 = tpu.memref_squeeze %dma_start3A_77 : memref<1x128xi32, #tpu.memory_space<vmem>> -> memref<128xi32, #tpu.memory_space<vmem>>
    %dma_start3A_79 = arith.constant 0 : i32
    %dma_start3A_80 = arith.constant 0 : i32
    %dma_start3A_81 = tpu.memref_slice %arg2[%dma_start3A_79, %dma_start3A_80] : memref<10000x32xf32, #tpu.memory_space<hbm>> -> memref<10000x32xf32, #tpu.memory_space<hbm>>
    tpu.enqueue_indirect_dma source(%dma_start3A_81 : memref<10000x32xf32, #tpu.memory_space<hbm>>) target(%arg15 : memref<128x32xf32, #tpu.memory_space<vmem>>) offsets(%dma_start3A_78 : memref<128xi32, #tpu.memory_space<vmem>>) semaphore(%arg23 : memref<!tpu.dma_semaphore, #tpu.memory_space<semaphore_mem>>)
    %ge3A_82 = arith.constant 6 : i32
    %ge3A_83 = arith.constant 160 : i32
    %ge3A_84 = arith.cmpi sge, %ge3A_82, %ge3A_83 : i32
    %sub3A_85 = arith.constant 6 : i32
    %sub3A_86 = arith.constant 160 : i32
    %sub3A_87 = arith.subi %sub3A_85, %sub3A_86 : i32
    %jit3A_88 = arith.constant 6 : i32
    %select_n3A_89 = arith.select %ge3A_84, %sub3A_87, %jit3A_88 : i32
    %dma_start3A_90 = arith.constant 0 : i32
    %dma_start3A_91 = tpu.memref_slice %arg7[%select_n3A_89, %dma_start3A_90] : memref<160x128xi32, #tpu.memory_space<vmem>> -> memref<1x128xi32, #tpu.memory_space<vmem>>
    %dma_start3A_92 = tpu.memref_squeeze %dma_start3A_91 : memref<1x128xi32, #tpu.memory_space<vmem>> -> memref<128xi32, #tpu.memory_space<vmem>>
    %dma_start3A_93 = arith.constant 0 : i32
    %dma_start3A_94 = arith.constant 0 : i32
    %dma_start3A_95 = tpu.memref_slice %arg2[%dma_start3A_93, %dma_start3A_94] : memref<10000x32xf32, #tpu.memory_space<hbm>> -> memref<10000x32xf32, #tpu.memory_space<hbm>>
    tpu.enqueue_indirect_dma source(%dma_start3A_95 : memref<10000x32xf32, #tpu.memory_space<hbm>>) target(%arg16 : memref<128x32xf32, #tpu.memory_space<vmem>>) offsets(%dma_start3A_92 : memref<128xi32, #tpu.memory_space<vmem>>) semaphore(%arg24 : memref<!tpu.dma_semaphore, #tpu.memory_space<semaphore_mem>>)
    %ge3A_96 = arith.constant 7 : i32
    %ge3A_97 = arith.constant 160 : i32
    %ge3A_98 = arith.cmpi sge, %ge3A_96, %ge3A_97 : i32
    %sub3A_99 = arith.constant 7 : i32
    %sub3A_100 = arith.constant 160 : i32
    %sub3A_101 = arith.subi %sub3A_99, %sub3A_100 : i32
    %jit3A_102 = arith.constant 7 : i32
    %select_n3A_103 = arith.select %ge3A_98, %sub3A_101, %jit3A_102 : i32
    %dma_start3A_104 = arith.constant 0 : i32
    %dma_start3A_105 = tpu.memref_slice %arg7[%select_n3A_103, %dma_start3A_104] : memref<160x128xi32, #tpu.memory_space<vmem>> -> memref<1x128xi32, #tpu.memory_space<vmem>>
    %dma_start3A_106 = tpu.memref_squeeze %dma_start3A_105 : memref<1x128xi32, #tpu.memory_space<vmem>> -> memref<128xi32, #tpu.memory_space<vmem>>
    %dma_start3A_107 = arith.constant 0 : i32
    %dma_start3A_108 = arith.constant 0 : i32
    %dma_start3A_109 = tpu.memref_slice %arg2[%dma_start3A_107, %dma_start3A_108] : memref<10000x32xf32, #tpu.memory_space<hbm>> -> memref<10000x32xf32, #tpu.memory_space<hbm>>
    tpu.enqueue_indirect_dma source(%dma_start3A_109 : memref<10000x32xf32, #tpu.memory_space<hbm>>) target(%arg17 : memref<128x32xf32, #tpu.memory_space<vmem>>) offsets(%dma_start3A_106 : memref<128xi32, #tpu.memory_space<vmem>>) semaphore(%arg25 : memref<!tpu.dma_semaphore, #tpu.memory_space<semaphore_mem>>)
    %scan3A = arith.constant 0 : i32
    %scan3A_110 = arith.constant 0 : i32
    %scan3A_111 = arith.constant 20 : i32
    %scan3A_112 = arith.addi %scan3A_110, %scan3A_111 : i32
    %scan3A_113 = arith.constant 1 : i32
    scf.for %scan3A_173 = %scan3A_110 to %scan3A_112 step %scan3A_113  : i32 {
      %mul3A_174 = arith.constant 8 : i32
      %mul3A_175 = arith.muli %scan3A_173, %mul3A_174 : i32
      %add3A = arith.constant 0 : i32
      %add3A_176 = arith.addi %mul3A_175, %add3A : i32
      %dma_wait3A_177 = arith.constant 0 : i32
      %dma_wait3A_178 = tpu.memref_slice %arg7[%add3A_176, %dma_wait3A_177] : memref<160x128xi32, #tpu.memory_space<vmem>> -> memref<1x128xi32, #tpu.memory_space<vmem>>
      %dma_wait3A_179 = tpu.memref_squeeze %dma_wait3A_178 : memref<1x128xi32, #tpu.memory_space<vmem>> -> memref<128xi32, #tpu.memory_space<vmem>>
      %dma_wait3A_180 = arith.constant 0 : i32
      %dma_wait3A_181 = arith.constant 0 : i32
      %dma_wait3A_182 = tpu.memref_slice %arg2[%dma_wait3A_180, %dma_wait3A_181] : memref<10000x32xf32, #tpu.memory_space<hbm>> -> memref<10000x32xf32, #tpu.memory_space<hbm>>
      tpu.wait_indirect_dma semaphore(%arg18 : memref<!tpu.dma_semaphore, #tpu.memory_space<semaphore_mem>>) src(%dma_wait3A_182 : memref<10000x32xf32, #tpu.memory_space<hbm>>) dst(%arg10 : memref<128x32xf32, #tpu.memory_space<vmem>>)
      "tpu.region"() ({
        %run_scoped3A = tpu.sem_alloc : memref<!tpu.dma_semaphore, #tpu.memory_space<semaphore_mem>>
        %dma_start3A_343 = arith.constant 0 : i32
        %dma_start3A_344 = tpu.memref_slice %arg8[%add3A_176, %dma_start3A_343] : memref<160x128xi32, #tpu.memory_space<vmem>> -> memref<1x128xi32, #tpu.memory_space<vmem>>
        %dma_start3A_345 = tpu.memref_squeeze %dma_start3A_344 : memref<1x128xi32, #tpu.memory_space<vmem>> -> memref<128xi32, #tpu.memory_space<vmem>>
        %dma_start3A_346 = arith.constant 0 : i32
        %dma_start3A_347 = arith.constant 0 : i32
        %dma_start3A_348 = tpu.memref_slice %arg9[%dma_start3A_346, %dma_start3A_347] : memref<10240x32xf32, #tpu.memory_space<vmem_shared>> -> memref<10240x32xf32, #tpu.memory_space<vmem_shared>>
        tpu.enqueue_indirect_dma source(%arg10 : memref<128x32xf32, #tpu.memory_space<vmem>>) target(%dma_start3A_348 : memref<10240x32xf32, #tpu.memory_space<vmem_shared>>) offsets(%dma_start3A_345 : memref<128xi32, #tpu.memory_space<vmem>>) semaphore(%run_scoped3A : memref<!tpu.dma_semaphore, #tpu.memory_space<semaphore_mem>>) {add = true}
        %dma_wait3A_349 = arith.constant 0 : i32
        %dma_wait3A_350 = tpu.memref_slice %arg8[%add3A_176, %dma_wait3A_349] : memref<160x128xi32, #tpu.memory_space<vmem>> -> memref<1x128xi32, #tpu.memory_space<vmem>>
        %dma_wait3A_351 = tpu.memref_squeeze %dma_wait3A_350 : memref<1x128xi32, #tpu.memory_space<vmem>> -> memref<128xi32, #tpu.memory_space<vmem>>
        %dma_wait3A_352 = arith.constant 0 : i32
        %dma_wait3A_353 = arith.constant 0 : i32
        %dma_wait3A_354 = tpu.memref_slice %arg9[%dma_wait3A_352, %dma_wait3A_353] : memref<10240x32xf32, #tpu.memory_space<vmem_shared>> -> memref<10240x32xf32, #tpu.memory_space<vmem_shared>>
        tpu.wait_indirect_dma semaphore(%run_scoped3A : memref<!tpu.dma_semaphore, #tpu.memory_space<semaphore_mem>>) src(%arg10 : memref<128x32xf32, #tpu.memory_space<vmem>>) dst(%dma_wait3A_354 : memref<10240x32xf32, #tpu.memory_space<vmem_shared>>)
        tpu.yield
      }) : () -> ()
      %add3A_183 = arith.constant 8 : i32
      %add3A_184 = arith.addi %add3A_176, %add3A_183 : i32
      %ge3A_185 = arith.constant 160 : i32
      %ge3A_186 = arith.cmpi sge, %add3A_184, %ge3A_185 : i32
      %sub3A_187 = arith.constant 160 : i32
      %sub3A_188 = arith.subi %add3A_184, %sub3A_187 : i32
      %select_n3A_189 = arith.select %ge3A_186, %sub3A_188, %add3A_184 : i32
      %dma_start3A_190 = arith.constant 0 : i32
      %dma_start3A_191 = tpu.memref_slice %arg7[%select_n3A_189, %dma_start3A_190] : memref<160x128xi32, #tpu.memory_space<vmem>> -> memref<1x128xi32, #tpu.memory_space<vmem>>
      %dma_start3A_192 = tpu.memref_squeeze %dma_start3A_191 : memref<1x128xi32, #tpu.memory_space<vmem>> -> memref<128xi32, #tpu.memory_space<vmem>>
      %dma_start3A_193 = arith.constant 0 : i32
      %dma_start3A_194 = arith.constant 0 : i32
      %dma_start3A_195 = tpu.memref_slice %arg2[%dma_start3A_193, %dma_start3A_194] : memref<10000x32xf32, #tpu.memory_space<hbm>> -> memref<10000x32xf32, #tpu.memory_space<hbm>>
      tpu.enqueue_indirect_dma source(%dma_start3A_195 : memref<10000x32xf32, #tpu.memory_space<hbm>>) target(%arg10 : memref<128x32xf32, #tpu.memory_space<vmem>>) offsets(%dma_start3A_192 : memref<128xi32, #tpu.memory_space<vmem>>) semaphore(%arg18 : memref<!tpu.dma_semaphore, #tpu.memory_space<semaphore_mem>>)
      %add3A_196 = arith.constant 1 : i32
      %add3A_197 = arith.addi %mul3A_175, %add3A_196 : i32
      %dma_wait3A_198 = arith.constant 0 : i32
      %dma_wait3A_199 = tpu.memref_slice %arg7[%add3A_197, %dma_wait3A_198] : memref<160x128xi32, #tpu.memory_space<vmem>> -> memref<1x128xi32, #tpu.memory_space<vmem>>
      %dma_wait3A_200 = tpu.memref_squeeze %dma_wait3A_199 : memref<1x128xi32, #tpu.memory_space<vmem>> -> memref<128xi32, #tpu.memory_space<vmem>>
      %dma_wait3A_201 = arith.constant 0 : i32
      %dma_wait3A_202 = arith.constant 0 : i32
      %dma_wait3A_203 = tpu.memref_slice %arg2[%dma_wait3A_201, %dma_wait3A_202] : memref<10000x32xf32, #tpu.memory_space<hbm>> -> memref<10000x32xf32, #tpu.memory_space<hbm>>
      tpu.wait_indirect_dma semaphore(%arg19 : memref<!tpu.dma_semaphore, #tpu.memory_space<semaphore_mem>>) src(%dma_wait3A_203 : memref<10000x32xf32, #tpu.memory_space<hbm>>) dst(%arg11 : memref<128x32xf32, #tpu.memory_space<vmem>>)
      "tpu.region"() ({
        %run_scoped3A = tpu.sem_alloc : memref<!tpu.dma_semaphore, #tpu.memory_space<semaphore_mem>>
        %dma_start3A_343 = arith.constant 0 : i32
        %dma_start3A_344 = tpu.memref_slice %arg8[%add3A_197, %dma_start3A_343] : memref<160x128xi32, #tpu.memory_space<vmem>> -> memref<1x128xi32, #tpu.memory_space<vmem>>
        %dma_start3A_345 = tpu.memref_squeeze %dma_start3A_344 : memref<1x128xi32, #tpu.memory_space<vmem>> -> memref<128xi32, #tpu.memory_space<vmem>>
        %dma_start3A_346 = arith.constant 0 : i32
        %dma_start3A_347 = arith.constant 0 : i32
        %dma_start3A_348 = tpu.memref_slice %arg9[%dma_start3A_346, %dma_start3A_347] : memref<10240x32xf32, #tpu.memory_space<vmem_shared>> -> memref<10240x32xf32, #tpu.memory_space<vmem_shared>>
        tpu.enqueue_indirect_dma source(%arg11 : memref<128x32xf32, #tpu.memory_space<vmem>>) target(%dma_start3A_348 : memref<10240x32xf32, #tpu.memory_space<vmem_shared>>) offsets(%dma_start3A_345 : memref<128xi32, #tpu.memory_space<vmem>>) semaphore(%run_scoped3A : memref<!tpu.dma_semaphore, #tpu.memory_space<semaphore_mem>>) {add = true}
        %dma_wait3A_349 = arith.constant 0 : i32
        %dma_wait3A_350 = tpu.memref_slice %arg8[%add3A_197, %dma_wait3A_349] : memref<160x128xi32, #tpu.memory_space<vmem>> -> memref<1x128xi32, #tpu.memory_space<vmem>>
        %dma_wait3A_351 = tpu.memref_squeeze %dma_wait3A_350 : memref<1x128xi32, #tpu.memory_space<vmem>> -> memref<128xi32, #tpu.memory_space<vmem>>
        %dma_wait3A_352 = arith.constant 0 : i32
        %dma_wait3A_353 = arith.constant 0 : i32
        %dma_wait3A_354 = tpu.memref_slice %arg9[%dma_wait3A_352, %dma_wait3A_353] : memref<10240x32xf32, #tpu.memory_space<vmem_shared>> -> memref<10240x32xf32, #tpu.memory_space<vmem_shared>>
        tpu.wait_indirect_dma semaphore(%run_scoped3A : memref<!tpu.dma_semaphore, #tpu.memory_space<semaphore_mem>>) src(%arg11 : memref<128x32xf32, #tpu.memory_space<vmem>>) dst(%dma_wait3A_354 : memref<10240x32xf32, #tpu.memory_space<vmem_shared>>)
        tpu.yield
      }) : () -> ()
      %add3A_204 = arith.constant 8 : i32
      %add3A_205 = arith.addi %add3A_197, %add3A_204 : i32
      %ge3A_206 = arith.constant 160 : i32
      %ge3A_207 = arith.cmpi sge, %add3A_205, %ge3A_206 : i32
      %sub3A_208 = arith.constant 160 : i32
      %sub3A_209 = arith.subi %add3A_205, %sub3A_208 : i32
      %select_n3A_210 = arith.select %ge3A_207, %sub3A_209, %add3A_205 : i32
      %dma_start3A_211 = arith.constant 0 : i32
      %dma_start3A_212 = tpu.memref_slice %arg7[%select_n3A_210, %dma_start3A_211] : memref<160x128xi32, #tpu.memory_space<vmem>> -> memref<1x128xi32, #tpu.memory_space<vmem>>
      %dma_start3A_213 = tpu.memref_squeeze %dma_start3A_212 : memref<1x128xi32, #tpu.memory_space<vmem>> -> memref<128xi32, #tpu.memory_space<vmem>>
      %dma_start3A_214 = arith.constant 0 : i32
      %dma_start3A_215 = arith.constant 0 : i32
      %dma_start3A_216 = tpu.memref_slice %arg2[%dma_start3A_214, %dma_start3A_215] : memref<10000x32xf32, #tpu.memory_space<hbm>> -> memref<10000x32xf32, #tpu.memory_space<hbm>>
      tpu.enqueue_indirect_dma source(%dma_start3A_216 : memref<10000x32xf32, #tpu.memory_space<hbm>>) target(%arg11 : memref<128x32xf32, #tpu.memory_space<vmem>>) offsets(%dma_start3A_213 : memref<128xi32, #tpu.memory_space<vmem>>) semaphore(%arg19 : memref<!tpu.dma_semaphore, #tpu.memory_space<semaphore_mem>>)
      %add3A_217 = arith.constant 2 : i32
      %add3A_218 = arith.addi %mul3A_175, %add3A_217 : i32
      %dma_wait3A_219 = arith.constant 0 : i32
      %dma_wait3A_220 = tpu.memref_slice %arg7[%add3A_218, %dma_wait3A_219] : memref<160x128xi32, #tpu.memory_space<vmem>> -> memref<1x128xi32, #tpu.memory_space<vmem>>
      %dma_wait3A_221 = tpu.memref_squeeze %dma_wait3A_220 : memref<1x128xi32, #tpu.memory_space<vmem>> -> memref<128xi32, #tpu.memory_space<vmem>>
      %dma_wait3A_222 = arith.constant 0 : i32
      %dma_wait3A_223 = arith.constant 0 : i32
      %dma_wait3A_224 = tpu.memref_slice %arg2[%dma_wait3A_222, %dma_wait3A_223] : memref<10000x32xf32, #tpu.memory_space<hbm>> -> memref<10000x32xf32, #tpu.memory_space<hbm>>
      tpu.wait_indirect_dma semaphore(%arg20 : memref<!tpu.dma_semaphore, #tpu.memory_space<semaphore_mem>>) src(%dma_wait3A_224 : memref<10000x32xf32, #tpu.memory_space<hbm>>) dst(%arg12 : memref<128x32xf32, #tpu.memory_space<vmem>>)
      "tpu.region"() ({
        %run_scoped3A = tpu.sem_alloc : memref<!tpu.dma_semaphore, #tpu.memory_space<semaphore_mem>>
        %dma_start3A_343 = arith.constant 0 : i32
        %dma_start3A_344 = tpu.memref_slice %arg8[%add3A_218, %dma_start3A_343] : memref<160x128xi32, #tpu.memory_space<vmem>> -> memref<1x128xi32, #tpu.memory_space<vmem>>
        %dma_start3A_345 = tpu.memref_squeeze %dma_start3A_344 : memref<1x128xi32, #tpu.memory_space<vmem>> -> memref<128xi32, #tpu.memory_space<vmem>>
        %dma_start3A_346 = arith.constant 0 : i32
        %dma_start3A_347 = arith.constant 0 : i32
        %dma_start3A_348 = tpu.memref_slice %arg9[%dma_start3A_346, %dma_start3A_347] : memref<10240x32xf32, #tpu.memory_space<vmem_shared>> -> memref<10240x32xf32, #tpu.memory_space<vmem_shared>>
        tpu.enqueue_indirect_dma source(%arg12 : memref<128x32xf32, #tpu.memory_space<vmem>>) target(%dma_start3A_348 : memref<10240x32xf32, #tpu.memory_space<vmem_shared>>) offsets(%dma_start3A_345 : memref<128xi32, #tpu.memory_space<vmem>>) semaphore(%run_scoped3A : memref<!tpu.dma_semaphore, #tpu.memory_space<semaphore_mem>>) {add = true}
        %dma_wait3A_349 = arith.constant 0 : i32
        %dma_wait3A_350 = tpu.memref_slice %arg8[%add3A_218, %dma_wait3A_349] : memref<160x128xi32, #tpu.memory_space<vmem>> -> memref<1x128xi32, #tpu.memory_space<vmem>>
        %dma_wait3A_351 = tpu.memref_squeeze %dma_wait3A_350 : memref<1x128xi32, #tpu.memory_space<vmem>> -> memref<128xi32, #tpu.memory_space<vmem>>
        %dma_wait3A_352 = arith.constant 0 : i32
        %dma_wait3A_353 = arith.constant 0 : i32
        %dma_wait3A_354 = tpu.memref_slice %arg9[%dma_wait3A_352, %dma_wait3A_353] : memref<10240x32xf32, #tpu.memory_space<vmem_shared>> -> memref<10240x32xf32, #tpu.memory_space<vmem_shared>>
        tpu.wait_indirect_dma semaphore(%run_scoped3A : memref<!tpu.dma_semaphore, #tpu.memory_space<semaphore_mem>>) src(%arg12 : memref<128x32xf32, #tpu.memory_space<vmem>>) dst(%dma_wait3A_354 : memref<10240x32xf32, #tpu.memory_space<vmem_shared>>)
        tpu.yield
      }) : () -> ()
      %add3A_225 = arith.constant 8 : i32
      %add3A_226 = arith.addi %add3A_218, %add3A_225 : i32
      %ge3A_227 = arith.constant 160 : i32
      %ge3A_228 = arith.cmpi sge, %add3A_226, %ge3A_227 : i32
      %sub3A_229 = arith.constant 160 : i32
      %sub3A_230 = arith.subi %add3A_226, %sub3A_229 : i32
      %select_n3A_231 = arith.select %ge3A_228, %sub3A_230, %add3A_226 : i32
      %dma_start3A_232 = arith.constant 0 : i32
      %dma_start3A_233 = tpu.memref_slice %arg7[%select_n3A_231, %dma_start3A_232] : memref<160x128xi32, #tpu.memory_space<vmem>> -> memref<1x128xi32, #tpu.memory_space<vmem>>
      %dma_start3A_234 = tpu.memref_squeeze %dma_start3A_233 : memref<1x128xi32, #tpu.memory_space<vmem>> -> memref<128xi32, #tpu.memory_space<vmem>>
      %dma_start3A_235 = arith.constant 0 : i32
      %dma_start3A_236 = arith.constant 0 : i32
      %dma_start3A_237 = tpu.memref_slice %arg2[%dma_start3A_235, %dma_start3A_236] : memref<10000x32xf32, #tpu.memory_space<hbm>> -> memref<10000x32xf32, #tpu.memory_space<hbm>>
      tpu.enqueue_indirect_dma source(%dma_start3A_237 : memref<10000x32xf32, #tpu.memory_space<hbm>>) target(%arg12 : memref<128x32xf32, #tpu.memory_space<vmem>>) offsets(%dma_start3A_234 : memref<128xi32, #tpu.memory_space<vmem>>) semaphore(%arg20 : memref<!tpu.dma_semaphore, #tpu.memory_space<semaphore_mem>>)
      %add3A_238 = arith.constant 3 : i32
      %add3A_239 = arith.addi %mul3A_175, %add3A_238 : i32
      %dma_wait3A_240 = arith.constant 0 : i32
      %dma_wait3A_241 = tpu.memref_slice %arg7[%add3A_239, %dma_wait3A_240] : memref<160x128xi32, #tpu.memory_space<vmem>> -> memref<1x128xi32, #tpu.memory_space<vmem>>
      %dma_wait3A_242 = tpu.memref_squeeze %dma_wait3A_241 : memref<1x128xi32, #tpu.memory_space<vmem>> -> memref<128xi32, #tpu.memory_space<vmem>>
      %dma_wait3A_243 = arith.constant 0 : i32
      %dma_wait3A_244 = arith.constant 0 : i32
      %dma_wait3A_245 = tpu.memref_slice %arg2[%dma_wait3A_243, %dma_wait3A_244] : memref<10000x32xf32, #tpu.memory_space<hbm>> -> memref<10000x32xf32, #tpu.memory_space<hbm>>
      tpu.wait_indirect_dma semaphore(%arg21 : memref<!tpu.dma_semaphore, #tpu.memory_space<semaphore_mem>>) src(%dma_wait3A_245 : memref<10000x32xf32, #tpu.memory_space<hbm>>) dst(%arg13 : memref<128x32xf32, #tpu.memory_space<vmem>>)
      "tpu.region"() ({
        %run_scoped3A = tpu.sem_alloc : memref<!tpu.dma_semaphore, #tpu.memory_space<semaphore_mem>>
        %dma_start3A_343 = arith.constant 0 : i32
        %dma_start3A_344 = tpu.memref_slice %arg8[%add3A_239, %dma_start3A_343] : memref<160x128xi32, #tpu.memory_space<vmem>> -> memref<1x128xi32, #tpu.memory_space<vmem>>
        %dma_start3A_345 = tpu.memref_squeeze %dma_start3A_344 : memref<1x128xi32, #tpu.memory_space<vmem>> -> memref<128xi32, #tpu.memory_space<vmem>>
        %dma_start3A_346 = arith.constant 0 : i32
        %dma_start3A_347 = arith.constant 0 : i32
        %dma_start3A_348 = tpu.memref_slice %arg9[%dma_start3A_346, %dma_start3A_347] : memref<10240x32xf32, #tpu.memory_space<vmem_shared>> -> memref<10240x32xf32, #tpu.memory_space<vmem_shared>>
        tpu.enqueue_indirect_dma source(%arg13 : memref<128x32xf32, #tpu.memory_space<vmem>>) target(%dma_start3A_348 : memref<10240x32xf32, #tpu.memory_space<vmem_shared>>) offsets(%dma_start3A_345 : memref<128xi32, #tpu.memory_space<vmem>>) semaphore(%run_scoped3A : memref<!tpu.dma_semaphore, #tpu.memory_space<semaphore_mem>>) {add = true}
        %dma_wait3A_349 = arith.constant 0 : i32
        %dma_wait3A_350 = tpu.memref_slice %arg8[%add3A_239, %dma_wait3A_349] : memref<160x128xi32, #tpu.memory_space<vmem>> -> memref<1x128xi32, #tpu.memory_space<vmem>>
        %dma_wait3A_351 = tpu.memref_squeeze %dma_wait3A_350 : memref<1x128xi32, #tpu.memory_space<vmem>> -> memref<128xi32, #tpu.memory_space<vmem>>
        %dma_wait3A_352 = arith.constant 0 : i32
        %dma_wait3A_353 = arith.constant 0 : i32
        %dma_wait3A_354 = tpu.memref_slice %arg9[%dma_wait3A_352, %dma_wait3A_353] : memref<10240x32xf32, #tpu.memory_space<vmem_shared>> -> memref<10240x32xf32, #tpu.memory_space<vmem_shared>>
        tpu.wait_indirect_dma semaphore(%run_scoped3A : memref<!tpu.dma_semaphore, #tpu.memory_space<semaphore_mem>>) src(%arg13 : memref<128x32xf32, #tpu.memory_space<vmem>>) dst(%dma_wait3A_354 : memref<10240x32xf32, #tpu.memory_space<vmem_shared>>)
        tpu.yield
      }) : () -> ()
      %add3A_246 = arith.constant 8 : i32
      %add3A_247 = arith.addi %add3A_239, %add3A_246 : i32
      %ge3A_248 = arith.constant 160 : i32
      %ge3A_249 = arith.cmpi sge, %add3A_247, %ge3A_248 : i32
      %sub3A_250 = arith.constant 160 : i32
      %sub3A_251 = arith.subi %add3A_247, %sub3A_250 : i32
      %select_n3A_252 = arith.select %ge3A_249, %sub3A_251, %add3A_247 : i32
      %dma_start3A_253 = arith.constant 0 : i32
      %dma_start3A_254 = tpu.memref_slice %arg7[%select_n3A_252, %dma_start3A_253] : memref<160x128xi32, #tpu.memory_space<vmem>> -> memref<1x128xi32, #tpu.memory_space<vmem>>
      %dma_start3A_255 = tpu.memref_squeeze %dma_start3A_254 : memref<1x128xi32, #tpu.memory_space<vmem>> -> memref<128xi32, #tpu.memory_space<vmem>>
      %dma_start3A_256 = arith.constant 0 : i32
      %dma_start3A_257 = arith.constant 0 : i32
      %dma_start3A_258 = tpu.memref_slice %arg2[%dma_start3A_256, %dma_start3A_257] : memref<10000x32xf32, #tpu.memory_space<hbm>> -> memref<10000x32xf32, #tpu.memory_space<hbm>>
      tpu.enqueue_indirect_dma source(%dma_start3A_258 : memref<10000x32xf32, #tpu.memory_space<hbm>>) target(%arg13 : memref<128x32xf32, #tpu.memory_space<vmem>>) offsets(%dma_start3A_255 : memref<128xi32, #tpu.memory_space<vmem>>) semaphore(%arg21 : memref<!tpu.dma_semaphore, #tpu.memory_space<semaphore_mem>>)
      %add3A_259 = arith.constant 4 : i32
      %add3A_260 = arith.addi %mul3A_175, %add3A_259 : i32
      %dma_wait3A_261 = arith.constant 0 : i32
      %dma_wait3A_262 = tpu.memref_slice %arg7[%add3A_260, %dma_wait3A_261] : memref<160x128xi32, #tpu.memory_space<vmem>> -> memref<1x128xi32, #tpu.memory_space<vmem>>
      %dma_wait3A_263 = tpu.memref_squeeze %dma_wait3A_262 : memref<1x128xi32, #tpu.memory_space<vmem>> -> memref<128xi32, #tpu.memory_space<vmem>>
      %dma_wait3A_264 = arith.constant 0 : i32
      %dma_wait3A_265 = arith.constant 0 : i32
      %dma_wait3A_266 = tpu.memref_slice %arg2[%dma_wait3A_264, %dma_wait3A_265] : memref<10000x32xf32, #tpu.memory_space<hbm>> -> memref<10000x32xf32, #tpu.memory_space<hbm>>
      tpu.wait_indirect_dma semaphore(%arg22 : memref<!tpu.dma_semaphore, #tpu.memory_space<semaphore_mem>>) src(%dma_wait3A_266 : memref<10000x32xf32, #tpu.memory_space<hbm>>) dst(%arg14 : memref<128x32xf32, #tpu.memory_space<vmem>>)
      "tpu.region"() ({
        %run_scoped3A = tpu.sem_alloc : memref<!tpu.dma_semaphore, #tpu.memory_space<semaphore_mem>>
        %dma_start3A_343 = arith.constant 0 : i32
        %dma_start3A_344 = tpu.memref_slice %arg8[%add3A_260, %dma_start3A_343] : memref<160x128xi32, #tpu.memory_space<vmem>> -> memref<1x128xi32, #tpu.memory_space<vmem>>
        %dma_start3A_345 = tpu.memref_squeeze %dma_start3A_344 : memref<1x128xi32, #tpu.memory_space<vmem>> -> memref<128xi32, #tpu.memory_space<vmem>>
        %dma_start3A_346 = arith.constant 0 : i32
        %dma_start3A_347 = arith.constant 0 : i32
        %dma_start3A_348 = tpu.memref_slice %arg9[%dma_start3A_346, %dma_start3A_347] : memref<10240x32xf32, #tpu.memory_space<vmem_shared>> -> memref<10240x32xf32, #tpu.memory_space<vmem_shared>>
        tpu.enqueue_indirect_dma source(%arg14 : memref<128x32xf32, #tpu.memory_space<vmem>>) target(%dma_start3A_348 : memref<10240x32xf32, #tpu.memory_space<vmem_shared>>) offsets(%dma_start3A_345 : memref<128xi32, #tpu.memory_space<vmem>>) semaphore(%run_scoped3A : memref<!tpu.dma_semaphore, #tpu.memory_space<semaphore_mem>>) {add = true}
        %dma_wait3A_349 = arith.constant 0 : i32
        %dma_wait3A_350 = tpu.memref_slice %arg8[%add3A_260, %dma_wait3A_349] : memref<160x128xi32, #tpu.memory_space<vmem>> -> memref<1x128xi32, #tpu.memory_space<vmem>>
        %dma_wait3A_351 = tpu.memref_squeeze %dma_wait3A_350 : memref<1x128xi32, #tpu.memory_space<vmem>> -> memref<128xi32, #tpu.memory_space<vmem>>
        %dma_wait3A_352 = arith.constant 0 : i32
        %dma_wait3A_353 = arith.constant 0 : i32
        %dma_wait3A_354 = tpu.memref_slice %arg9[%dma_wait3A_352, %dma_wait3A_353] : memref<10240x32xf32, #tpu.memory_space<vmem_shared>> -> memref<10240x32xf32, #tpu.memory_space<vmem_shared>>
        tpu.wait_indirect_dma semaphore(%run_scoped3A : memref<!tpu.dma_semaphore, #tpu.memory_space<semaphore_mem>>) src(%arg14 : memref<128x32xf32, #tpu.memory_space<vmem>>) dst(%dma_wait3A_354 : memref<10240x32xf32, #tpu.memory_space<vmem_shared>>)
        tpu.yield
      }) : () -> ()
      %add3A_267 = arith.constant 8 : i32
      %add3A_268 = arith.addi %add3A_260, %add3A_267 : i32
      %ge3A_269 = arith.constant 160 : i32
      %ge3A_270 = arith.cmpi sge, %add3A_268, %ge3A_269 : i32
      %sub3A_271 = arith.constant 160 : i32
      %sub3A_272 = arith.subi %add3A_268, %sub3A_271 : i32
      %select_n3A_273 = arith.select %ge3A_270, %sub3A_272, %add3A_268 : i32
      %dma_start3A_274 = arith.constant 0 : i32
      %dma_start3A_275 = tpu.memref_slice %arg7[%select_n3A_273, %dma_start3A_274] : memref<160x128xi32, #tpu.memory_space<vmem>> -> memref<1x128xi32, #tpu.memory_space<vmem>>
      %dma_start3A_276 = tpu.memref_squeeze %dma_start3A_275 : memref<1x128xi32, #tpu.memory_space<vmem>> -> memref<128xi32, #tpu.memory_space<vmem>>
      %dma_start3A_277 = arith.constant 0 : i32
      %dma_start3A_278 = arith.constant 0 : i32
      %dma_start3A_279 = tpu.memref_slice %arg2[%dma_start3A_277, %dma_start3A_278] : memref<10000x32xf32, #tpu.memory_space<hbm>> -> memref<10000x32xf32, #tpu.memory_space<hbm>>
      tpu.enqueue_indirect_dma source(%dma_start3A_279 : memref<10000x32xf32, #tpu.memory_space<hbm>>) target(%arg14 : memref<128x32xf32, #tpu.memory_space<vmem>>) offsets(%dma_start3A_276 : memref<128xi32, #tpu.memory_space<vmem>>) semaphore(%arg22 : memref<!tpu.dma_semaphore, #tpu.memory_space<semaphore_mem>>)
      %add3A_280 = arith.constant 5 : i32
      %add3A_281 = arith.addi %mul3A_175, %add3A_280 : i32
      %dma_wait3A_282 = arith.constant 0 : i32
      %dma_wait3A_283 = tpu.memref_slice %arg7[%add3A_281, %dma_wait3A_282] : memref<160x128xi32, #tpu.memory_space<vmem>> -> memref<1x128xi32, #tpu.memory_space<vmem>>
      %dma_wait3A_284 = tpu.memref_squeeze %dma_wait3A_283 : memref<1x128xi32, #tpu.memory_space<vmem>> -> memref<128xi32, #tpu.memory_space<vmem>>
      %dma_wait3A_285 = arith.constant 0 : i32
      %dma_wait3A_286 = arith.constant 0 : i32
      %dma_wait3A_287 = tpu.memref_slice %arg2[%dma_wait3A_285, %dma_wait3A_286] : memref<10000x32xf32, #tpu.memory_space<hbm>> -> memref<10000x32xf32, #tpu.memory_space<hbm>>
      tpu.wait_indirect_dma semaphore(%arg23 : memref<!tpu.dma_semaphore, #tpu.memory_space<semaphore_mem>>) src(%dma_wait3A_287 : memref<10000x32xf32, #tpu.memory_space<hbm>>) dst(%arg15 : memref<128x32xf32, #tpu.memory_space<vmem>>)
      "tpu.region"() ({
        %run_scoped3A = tpu.sem_alloc : memref<!tpu.dma_semaphore, #tpu.memory_space<semaphore_mem>>
        %dma_start3A_343 = arith.constant 0 : i32
        %dma_start3A_344 = tpu.memref_slice %arg8[%add3A_281, %dma_start3A_343] : memref<160x128xi32, #tpu.memory_space<vmem>> -> memref<1x128xi32, #tpu.memory_space<vmem>>
        %dma_start3A_345 = tpu.memref_squeeze %dma_start3A_344 : memref<1x128xi32, #tpu.memory_space<vmem>> -> memref<128xi32, #tpu.memory_space<vmem>>
        %dma_start3A_346 = arith.constant 0 : i32
        %dma_start3A_347 = arith.constant 0 : i32
        %dma_start3A_348 = tpu.memref_slice %arg9[%dma_start3A_346, %dma_start3A_347] : memref<10240x32xf32, #tpu.memory_space<vmem_shared>> -> memref<10240x32xf32, #tpu.memory_space<vmem_shared>>
        tpu.enqueue_indirect_dma source(%arg15 : memref<128x32xf32, #tpu.memory_space<vmem>>) target(%dma_start3A_348 : memref<10240x32xf32, #tpu.memory_space<vmem_shared>>) offsets(%dma_start3A_345 : memref<128xi32, #tpu.memory_space<vmem>>) semaphore(%run_scoped3A : memref<!tpu.dma_semaphore, #tpu.memory_space<semaphore_mem>>) {add = true}
        %dma_wait3A_349 = arith.constant 0 : i32
        %dma_wait3A_350 = tpu.memref_slice %arg8[%add3A_281, %dma_wait3A_349] : memref<160x128xi32, #tpu.memory_space<vmem>> -> memref<1x128xi32, #tpu.memory_space<vmem>>
        %dma_wait3A_351 = tpu.memref_squeeze %dma_wait3A_350 : memref<1x128xi32, #tpu.memory_space<vmem>> -> memref<128xi32, #tpu.memory_space<vmem>>
        %dma_wait3A_352 = arith.constant 0 : i32
        %dma_wait3A_353 = arith.constant 0 : i32
        %dma_wait3A_354 = tpu.memref_slice %arg9[%dma_wait3A_352, %dma_wait3A_353] : memref<10240x32xf32, #tpu.memory_space<vmem_shared>> -> memref<10240x32xf32, #tpu.memory_space<vmem_shared>>
        tpu.wait_indirect_dma semaphore(%run_scoped3A : memref<!tpu.dma_semaphore, #tpu.memory_space<semaphore_mem>>) src(%arg15 : memref<128x32xf32, #tpu.memory_space<vmem>>) dst(%dma_wait3A_354 : memref<10240x32xf32, #tpu.memory_space<vmem_shared>>)
        tpu.yield
      }) : () -> ()
      %add3A_288 = arith.constant 8 : i32
      %add3A_289 = arith.addi %add3A_281, %add3A_288 : i32
      %ge3A_290 = arith.constant 160 : i32
      %ge3A_291 = arith.cmpi sge, %add3A_289, %ge3A_290 : i32
      %sub3A_292 = arith.constant 160 : i32
      %sub3A_293 = arith.subi %add3A_289, %sub3A_292 : i32
      %select_n3A_294 = arith.select %ge3A_291, %sub3A_293, %add3A_289 : i32
      %dma_start3A_295 = arith.constant 0 : i32
      %dma_start3A_296 = tpu.memref_slice %arg7[%select_n3A_294, %dma_start3A_295] : memref<160x128xi32, #tpu.memory_space<vmem>> -> memref<1x128xi32, #tpu.memory_space<vmem>>
      %dma_start3A_297 = tpu.memref_squeeze %dma_start3A_296 : memref<1x128xi32, #tpu.memory_space<vmem>> -> memref<128xi32, #tpu.memory_space<vmem>>
      %dma_start3A_298 = arith.constant 0 : i32
      %dma_start3A_299 = arith.constant 0 : i32
      %dma_start3A_300 = tpu.memref_slice %arg2[%dma_start3A_298, %dma_start3A_299] : memref<10000x32xf32, #tpu.memory_space<hbm>> -> memref<10000x32xf32, #tpu.memory_space<hbm>>
      tpu.enqueue_indirect_dma source(%dma_start3A_300 : memref<10000x32xf32, #tpu.memory_space<hbm>>) target(%arg15 : memref<128x32xf32, #tpu.memory_space<vmem>>) offsets(%dma_start3A_297 : memref<128xi32, #tpu.memory_space<vmem>>) semaphore(%arg23 : memref<!tpu.dma_semaphore, #tpu.memory_space<semaphore_mem>>)
      %add3A_301 = arith.constant 6 : i32
      %add3A_302 = arith.addi %mul3A_175, %add3A_301 : i32
      %dma_wait3A_303 = arith.constant 0 : i32
      %dma_wait3A_304 = tpu.memref_slice %arg7[%add3A_302, %dma_wait3A_303] : memref<160x128xi32, #tpu.memory_space<vmem>> -> memref<1x128xi32, #tpu.memory_space<vmem>>
      %dma_wait3A_305 = tpu.memref_squeeze %dma_wait3A_304 : memref<1x128xi32, #tpu.memory_space<vmem>> -> memref<128xi32, #tpu.memory_space<vmem>>
      %dma_wait3A_306 = arith.constant 0 : i32
      %dma_wait3A_307 = arith.constant 0 : i32
      %dma_wait3A_308 = tpu.memref_slice %arg2[%dma_wait3A_306, %dma_wait3A_307] : memref<10000x32xf32, #tpu.memory_space<hbm>> -> memref<10000x32xf32, #tpu.memory_space<hbm>>
      tpu.wait_indirect_dma semaphore(%arg24 : memref<!tpu.dma_semaphore, #tpu.memory_space<semaphore_mem>>) src(%dma_wait3A_308 : memref<10000x32xf32, #tpu.memory_space<hbm>>) dst(%arg16 : memref<128x32xf32, #tpu.memory_space<vmem>>)
      "tpu.region"() ({
        %run_scoped3A = tpu.sem_alloc : memref<!tpu.dma_semaphore, #tpu.memory_space<semaphore_mem>>
        %dma_start3A_343 = arith.constant 0 : i32
        %dma_start3A_344 = tpu.memref_slice %arg8[%add3A_302, %dma_start3A_343] : memref<160x128xi32, #tpu.memory_space<vmem>> -> memref<1x128xi32, #tpu.memory_space<vmem>>
        %dma_start3A_345 = tpu.memref_squeeze %dma_start3A_344 : memref<1x128xi32, #tpu.memory_space<vmem>> -> memref<128xi32, #tpu.memory_space<vmem>>
        %dma_start3A_346 = arith.constant 0 : i32
        %dma_start3A_347 = arith.constant 0 : i32
        %dma_start3A_348 = tpu.memref_slice %arg9[%dma_start3A_346, %dma_start3A_347] : memref<10240x32xf32, #tpu.memory_space<vmem_shared>> -> memref<10240x32xf32, #tpu.memory_space<vmem_shared>>
        tpu.enqueue_indirect_dma source(%arg16 : memref<128x32xf32, #tpu.memory_space<vmem>>) target(%dma_start3A_348 : memref<10240x32xf32, #tpu.memory_space<vmem_shared>>) offsets(%dma_start3A_345 : memref<128xi32, #tpu.memory_space<vmem>>) semaphore(%run_scoped3A : memref<!tpu.dma_semaphore, #tpu.memory_space<semaphore_mem>>) {add = true}
        %dma_wait3A_349 = arith.constant 0 : i32
        %dma_wait3A_350 = tpu.memref_slice %arg8[%add3A_302, %dma_wait3A_349] : memref<160x128xi32, #tpu.memory_space<vmem>> -> memref<1x128xi32, #tpu.memory_space<vmem>>
        %dma_wait3A_351 = tpu.memref_squeeze %dma_wait3A_350 : memref<1x128xi32, #tpu.memory_space<vmem>> -> memref<128xi32, #tpu.memory_space<vmem>>
        %dma_wait3A_352 = arith.constant 0 : i32
        %dma_wait3A_353 = arith.constant 0 : i32
        %dma_wait3A_354 = tpu.memref_slice %arg9[%dma_wait3A_352, %dma_wait3A_353] : memref<10240x32xf32, #tpu.memory_space<vmem_shared>> -> memref<10240x32xf32, #tpu.memory_space<vmem_shared>>
        tpu.wait_indirect_dma semaphore(%run_scoped3A : memref<!tpu.dma_semaphore, #tpu.memory_space<semaphore_mem>>) src(%arg16 : memref<128x32xf32, #tpu.memory_space<vmem>>) dst(%dma_wait3A_354 : memref<10240x32xf32, #tpu.memory_space<vmem_shared>>)
        tpu.yield
      }) : () -> ()
      %add3A_309 = arith.constant 8 : i32
      %add3A_310 = arith.addi %add3A_302, %add3A_309 : i32
      %ge3A_311 = arith.constant 160 : i32
      %ge3A_312 = arith.cmpi sge, %add3A_310, %ge3A_311 : i32
      %sub3A_313 = arith.constant 160 : i32
      %sub3A_314 = arith.subi %add3A_310, %sub3A_313 : i32
      %select_n3A_315 = arith.select %ge3A_312, %sub3A_314, %add3A_310 : i32
      %dma_start3A_316 = arith.constant 0 : i32
      %dma_start3A_317 = tpu.memref_slice %arg7[%select_n3A_315, %dma_start3A_316] : memref<160x128xi32, #tpu.memory_space<vmem>> -> memref<1x128xi32, #tpu.memory_space<vmem>>
      %dma_start3A_318 = tpu.memref_squeeze %dma_start3A_317 : memref<1x128xi32, #tpu.memory_space<vmem>> -> memref<128xi32, #tpu.memory_space<vmem>>
      %dma_start3A_319 = arith.constant 0 : i32
      %dma_start3A_320 = arith.constant 0 : i32
      %dma_start3A_321 = tpu.memref_slice %arg2[%dma_start3A_319, %dma_start3A_320] : memref<10000x32xf32, #tpu.memory_space<hbm>> -> memref<10000x32xf32, #tpu.memory_space<hbm>>
      tpu.enqueue_indirect_dma source(%dma_start3A_321 : memref<10000x32xf32, #tpu.memory_space<hbm>>) target(%arg16 : memref<128x32xf32, #tpu.memory_space<vmem>>) offsets(%dma_start3A_318 : memref<128xi32, #tpu.memory_space<vmem>>) semaphore(%arg24 : memref<!tpu.dma_semaphore, #tpu.memory_space<semaphore_mem>>)
      %add3A_322 = arith.constant 7 : i32
      %add3A_323 = arith.addi %mul3A_175, %add3A_322 : i32
      %dma_wait3A_324 = arith.constant 0 : i32
      %dma_wait3A_325 = tpu.memref_slice %arg7[%add3A_323, %dma_wait3A_324] : memref<160x128xi32, #tpu.memory_space<vmem>> -> memref<1x128xi32, #tpu.memory_space<vmem>>
      %dma_wait3A_326 = tpu.memref_squeeze %dma_wait3A_325 : memref<1x128xi32, #tpu.memory_space<vmem>> -> memref<128xi32, #tpu.memory_space<vmem>>
      %dma_wait3A_327 = arith.constant 0 : i32
      %dma_wait3A_328 = arith.constant 0 : i32
      %dma_wait3A_329 = tpu.memref_slice %arg2[%dma_wait3A_327, %dma_wait3A_328] : memref<10000x32xf32, #tpu.memory_space<hbm>> -> memref<10000x32xf32, #tpu.memory_space<hbm>>
      tpu.wait_indirect_dma semaphore(%arg25 : memref<!tpu.dma_semaphore, #tpu.memory_space<semaphore_mem>>) src(%dma_wait3A_329 : memref<10000x32xf32, #tpu.memory_space<hbm>>) dst(%arg17 : memref<128x32xf32, #tpu.memory_space<vmem>>)
      "tpu.region"() ({
        %run_scoped3A = tpu.sem_alloc : memref<!tpu.dma_semaphore, #tpu.memory_space<semaphore_mem>>
        %dma_start3A_343 = arith.constant 0 : i32
        %dma_start3A_344 = tpu.memref_slice %arg8[%add3A_323, %dma_start3A_343] : memref<160x128xi32, #tpu.memory_space<vmem>> -> memref<1x128xi32, #tpu.memory_space<vmem>>
        %dma_start3A_345 = tpu.memref_squeeze %dma_start3A_344 : memref<1x128xi32, #tpu.memory_space<vmem>> -> memref<128xi32, #tpu.memory_space<vmem>>
        %dma_start3A_346 = arith.constant 0 : i32
        %dma_start3A_347 = arith.constant 0 : i32
        %dma_start3A_348 = tpu.memref_slice %arg9[%dma_start3A_346, %dma_start3A_347] : memref<10240x32xf32, #tpu.memory_space<vmem_shared>> -> memref<10240x32xf32, #tpu.memory_space<vmem_shared>>
        tpu.enqueue_indirect_dma source(%arg17 : memref<128x32xf32, #tpu.memory_space<vmem>>) target(%dma_start3A_348 : memref<10240x32xf32, #tpu.memory_space<vmem_shared>>) offsets(%dma_start3A_345 : memref<128xi32, #tpu.memory_space<vmem>>) semaphore(%run_scoped3A : memref<!tpu.dma_semaphore, #tpu.memory_space<semaphore_mem>>) {add = true}
        %dma_wait3A_349 = arith.constant 0 : i32
        %dma_wait3A_350 = tpu.memref_slice %arg8[%add3A_323, %dma_wait3A_349] : memref<160x128xi32, #tpu.memory_space<vmem>> -> memref<1x128xi32, #tpu.memory_space<vmem>>
        %dma_wait3A_351 = tpu.memref_squeeze %dma_wait3A_350 : memref<1x128xi32, #tpu.memory_space<vmem>> -> memref<128xi32, #tpu.memory_space<vmem>>
        %dma_wait3A_352 = arith.constant 0 : i32
        %dma_wait3A_353 = arith.constant 0 : i32
        %dma_wait3A_354 = tpu.memref_slice %arg9[%dma_wait3A_352, %dma_wait3A_353] : memref<10240x32xf32, #tpu.memory_space<vmem_shared>> -> memref<10240x32xf32, #tpu.memory_space<vmem_shared>>
        tpu.wait_indirect_dma semaphore(%run_scoped3A : memref<!tpu.dma_semaphore, #tpu.memory_space<semaphore_mem>>) src(%arg17 : memref<128x32xf32, #tpu.memory_space<vmem>>) dst(%dma_wait3A_354 : memref<10240x32xf32, #tpu.memory_space<vmem_shared>>)
        tpu.yield
      }) : () -> ()
      %add3A_330 = arith.constant 8 : i32
      %add3A_331 = arith.addi %add3A_323, %add3A_330 : i32
      %ge3A_332 = arith.constant 160 : i32
      %ge3A_333 = arith.cmpi sge, %add3A_331, %ge3A_332 : i32
      %sub3A_334 = arith.constant 160 : i32
      %sub3A_335 = arith.subi %add3A_331, %sub3A_334 : i32
      %select_n3A_336 = arith.select %ge3A_333, %sub3A_335, %add3A_331 : i32
      %dma_start3A_337 = arith.constant 0 : i32
      %dma_start3A_338 = tpu.memref_slice %arg7[%select_n3A_336, %dma_start3A_337] : memref<160x128xi32, #tpu.memory_space<vmem>> -> memref<1x128xi32, #tpu.memory_space<vmem>>
      %dma_start3A_339 = tpu.memref_squeeze %dma_start3A_338 : memref<1x128xi32, #tpu.memory_space<vmem>> -> memref<128xi32, #tpu.memory_space<vmem>>
      %dma_start3A_340 = arith.constant 0 : i32
      %dma_start3A_341 = arith.constant 0 : i32
      %dma_start3A_342 = tpu.memref_slice %arg2[%dma_start3A_340, %dma_start3A_341] : memref<10000x32xf32, #tpu.memory_space<hbm>> -> memref<10000x32xf32, #tpu.memory_space<hbm>>
      tpu.enqueue_indirect_dma source(%dma_start3A_342 : memref<10000x32xf32, #tpu.memory_space<hbm>>) target(%arg17 : memref<128x32xf32, #tpu.memory_space<vmem>>) offsets(%dma_start3A_339 : memref<128xi32, #tpu.memory_space<vmem>>) semaphore(%arg25 : memref<!tpu.dma_semaphore, #tpu.memory_space<semaphore_mem>>)
    }
    %scan3A_114 = arith.constant 20 : i32
    %dma_wait3A = arith.constant 0 : i32
    %dma_wait3A_115 = arith.constant 0 : i32
    %dma_wait3A_116 = tpu.memref_slice %arg7[%dma_wait3A, %dma_wait3A_115] : memref<160x128xi32, #tpu.memory_space<vmem>> -> memref<1x128xi32, #tpu.memory_space<vmem>>
    %dma_wait3A_117 = tpu.memref_squeeze %dma_wait3A_116 : memref<1x128xi32, #tpu.memory_space<vmem>> -> memref<128xi32, #tpu.memory_space<vmem>>
    %dma_wait3A_118 = arith.constant 0 : i32
    %dma_wait3A_119 = arith.constant 0 : i32
    %dma_wait3A_120 = tpu.memref_slice %arg2[%dma_wait3A_118, %dma_wait3A_119] : memref<10000x32xf32, #tpu.memory_space<hbm>> -> memref<10000x32xf32, #tpu.memory_space<hbm>>
    tpu.wait_indirect_dma semaphore(%arg18 : memref<!tpu.dma_semaphore, #tpu.memory_space<semaphore_mem>>) src(%dma_wait3A_120 : memref<10000x32xf32, #tpu.memory_space<hbm>>) dst(%arg10 : memref<128x32xf32, #tpu.memory_space<vmem>>)
    %dma_wait3A_121 = arith.constant 1 : i32
    %dma_wait3A_122 = arith.constant 0 : i32
    %dma_wait3A_123 = tpu.memref_slice %arg7[%dma_wait3A_121, %dma_wait3A_122] : memref<160x128xi32, #tpu.memory_space<vmem>> -> memref<1x128xi32, #tpu.memory_space<vmem>>
    %dma_wait3A_124 = tpu.memref_squeeze %dma_wait3A_123 : memref<1x128xi32, #tpu.memory_space<vmem>> -> memref<128xi32, #tpu.memory_space<vmem>>
    %dma_wait3A_125 = arith.constant 0 : i32
    %dma_wait3A_126 = arith.constant 0 : i32
    %dma_wait3A_127 = tpu.memref_slice %arg2[%dma_wait3A_125, %dma_wait3A_126] : memref<10000x32xf32, #tpu.memory_space<hbm>> -> memref<10000x32xf32, #tpu.memory_space<hbm>>
    tpu.wait_indirect_dma semaphore(%arg19 : memref<!tpu.dma_semaphore, #tpu.memory_space<semaphore_mem>>) src(%dma_wait3A_127 : memref<10000x32xf32, #tpu.memory_space<hbm>>) dst(%arg11 : memref<128x32xf32, #tpu.memory_space<vmem>>)
    %dma_wait3A_128 = arith.constant 2 : i32
    %dma_wait3A_129 = arith.constant 0 : i32
    %dma_wait3A_130 = tpu.memref_slice %arg7[%dma_wait3A_128, %dma_wait3A_129] : memref<160x128xi32, #tpu.memory_space<vmem>> -> memref<1x128xi32, #tpu.memory_space<vmem>>
    %dma_wait3A_131 = tpu.memref_squeeze %dma_wait3A_130 : memref<1x128xi32, #tpu.memory_space<vmem>> -> memref<128xi32, #tpu.memory_space<vmem>>
    %dma_wait3A_132 = arith.constant 0 : i32
    %dma_wait3A_133 = arith.constant 0 : i32
    %dma_wait3A_134 = tpu.memref_slice %arg2[%dma_wait3A_132, %dma_wait3A_133] : memref<10000x32xf32, #tpu.memory_space<hbm>> -> memref<10000x32xf32, #tpu.memory_space<hbm>>
    tpu.wait_indirect_dma semaphore(%arg20 : memref<!tpu.dma_semaphore, #tpu.memory_space<semaphore_mem>>) src(%dma_wait3A_134 : memref<10000x32xf32, #tpu.memory_space<hbm>>) dst(%arg12 : memref<128x32xf32, #tpu.memory_space<vmem>>)
    %dma_wait3A_135 = arith.constant 3 : i32
    %dma_wait3A_136 = arith.constant 0 : i32
    %dma_wait3A_137 = tpu.memref_slice %arg7[%dma_wait3A_135, %dma_wait3A_136] : memref<160x128xi32, #tpu.memory_space<vmem>> -> memref<1x128xi32, #tpu.memory_space<vmem>>
    %dma_wait3A_138 = tpu.memref_squeeze %dma_wait3A_137 : memref<1x128xi32, #tpu.memory_space<vmem>> -> memref<128xi32, #tpu.memory_space<vmem>>
    %dma_wait3A_139 = arith.constant 0 : i32
    %dma_wait3A_140 = arith.constant 0 : i32
    %dma_wait3A_141 = tpu.memref_slice %arg2[%dma_wait3A_139, %dma_wait3A_140] : memref<10000x32xf32, #tpu.memory_space<hbm>> -> memref<10000x32xf32, #tpu.memory_space<hbm>>
    tpu.wait_indirect_dma semaphore(%arg21 : memref<!tpu.dma_semaphore, #tpu.memory_space<semaphore_mem>>) src(%dma_wait3A_141 : memref<10000x32xf32, #tpu.memory_space<hbm>>) dst(%arg13 : memref<128x32xf32, #tpu.memory_space<vmem>>)
    %dma_wait3A_142 = arith.constant 4 : i32
    %dma_wait3A_143 = arith.constant 0 : i32
    %dma_wait3A_144 = tpu.memref_slice %arg7[%dma_wait3A_142, %dma_wait3A_143] : memref<160x128xi32, #tpu.memory_space<vmem>> -> memref<1x128xi32, #tpu.memory_space<vmem>>
    %dma_wait3A_145 = tpu.memref_squeeze %dma_wait3A_144 : memref<1x128xi32, #tpu.memory_space<vmem>> -> memref<128xi32, #tpu.memory_space<vmem>>
    %dma_wait3A_146 = arith.constant 0 : i32
    %dma_wait3A_147 = arith.constant 0 : i32
    %dma_wait3A_148 = tpu.memref_slice %arg2[%dma_wait3A_146, %dma_wait3A_147] : memref<10000x32xf32, #tpu.memory_space<hbm>> -> memref<10000x32xf32, #tpu.memory_space<hbm>>
    tpu.wait_indirect_dma semaphore(%arg22 : memref<!tpu.dma_semaphore, #tpu.memory_space<semaphore_mem>>) src(%dma_wait3A_148 : memref<10000x32xf32, #tpu.memory_space<hbm>>) dst(%arg14 : memref<128x32xf32, #tpu.memory_space<vmem>>)
    %dma_wait3A_149 = arith.constant 5 : i32
    %dma_wait3A_150 = arith.constant 0 : i32
    %dma_wait3A_151 = tpu.memref_slice %arg7[%dma_wait3A_149, %dma_wait3A_150] : memref<160x128xi32, #tpu.memory_space<vmem>> -> memref<1x128xi32, #tpu.memory_space<vmem>>
    %dma_wait3A_152 = tpu.memref_squeeze %dma_wait3A_151 : memref<1x128xi32, #tpu.memory_space<vmem>> -> memref<128xi32, #tpu.memory_space<vmem>>
    %dma_wait3A_153 = arith.constant 0 : i32
    %dma_wait3A_154 = arith.constant 0 : i32
    %dma_wait3A_155 = tpu.memref_slice %arg2[%dma_wait3A_153, %dma_wait3A_154] : memref<10000x32xf32, #tpu.memory_space<hbm>> -> memref<10000x32xf32, #tpu.memory_space<hbm>>
    tpu.wait_indirect_dma semaphore(%arg23 : memref<!tpu.dma_semaphore, #tpu.memory_space<semaphore_mem>>) src(%dma_wait3A_155 : memref<10000x32xf32, #tpu.memory_space<hbm>>) dst(%arg15 : memref<128x32xf32, #tpu.memory_space<vmem>>)
    %dma_wait3A_156 = arith.constant 6 : i32
    %dma_wait3A_157 = arith.constant 0 : i32
    %dma_wait3A_158 = tpu.memref_slice %arg7[%dma_wait3A_156, %dma_wait3A_157] : memref<160x128xi32, #tpu.memory_space<vmem>> -> memref<1x128xi32, #tpu.memory_space<vmem>>
    %dma_wait3A_159 = tpu.memref_squeeze %dma_wait3A_158 : memref<1x128xi32, #tpu.memory_space<vmem>> -> memref<128xi32, #tpu.memory_space<vmem>>
    %dma_wait3A_160 = arith.constant 0 : i32
    %dma_wait3A_161 = arith.constant 0 : i32
    %dma_wait3A_162 = tpu.memref_slice %arg2[%dma_wait3A_160, %dma_wait3A_161] : memref<10000x32xf32, #tpu.memory_space<hbm>> -> memref<10000x32xf32, #tpu.memory_space<hbm>>
    tpu.wait_indirect_dma semaphore(%arg24 : memref<!tpu.dma_semaphore, #tpu.memory_space<semaphore_mem>>) src(%dma_wait3A_162 : memref<10000x32xf32, #tpu.memory_space<hbm>>) dst(%arg16 : memref<128x32xf32, #tpu.memory_space<vmem>>)
    %dma_wait3A_163 = arith.constant 7 : i32
    %dma_wait3A_164 = arith.constant 0 : i32
    %dma_wait3A_165 = tpu.memref_slice %arg7[%dma_wait3A_163, %dma_wait3A_164] : memref<160x128xi32, #tpu.memory_space<vmem>> -> memref<1x128xi32, #tpu.memory_space<vmem>>
    %dma_wait3A_166 = tpu.memref_squeeze %dma_wait3A_165 : memref<1x128xi32, #tpu.memory_space<vmem>> -> memref<128xi32, #tpu.memory_space<vmem>>
    %dma_wait3A_167 = arith.constant 0 : i32
    %dma_wait3A_168 = arith.constant 0 : i32
    %dma_wait3A_169 = tpu.memref_slice %arg2[%dma_wait3A_167, %dma_wait3A_168] : memref<10000x32xf32, #tpu.memory_space<hbm>> -> memref<10000x32xf32, #tpu.memory_space<hbm>>
    tpu.wait_indirect_dma semaphore(%arg25 : memref<!tpu.dma_semaphore, #tpu.memory_space<semaphore_mem>>) src(%dma_wait3A_169 : memref<10000x32xf32, #tpu.memory_space<hbm>>) dst(%arg17 : memref<128x32xf32, #tpu.memory_space<vmem>>)
    %barrier3A_170 = arith.constant 0 : index
    tpu.barrier barrier_id(%barrier3A_170)
    %mul3A_171 = arith.constant 640 : i32
    %mul3A_172 = arith.muli %arg1, %mul3A_171 : i32
    "tpu.region"() ({
      %run_scoped3A = tpu.sem_alloc : memref<!tpu.dma_semaphore, #tpu.memory_space<semaphore_mem>>
      %dma_start3A_173 = arith.constant 0 : i32
      %dma_start3A_174 = tpu.memref_slice %arg6[%arg0, %mul3A_172, %dma_start3A_173] : memref<1x10240x32xf32, #tpu.memory_space<hbm>> -> memref<1x640x32xf32, #tpu.memory_space<hbm>>
      %dma_start3A_175 = tpu.memref_squeeze %dma_start3A_174 : memref<1x640x32xf32, #tpu.memory_space<hbm>> -> memref<640x32xf32, #tpu.memory_space<hbm>>
      %dma_start3A_176 = arith.constant 0 : i32
      %dma_start3A_177 = tpu.memref_slice %arg9[%mul3A_172, %dma_start3A_176] : memref<10240x32xf32, #tpu.memory_space<vmem_shared>> -> memref<640x32xf32, #tpu.memory_space<vmem_shared>>
      tpu.enqueue_dma source(%dma_start3A_177 : memref<640x32xf32, #tpu.memory_space<vmem_shared>>) target(%dma_start3A_175 : memref<640x32xf32, #tpu.memory_space<hbm>>) target_semaphore(%run_scoped3A : memref<!tpu.dma_semaphore, #tpu.memory_space<semaphore_mem>>)
      %dma_wait3A_178 = arith.constant 0 : i32
      %dma_wait3A_179 = tpu.memref_slice %arg6[%arg0, %mul3A_172, %dma_wait3A_178] : memref<1x10240x32xf32, #tpu.memory_space<hbm>> -> memref<1x640x32xf32, #tpu.memory_space<hbm>>
      %dma_wait3A_180 = tpu.memref_squeeze %dma_wait3A_179 : memref<1x640x32xf32, #tpu.memory_space<hbm>> -> memref<640x32xf32, #tpu.memory_space<hbm>>
      %dma_wait3A_181 = arith.constant 0 : i32
      %dma_wait3A_182 = tpu.memref_slice %arg9[%mul3A_172, %dma_wait3A_181] : memref<10240x32xf32, #tpu.memory_space<vmem_shared>> -> memref<640x32xf32, #tpu.memory_space<vmem_shared>>
      tpu.wait_dma2 semaphore(%run_scoped3A : memref<!tpu.dma_semaphore, #tpu.memory_space<semaphore_mem>>) src(%dma_wait3A_182 : memref<640x32xf32, #tpu.memory_space<vmem_shared>>) dst(%dma_wait3A_180 : memref<640x32xf32, #tpu.memory_space<hbm>>)
      tpu.yield
    }) : () -> ()
    return
  }
}

module attributes {stable_mosaic.version = 14 : i64} {
  func.func @_pre_body(%arg0: memref<10000x128xf32, #tpu.memory_space<vmem>>, %arg1: memref<128x64xf32, #tpu.memory_space<vmem>>, %arg2: memref<128x64xf32, #tpu.memory_space<vmem>>, %arg3: memref<1x64xf32, #tpu.memory_space<vmem>>, %arg4: memref<10000x64xf32, #tpu.memory_space<vmem>>, %arg5: memref<10000x64xf32, #tpu.memory_space<vmem>>) attributes {dimension_semantics = [], scalar_prefetch = 0 : i64, scratch_operands = 0 : i64, tpu.core_type = #tpu.core_type<tc>} {
    %get3A = arith.constant 0 : index
    %get3A_0 = arith.constant 0 : index
    %get3A_1 = vector.load %arg0[%get3A, %get3A_0] : memref<10000x128xf32, #tpu.memory_space<vmem>>, vector<10000x128xf32>
    %get3A_2 = arith.constant 0 : index
    %get3A_3 = arith.constant 0 : index
    %get3A_4 = vector.load %arg1[%get3A_2, %get3A_3] : memref<128x64xf32, #tpu.memory_space<vmem>>, vector<128x64xf32>
    %dot_general3A = arith.constant dense<0.000000e+00> : vector<10000x64xf32>
    %dot_general3A_5 = tpu.matmul %get3A_1, %get3A_4, %dot_general3A {dimension_numbers = #tpu.dot_dimension_numbers<[1], [0], [0], [1], [0, 0, 1, 1], [], []>, transpose_lhs_hint = false} : vector<10000x128xf32>, vector<128x64xf32>, vector<10000x64xf32> -> vector<10000x64xf32>
    %swap3A = arith.constant 0 : index
    %swap3A_6 = arith.constant 0 : index
    %swap3A_7 = vector.load %arg4[%swap3A, %swap3A_6] : memref<10000x64xf32, #tpu.memory_space<vmem>>, vector<10000x64xf32>
    tpu.vector_store %arg4[%swap3A, %swap3A_6], %dot_general3A_5 {strides = array<i32>} : memref<10000x64xf32, #tpu.memory_space<vmem>>, vector<10000x64xf32>,
    %get3A_8 = arith.constant 0 : index
    %get3A_9 = arith.constant 0 : index
    %get3A_10 = vector.load %arg2[%get3A_8, %get3A_9] : memref<128x64xf32, #tpu.memory_space<vmem>>, vector<128x64xf32>
    %dot_general3A_11 = arith.constant dense<0.000000e+00> : vector<10000x64xf32>
    %dot_general3A_12 = tpu.matmul %get3A_1, %get3A_10, %dot_general3A_11 {dimension_numbers = #tpu.dot_dimension_numbers<[1], [0], [0], [1], [0, 0, 1, 1], [], []>, transpose_lhs_hint = false} : vector<10000x128xf32>, vector<128x64xf32>, vector<10000x64xf32> -> vector<10000x64xf32>
    %get3A_13 = arith.constant 0 : index
    %get3A_14 = arith.constant 0 : index
    %get3A_15 = vector.load %arg3[%get3A_13, %get3A_14] : memref<1x64xf32, #tpu.memory_space<vmem>>, vector<1x64xf32>
    %add3A = vector.broadcast %get3A_15 : vector<1x64xf32> to vector<10000x64xf32>
    %add3A_16 = arith.addf %dot_general3A_12, %add3A : vector<10000x64xf32>
    %swap3A_17 = arith.constant 0 : index
    %swap3A_18 = arith.constant 0 : index
    %swap3A_19 = vector.load %arg5[%swap3A_17, %swap3A_18] : memref<10000x64xf32, #tpu.memory_space<vmem>>, vector<10000x64xf32>
    tpu.vector_store %arg5[%swap3A_17, %swap3A_18], %add3A_16 {strides = array<i32>} : memref<10000x64xf32, #tpu.memory_space<vmem>>, vector<10000x64xf32>,
    return
  }
}

module attributes {stable_mosaic.version = 14 : i64} {
  func.func @_mid1_body(%arg0: memref<1x10000x64xf32, #tpu.memory_space<vmem>>, %arg1: memref<1x10000x16xf32, #tpu.memory_space<vmem>>, %arg2: memref<10000x64xf32, #tpu.memory_space<vmem>>, %arg3: memref<1x64xf32, #tpu.memory_space<vmem>>, %arg4: memref<1x64xf32, #tpu.memory_space<vmem>>, %arg5: memref<64x32xf32, #tpu.memory_space<vmem>>, %arg6: memref<64x32xf32, #tpu.memory_space<vmem>>, %arg7: memref<1x32xf32, #tpu.memory_space<vmem>>, %arg8: memref<10000x32xf32, #tpu.memory_space<vmem>>, %arg9: memref<10000x32xf32, #tpu.memory_space<vmem>>) attributes {dimension_semantics = [], scalar_prefetch = 0 : i64, scratch_operands = 0 : i64, tpu.core_type = #tpu.core_type<tc>} {
    %get3A = arith.constant 0 : index
    %get3A_0 = arith.constant 0 : index
    %get3A_1 = arith.constant 0 : index
    %get3A_2 = vector.load %arg0[%get3A, %get3A_0, %get3A_1] : memref<1x10000x64xf32, #tpu.memory_space<vmem>>, vector<1x10000x64xf32>
    %get3A_3 = vector.shape_cast %get3A_2 : vector<1x10000x64xf32> to vector<10000x64xf32>
    %get3A_4 = arith.constant 0 : index
    %get3A_5 = arith.constant 0 : index
    %get3A_6 = arith.constant 0 : index
    %get3A_7 = vector.load %arg1[%get3A_4, %get3A_5, %get3A_6] : memref<1x10000x16xf32, #tpu.memory_space<vmem>>, vector<1x10000x16xf32>
    %get3A_8 = vector.shape_cast %get3A_7 : vector<1x10000x16xf32> to vector<10000x16xf32>
    %slice3A = vector.extract_strided_slice %get3A_8 {offsets = [0, 0], sizes = [10000, 1], strides = [1, 1]} : vector<10000x16xf32> to vector<10000x1xf32>
    %max3A = arith.constant 1.000000e+00 : f32
    %max3A_9 = vector.broadcast %max3A : f32 to vector<10000x1xf32>
    %max3A_10 = arith.maximumf %slice3A, %max3A_9 : vector<10000x1xf32>
    %div3A = arith.constant 1.000000e+00 : f32
    %div3A_11 = vector.broadcast %div3A : f32 to vector<10000x1xf32>
    %div3A_12 = arith.divf %div3A_11, %max3A_10 : vector<10000x1xf32>
    %mul3A = vector.broadcast %div3A_12 : vector<10000x1xf32> to vector<10000x64xf32>
    %mul3A_13 = arith.mulf %get3A_3, %mul3A : vector<10000x64xf32>
    %get3A_14 = arith.constant 0 : index
    %get3A_15 = arith.constant 0 : index
    %get3A_16 = vector.load %arg2[%get3A_14, %get3A_15] : memref<10000x64xf32, #tpu.memory_space<vmem>>, vector<10000x64xf32>
    %add3A = arith.addf %mul3A_13, %get3A_16 : vector<10000x64xf32>
    %reduce_sum3A = arith.constant dense<0.000000e+00> : vector<64xf32>
    %reduce_sum3A_17 = vector.multi_reduction <add>, %add3A, %reduce_sum3A [0] : vector<10000x64xf32> to vector<64xf32>
    %broadcast_in_dim3A = vector.shape_cast %reduce_sum3A_17 : vector<64xf32> to vector<1x64xf32>
    %div3A_18 = arith.constant 1.000000e+04 : f32
    %div3A_19 = vector.broadcast %div3A_18 : f32 to vector<1x64xf32>
    %div3A_20 = arith.divf %broadcast_in_dim3A, %div3A_19 : vector<1x64xf32>
    %sub3A = vector.broadcast %div3A_20 : vector<1x64xf32> to vector<10000x64xf32>
    %sub3A_21 = arith.subf %add3A, %sub3A : vector<10000x64xf32>
    %integer_pow3A = arith.mulf %sub3A_21, %sub3A_21 : vector<10000x64xf32>
    %reduce_sum3A_22 = arith.constant dense<0.000000e+00> : vector<64xf32>
    %reduce_sum3A_23 = vector.multi_reduction <add>, %integer_pow3A, %reduce_sum3A_22 [0] : vector<10000x64xf32> to vector<64xf32>
    %broadcast_in_dim3A_24 = vector.shape_cast %reduce_sum3A_23 : vector<64xf32> to vector<1x64xf32>
    %div3A_25 = arith.constant 1.000000e+04 : f32
    %div3A_26 = vector.broadcast %div3A_25 : f32 to vector<1x64xf32>
    %div3A_27 = arith.divf %broadcast_in_dim3A_24, %div3A_26 : vector<1x64xf32>
    %sub3A_28 = vector.broadcast %div3A_20 : vector<1x64xf32> to vector<10000x64xf32>
    %sub3A_29 = arith.subf %add3A, %sub3A_28 : vector<10000x64xf32>
    %add3A_30 = arith.constant 9.99999974E-6 : f32
    %add3A_31 = vector.broadcast %add3A_30 : f32 to vector<1x64xf32>
    %add3A_32 = arith.addf %div3A_27, %add3A_31 : vector<1x64xf32>
    %rsqrt3A = math.rsqrt %add3A_32 : vector<1x64xf32>
    %mul3A_33 = vector.broadcast %rsqrt3A : vector<1x64xf32> to vector<10000x64xf32>
    %mul3A_34 = arith.mulf %sub3A_29, %mul3A_33 : vector<10000x64xf32>
    %get3A_35 = arith.constant 0 : index
    %get3A_36 = arith.constant 0 : index
    %get3A_37 = vector.load %arg3[%get3A_35, %get3A_36] : memref<1x64xf32, #tpu.memory_space<vmem>>, vector<1x64xf32>
    %mul3A_38 = vector.broadcast %get3A_37 : vector<1x64xf32> to vector<10000x64xf32>
    %mul3A_39 = arith.mulf %mul3A_34, %mul3A_38 : vector<10000x64xf32>
    %get3A_40 = arith.constant 0 : index
    %get3A_41 = arith.constant 0 : index
    %get3A_42 = vector.load %arg4[%get3A_40, %get3A_41] : memref<1x64xf32, #tpu.memory_space<vmem>>, vector<1x64xf32>
    %add3A_43 = vector.broadcast %get3A_42 : vector<1x64xf32> to vector<10000x64xf32>
    %add3A_44 = arith.addf %mul3A_39, %add3A_43 : vector<10000x64xf32>
    %max3A_45 = arith.constant 0.000000e+00 : f32
    %max3A_46 = vector.broadcast %max3A_45 : f32 to vector<10000x64xf32>
    %max3A_47 = arith.maximumf %add3A_44, %max3A_46 : vector<10000x64xf32>
    %get3A_48 = arith.constant 0 : index
    %get3A_49 = arith.constant 0 : index
    %get3A_50 = vector.load %arg5[%get3A_48, %get3A_49] : memref<64x32xf32, #tpu.memory_space<vmem>>, vector<64x32xf32>
    %dot_general3A = arith.constant dense<0.000000e+00> : vector<10000x32xf32>
    %dot_general3A_51 = tpu.matmul %max3A_47, %get3A_50, %dot_general3A {dimension_numbers = #tpu.dot_dimension_numbers<[1], [0], [0], [1], [0, 0, 1, 1], [], []>, transpose_lhs_hint = false} : vector<10000x64xf32>, vector<64x32xf32>, vector<10000x32xf32> -> vector<10000x32xf32>
    %swap3A = arith.constant 0 : index
    %swap3A_52 = arith.constant 0 : index
    %swap3A_53 = vector.load %arg8[%swap3A, %swap3A_52] : memref<10000x32xf32, #tpu.memory_space<vmem>>, vector<10000x32xf32>
    tpu.vector_store %arg8[%swap3A, %swap3A_52], %dot_general3A_51 {strides = array<i32>} : memref<10000x32xf32, #tpu.memory_space<vmem>>, vector<10000x32xf32>,
    %get3A_54 = arith.constant 0 : index
    %get3A_55 = arith.constant 0 : index
    %get3A_56 = vector.load %arg6[%get3A_54, %get3A_55] : memref<64x32xf32, #tpu.memory_space<vmem>>, vector<64x32xf32>
    %dot_general3A_57 = arith.constant dense<0.000000e+00> : vector<10000x32xf32>
    %dot_general3A_58 = tpu.matmul %max3A_47, %get3A_56, %dot_general3A_57 {dimension_numbers = #tpu.dot_dimension_numbers<[1], [0], [0], [1], [0, 0, 1, 1], [], []>, transpose_lhs_hint = false} : vector<10000x64xf32>, vector<64x32xf32>, vector<10000x32xf32> -> vector<10000x32xf32>
    %get3A_59 = arith.constant 0 : index
    %get3A_60 = arith.constant 0 : index
    %get3A_61 = vector.load %arg7[%get3A_59, %get3A_60] : memref<1x32xf32, #tpu.memory_space<vmem>>, vector<1x32xf32>
    %add3A_62 = vector.broadcast %get3A_61 : vector<1x32xf32> to vector<10000x32xf32>
    %add3A_63 = arith.addf %dot_general3A_58, %add3A_62 : vector<10000x32xf32>
    %swap3A_64 = arith.constant 0 : index
    %swap3A_65 = arith.constant 0 : index
    %swap3A_66 = vector.load %arg9[%swap3A_64, %swap3A_65] : memref<10000x32xf32, #tpu.memory_space<vmem>>, vector<10000x32xf32>
    tpu.vector_store %arg9[%swap3A_64, %swap3A_65], %add3A_63 {strides = array<i32>} : memref<10000x32xf32, #tpu.memory_space<vmem>>, vector<10000x32xf32>,
    return
  }
}

module attributes {stable_mosaic.version = 14 : i64} {
  func.func @_mid2_body(%arg0: memref<1x10000x32xf32, #tpu.memory_space<vmem>>, %arg1: memref<1x10000x16xf32, #tpu.memory_space<vmem>>, %arg2: memref<10000x32xf32, #tpu.memory_space<vmem>>, %arg3: memref<1x32xf32, #tpu.memory_space<vmem>>, %arg4: memref<1x32xf32, #tpu.memory_space<vmem>>, %arg5: memref<10000x32xf32, #tpu.memory_space<vmem>>) attributes {dimension_semantics = [], scalar_prefetch = 0 : i64, scratch_operands = 0 : i64, tpu.core_type = #tpu.core_type<tc>} {
    %get3A = arith.constant 0 : index
    %get3A_0 = arith.constant 0 : index
    %get3A_1 = arith.constant 0 : index
    %get3A_2 = vector.load %arg0[%get3A, %get3A_0, %get3A_1] : memref<1x10000x32xf32, #tpu.memory_space<vmem>>, vector<1x10000x32xf32>
    %get3A_3 = vector.shape_cast %get3A_2 : vector<1x10000x32xf32> to vector<10000x32xf32>
    %get3A_4 = arith.constant 0 : index
    %get3A_5 = arith.constant 0 : index
    %get3A_6 = arith.constant 0 : index
    %get3A_7 = vector.load %arg1[%get3A_4, %get3A_5, %get3A_6] : memref<1x10000x16xf32, #tpu.memory_space<vmem>>, vector<1x10000x16xf32>
    %get3A_8 = vector.shape_cast %get3A_7 : vector<1x10000x16xf32> to vector<10000x16xf32>
    %slice3A = vector.extract_strided_slice %get3A_8 {offsets = [0, 0], sizes = [10000, 1], strides = [1, 1]} : vector<10000x16xf32> to vector<10000x1xf32>
    %max3A = arith.constant 1.000000e+00 : f32
    %max3A_9 = vector.broadcast %max3A : f32 to vector<10000x1xf32>
    %max3A_10 = arith.maximumf %slice3A, %max3A_9 : vector<10000x1xf32>
    %div3A = arith.constant 1.000000e+00 : f32
    %div3A_11 = vector.broadcast %div3A : f32 to vector<10000x1xf32>
    %div3A_12 = arith.divf %div3A_11, %max3A_10 : vector<10000x1xf32>
    %mul3A = vector.broadcast %div3A_12 : vector<10000x1xf32> to vector<10000x32xf32>
    %mul3A_13 = arith.mulf %get3A_3, %mul3A : vector<10000x32xf32>
    %get3A_14 = arith.constant 0 : index
    %get3A_15 = arith.constant 0 : index
    %get3A_16 = vector.load %arg2[%get3A_14, %get3A_15] : memref<10000x32xf32, #tpu.memory_space<vmem>>, vector<10000x32xf32>
    %add3A = arith.addf %mul3A_13, %get3A_16 : vector<10000x32xf32>
    %reduce_sum3A = arith.constant dense<0.000000e+00> : vector<32xf32>
    %reduce_sum3A_17 = vector.multi_reduction <add>, %add3A, %reduce_sum3A [0] : vector<10000x32xf32> to vector<32xf32>
    %broadcast_in_dim3A = vector.shape_cast %reduce_sum3A_17 : vector<32xf32> to vector<1x32xf32>
    %div3A_18 = arith.constant 1.000000e+04 : f32
    %div3A_19 = vector.broadcast %div3A_18 : f32 to vector<1x32xf32>
    %div3A_20 = arith.divf %broadcast_in_dim3A, %div3A_19 : vector<1x32xf32>
    %sub3A = vector.broadcast %div3A_20 : vector<1x32xf32> to vector<10000x32xf32>
    %sub3A_21 = arith.subf %add3A, %sub3A : vector<10000x32xf32>
    %integer_pow3A = arith.mulf %sub3A_21, %sub3A_21 : vector<10000x32xf32>
    %reduce_sum3A_22 = arith.constant dense<0.000000e+00> : vector<32xf32>
    %reduce_sum3A_23 = vector.multi_reduction <add>, %integer_pow3A, %reduce_sum3A_22 [0] : vector<10000x32xf32> to vector<32xf32>
    %broadcast_in_dim3A_24 = vector.shape_cast %reduce_sum3A_23 : vector<32xf32> to vector<1x32xf32>
    %div3A_25 = arith.constant 1.000000e+04 : f32
    %div3A_26 = vector.broadcast %div3A_25 : f32 to vector<1x32xf32>
    %div3A_27 = arith.divf %broadcast_in_dim3A_24, %div3A_26 : vector<1x32xf32>
    %sub3A_28 = vector.broadcast %div3A_20 : vector<1x32xf32> to vector<10000x32xf32>
    %sub3A_29 = arith.subf %add3A, %sub3A_28 : vector<10000x32xf32>
    %add3A_30 = arith.constant 9.99999974E-6 : f32
    %add3A_31 = vector.broadcast %add3A_30 : f32 to vector<1x32xf32>
    %add3A_32 = arith.addf %div3A_27, %add3A_31 : vector<1x32xf32>
    %rsqrt3A = math.rsqrt %add3A_32 : vector<1x32xf32>
    %mul3A_33 = vector.broadcast %rsqrt3A : vector<1x32xf32> to vector<10000x32xf32>
    %mul3A_34 = arith.mulf %sub3A_29, %mul3A_33 : vector<10000x32xf32>
    %get3A_35 = arith.constant 0 : index
    %get3A_36 = arith.constant 0 : index
    %get3A_37 = vector.load %arg3[%get3A_35, %get3A_36] : memref<1x32xf32, #tpu.memory_space<vmem>>, vector<1x32xf32>
    %mul3A_38 = vector.broadcast %get3A_37 : vector<1x32xf32> to vector<10000x32xf32>
    %mul3A_39 = arith.mulf %mul3A_34, %mul3A_38 : vector<10000x32xf32>
    %get3A_40 = arith.constant 0 : index
    %get3A_41 = arith.constant 0 : index
    %get3A_42 = vector.load %arg4[%get3A_40, %get3A_41] : memref<1x32xf32, #tpu.memory_space<vmem>>, vector<1x32xf32>
    %add3A_43 = vector.broadcast %get3A_42 : vector<1x32xf32> to vector<10000x32xf32>
    %add3A_44 = arith.addf %mul3A_39, %add3A_43 : vector<10000x32xf32>
    %max3A_45 = arith.constant 0.000000e+00 : f32
    %max3A_46 = vector.broadcast %max3A_45 : f32 to vector<10000x32xf32>
    %max3A_47 = arith.maximumf %add3A_44, %max3A_46 : vector<10000x32xf32>
    %swap3A = arith.constant 0 : index
    %swap3A_48 = arith.constant 0 : index
    %swap3A_49 = vector.load %arg5[%swap3A, %swap3A_48] : memref<10000x32xf32, #tpu.memory_space<vmem>>, vector<10000x32xf32>
    tpu.vector_store %arg5[%swap3A, %swap3A_48], %max3A_47 {strides = array<i32>} : memref<10000x32xf32, #tpu.memory_space<vmem>>, vector<10000x32xf32>,
    return
  }
}

module attributes {stable_mosaic.version = 14 : i64} {
  func.func @_fin_body(%arg0: memref<1x10000x32xf32, #tpu.memory_space<vmem>>, %arg1: memref<1x10000x16xf32, #tpu.memory_space<vmem>>, %arg2: memref<10000x32xf32, #tpu.memory_space<vmem>>, %arg3: memref<32x41xf32, #tpu.memory_space<vmem>>, %arg4: memref<1x41xf32, #tpu.memory_space<vmem>>, %arg5: memref<32x41xf32, #tpu.memory_space<vmem>>, %arg6: memref<10000x41xf32, #tpu.memory_space<vmem>>) attributes {dimension_semantics = [], scalar_prefetch = 0 : i64, scratch_operands = 0 : i64, tpu.core_type = #tpu.core_type<tc>} {
    %get3A = arith.constant 0 : index
    %get3A_0 = arith.constant 0 : index
    %get3A_1 = arith.constant 0 : index
    %get3A_2 = vector.load %arg0[%get3A, %get3A_0, %get3A_1] : memref<1x10000x32xf32, #tpu.memory_space<vmem>>, vector<1x10000x32xf32>
    %get3A_3 = vector.shape_cast %get3A_2 : vector<1x10000x32xf32> to vector<10000x32xf32>
    %get3A_4 = arith.constant 0 : index
    %get3A_5 = arith.constant 0 : index
    %get3A_6 = arith.constant 0 : index
    %get3A_7 = vector.load %arg1[%get3A_4, %get3A_5, %get3A_6] : memref<1x10000x16xf32, #tpu.memory_space<vmem>>, vector<1x10000x16xf32>
    %get3A_8 = vector.shape_cast %get3A_7 : vector<1x10000x16xf32> to vector<10000x16xf32>
    %slice3A = vector.extract_strided_slice %get3A_8 {offsets = [0, 0], sizes = [10000, 1], strides = [1, 1]} : vector<10000x16xf32> to vector<10000x1xf32>
    %max3A = arith.constant 1.000000e+00 : f32
    %max3A_9 = vector.broadcast %max3A : f32 to vector<10000x1xf32>
    %max3A_10 = arith.maximumf %slice3A, %max3A_9 : vector<10000x1xf32>
    %div3A = arith.constant 1.000000e+00 : f32
    %div3A_11 = vector.broadcast %div3A : f32 to vector<10000x1xf32>
    %div3A_12 = arith.divf %div3A_11, %max3A_10 : vector<10000x1xf32>
    %mul3A = vector.broadcast %div3A_12 : vector<10000x1xf32> to vector<10000x32xf32>
    %mul3A_13 = arith.mulf %get3A_3, %mul3A : vector<10000x32xf32>
    %get3A_14 = arith.constant 0 : index
    %get3A_15 = arith.constant 0 : index
    %get3A_16 = vector.load %arg3[%get3A_14, %get3A_15] : memref<32x41xf32, #tpu.memory_space<vmem>>, vector<32x41xf32>
    %dot_general3A = arith.constant dense<0.000000e+00> : vector<10000x41xf32>
    %dot_general3A_17 = tpu.matmul %mul3A_13, %get3A_16, %dot_general3A {dimension_numbers = #tpu.dot_dimension_numbers<[1], [0], [0], [1], [0, 0, 1, 1], [], []>, transpose_lhs_hint = false} : vector<10000x32xf32>, vector<32x41xf32>, vector<10000x41xf32> -> vector<10000x41xf32>
    %get3A_18 = arith.constant 0 : index
    %get3A_19 = arith.constant 0 : index
    %get3A_20 = vector.load %arg4[%get3A_18, %get3A_19] : memref<1x41xf32, #tpu.memory_space<vmem>>, vector<1x41xf32>
    %add3A = vector.broadcast %get3A_20 : vector<1x41xf32> to vector<10000x41xf32>
    %add3A_21 = arith.addf %dot_general3A_17, %add3A : vector<10000x41xf32>
    %get3A_22 = arith.constant 0 : index
    %get3A_23 = arith.constant 0 : index
    %get3A_24 = vector.load %arg2[%get3A_22, %get3A_23] : memref<10000x32xf32, #tpu.memory_space<vmem>>, vector<10000x32xf32>
    %get3A_25 = arith.constant 0 : index
    %get3A_26 = arith.constant 0 : index
    %get3A_27 = vector.load %arg5[%get3A_25, %get3A_26] : memref<32x41xf32, #tpu.memory_space<vmem>>, vector<32x41xf32>
    %dot_general3A_28 = arith.constant dense<0.000000e+00> : vector<10000x41xf32>
    %dot_general3A_29 = tpu.matmul %get3A_24, %get3A_27, %dot_general3A_28 {dimension_numbers = #tpu.dot_dimension_numbers<[1], [0], [0], [1], [0, 0, 1, 1], [], []>, transpose_lhs_hint = false} : vector<10000x32xf32>, vector<32x41xf32>, vector<10000x41xf32> -> vector<10000x41xf32>
    %add3A_30 = arith.addf %add3A_21, %dot_general3A_29 : vector<10000x41xf32>
    %reduce_max3A = arith.constant dense<0xFF800000> : vector<10000xf32>
    %reduce_max3A_31 = vector.multi_reduction <maximumf>, %add3A_30, %reduce_max3A [1] : vector<10000x41xf32> to vector<10000xf32>
    %broadcast_in_dim3A = vector.shape_cast %reduce_max3A_31 : vector<10000xf32> to vector<10000x1xf32>
    %sub3A = vector.broadcast %broadcast_in_dim3A : vector<10000x1xf32> to vector<10000x41xf32>
    %sub3A_32 = arith.subf %add3A_30, %sub3A : vector<10000x41xf32>
    %exp3A = math.exp %sub3A_32 : vector<10000x41xf32>
    %reduce_sum3A = arith.constant dense<0.000000e+00> : vector<10000xf32>
    %reduce_sum3A_33 = vector.multi_reduction <add>, %exp3A, %reduce_sum3A [1] : vector<10000x41xf32> to vector<10000xf32>
    %broadcast_in_dim3A_34 = vector.shape_cast %reduce_sum3A_33 : vector<10000xf32> to vector<10000x1xf32>
    %log3A = math.log %broadcast_in_dim3A_34 : vector<10000x1xf32>
    %add3A_35 = arith.addf %log3A, %broadcast_in_dim3A : vector<10000x1xf32>
    %sub3A_36 = vector.broadcast %add3A_35 : vector<10000x1xf32> to vector<10000x41xf32>
    %sub3A_37 = arith.subf %add3A_30, %sub3A_36 : vector<10000x41xf32>
    %swap3A = arith.constant 0 : index
    %swap3A_38 = arith.constant 0 : index
    %swap3A_39 = vector.load %arg6[%swap3A, %swap3A_38] : memref<10000x41xf32, #tpu.memory_space<vmem>>, vector<10000x41xf32>
    tpu.vector_store %arg6[%swap3A, %swap3A_38], %sub3A_37 {strides = array<i32>} : memref<10000x41xf32, #tpu.memory_space<vmem>>, vector<10000x41xf32>,
    return
  }
}

</mosaic_0001>

<sc_bundles>
// kernel: kernel.12.cloned.1.call-start
scs
__scs_entry_jumppad:
0x0: {  	(pc) =	sbr.rel $0x88, $3  }
0x1: {  	(tag) =	ssettag $0x0;
	lr =	simm.s32 $0x1  }
0x2: {  	[smem:$0x3F92] =	sst lr;
	_ =	strace $0xD0000000  }
0x3: {  	_ = 	snop  }
0x4: {  	_ = 	snop  }
0x5: {  	_ = 	snop  }
0x6: {  	_ = 	snop  }
0x7: {  	_ = 	snop  }
__scs_overlays_trampoline_lowered:
0x8: {  	[smem:$0x3FA1] =	sst s0  }
0x9: {  	[smem:$0x3FA2] =	sst s1  }
0xa: {  	[smem:$0x3FA3] =	sst s2  }
0xb: {  	[smem:$0x3FA4] =	sst s3  }
0xc: {  	[smem:$0x3FA5] =	sst s4  }
0xd: {  	[smem:$0x3FA6] =	sst s5  }
0xe: {  	[smem:$0x3FA7] =	sst s6  }
0xf: {  	[smem:$0x3FA8] =	sst s7  }
0x10: {  	[smem:$0x3FA9] =	sst s8  }
0x11: {  	[smem:$0x3FAA] =	sst s9;
	s0 =	simm.s32 @!p0 $0x0  }
0x12: {  	s1 =	sld [smem:$0x3F90];
	s0 =	simm.s32 @p0 $0x1  }
0x13: {  	[smem:$0x3FAB] =	sst s0;
	s0 =	simm.s32 @!p1 $0x0  }
0x14: {  	s2 =	sld [smem:$0x3F8F];
	s0 =	simm.s32 @p1 $0x1  }
0x15: {  	[smem:$0x3FAC] =	sst s0;
	s0 =	simm.s32 @!p2 $0x0  }
0x16: {  	s3 =	sld [smem:$0x3FDB];
	s0 =	simm.s32 @p2 $0x1  }
0x17: {  	s4 =	simm.s32 $0x1BF5;
	[smem:$0x3FAE] =	sst s0  }
0x18: {  	s0 =	sld [smem:$0x3F91];
	_ =	swait.ge [sflag:s4], $0x0  }
0x19: {  	s7 =	sld [smem:$0x3F92]  }
0x1a: {  	s8 =	sadd.s32 $0xFFFFE003, lr  }
0x1b: {  	s9 =	sadd.s32 $0xFFFFFEF7, lr;
	s5 =	simm.s32 $0xFFFFFFFF;
	p2 =	slt.u32 s8, $0xFFFFF086  }
0x1c: {  	p1 =	slt.u32 s9, $0xF7A;
	s5 =	simm.s32 @!p2 $0x0  }
0x1d: {  	s5 =	simm.s32 @p1 $0x1;
	p0 =	seq.s32 s7, s2  }
0x1e: {  	s7 =	smul.u32 @!p0 $0xF7A, s2;
	p2 =	seq.s32 @!p0 s5, $0x0  }
0x1f: {  	s9 =	smul.u32 $0xF7A, s1;
	s8 =	simm.s32 @!p0 $0x1BF5;
	p2 =	por !p2, p0  }
0x20: {  	[sflag:s8] =	ssyncset.s32 @!p0 $0xFFFFF086;
	s6 =	sadd.s32 @!p0 s3, s7;
	s7 =	simm.s32 @!p0 $0x108  }
0x21: {  	s3 =	sadd.s32 s3, s9;
	s6 =	sadd.s32 @!p0 $0x88, s6;
	s7 =	simm.s32 @p2 $0x1082  }
0x22: {  	[simem:s7], [sflag:s8] =	dma.local @!p0 [hbm:s6], $0xF7A  }
0x23: {  	s9 =	sor.u32 $0xD0000000, s2;
	s6 =	simm.s32 $0x108;
	_ =	swait.ge @!p0 [sflag:s8], $0x0  }
0x24: {  	s3 =	sadd.s32 $0x88, s3;
	s6 =	simm.s32 @!p1 $0x1082;
	[sflag:s4] =	ssyncset.s32 $0xFFFFF086  }
0x25: {  	[simem:s6], [sflag:s4] =	dma.local [hbm:s3], $0xF7A  }
0x26: {  	[smem:$0x3F92] =	sst s1;
	(tag) =	ssettag s2;
	_ =	strace s9  }
0x27: {  	s1 =	sld [smem:$0x3FA2]  }
0x28: {  	s2 =	sld [smem:$0x3FA3]  }
0x29: {  	s4 =	sld [smem:$0x3FA5]  }
0x2a: {  	p0 =	seq.s32 s5, $0x0;
	s5 =	sld [smem:$0x3FA6]  }
0x2b: {  	s6 =	sld [smem:$0x3FA7]  }
0x2c: {  	s7 =	sld [smem:$0x3FA8]  }
0x2d: {  	s3 =	simm.s32 $0x108;
	s8 =	sld [smem:$0x3FA9]  }
0x2e: {  	s3 =	simm.s32 @!p0 $0x1082;
	s9 =	sld [smem:$0x3FAA]  }
0x2f: {  	lr =	sadd.s32 s0, s3;
	s0 =	sld [smem:$0x3FA1]  }
0x30: {  	s3 =	sld [smem:$0x3FA4]  }
0x31: {  	[smem:$0x3FAD] =	sst s10  }
0x32: {  	s10 =	sld [smem:$0x3FAB];
	_ =	sdelay $0x3  }
0x33: {  	p0 =	seq.s32 s10, $0x1;
	s10 =	sld [smem:$0x3FAD];
	_ =	sdelay $0x3  }
0x34: {  	[smem:$0x3FAD] =	sst s10  }
0x35: {  	s10 =	sld [smem:$0x3FAC];
	_ =	sdelay $0x3  }
0x36: {  	p1 =	seq.s32 s10, $0x1;
	s10 =	sld [smem:$0x3FAD];
	_ =	sdelay $0x3  }
0x37: {  	[smem:$0x3FAD] =	sst s10  }
0x38: {  	s10 =	sld [smem:$0x3FAE]  }
0x39: {  	_ = 	snop;
	(pc) =	sbr.ind lr, $3  }
0x3a: {  	_ = 	snop  }
0x3b: {  	_ = 	snop  }
0x3c: {  	p2 =	seq.s32 s10, $0x1;
	s10 =	sld [smem:$0x3FAD]  }
0x3d: {  	_ =	shalt  }
0x3e: {  	_ =	shalt  }
0x3f: {  	_ =	shalt  }
0x40: {  	_ =	shalt  }
0x41: {  	_ =	shalt  }
0x42: {  	_ =	shalt  }
0x43: {  	_ =	shalt  }
0x44: {  	_ =	shalt  }
0x45: {  	_ =	shalt  }
0x46: {  	_ =	shalt  }
0x47: {  	_ =	shalt  }
0x48: {  	_ =	shalt  }
0x49: {  	_ =	shalt  }
0x4a: {  	_ =	shalt  }
0x4b: {  	_ =	shalt  }
0x4c: {  	_ =	shalt  }
0x4d: {  	_ =	shalt  }
0x4e: {  	_ =	shalt  }
0x4f: {  	_ =	shalt  }
0x50: {  	_ =	shalt  }
0x51: {  	_ =	shalt  }
0x52: {  	_ =	shalt  }
0x53: {  	_ =	shalt  }
0x54: {  	_ =	shalt  }
0x55: {  	_ =	shalt  }
0x56: {  	_ =	shalt  }
0x57: {  	_ =	shalt  }
0x58: {  	_ =	shalt  }
0x59: {  	_ =	shalt  }
0x5a: {  	_ =	shalt  }
0x5b: {  	_ =	shalt  }
0x5c: {  	_ =	shalt  }
0x5d: {  	_ =	shalt  }
0x5e: {  	_ =	shalt  }
0x5f: {  	_ =	shalt  }
0x60: {  	_ =	shalt  }
0x61: {  	_ =	shalt  }
0x62: {  	_ =	shalt  }
0x63: {  	_ =	shalt  }
0x64: {  	_ =	shalt  }
0x65: {  	_ =	shalt  }
0x66: {  	_ =	shalt  }
0x67: {  	_ =	shalt  }
0x68: {  	_ =	shalt  }
0x69: {  	_ =	shalt  }
0x6a: {  	_ =	shalt  }
0x6b: {  	_ =	shalt  }
0x6c: {  	_ =	shalt  }
0x6d: {  	_ =	shalt  }
0x6e: {  	_ =	shalt  }
0x6f: {  	_ =	shalt  }
0x70: {  	_ =	shalt  }
0x71: {  	_ =	shalt  }
0x72: {  	_ =	shalt  }
0x73: {  	_ =	shalt  }
0x74: {  	_ =	shalt  }
0x75: {  	_ =	shalt  }
0x76: {  	_ =	shalt  }
0x77: {  	_ =	shalt  }
0x78: {  	_ =	shalt  }
0x79: {  	_ =	shalt  }
0x7a: {  	_ =	shalt  }
0x7b: {  	_ =	shalt  }
0x7c: {  	_ =	shalt  }
0x7d: {  	_ =	shalt  }
0x7e: {  	_ =	shalt  }
0x7f: {  	_ =	shalt  }
0x80: {  	_ =	shalt  }
0x81: {  	_ =	shalt  }
0x82: {  	_ =	shalt  }
0x83: {  	_ =	shalt  }
0x84: {  	_ =	shalt  }
0x85: {  	_ =	shalt  }
0x86: {  	_ =	shalt  }
0x87: {  	_ =	shalt  }
.Lfunc_end0:
.L_simem_size_0:
called_computation.1_lowered:
.L_overlay_start_0:
0x88: {  	s0 =	sld [smem:$0x3FD9]  }
0x89: {  	s1 =	sld [smem:$0x3FFE];
	_ =	sdelay $0x3  }
0x8a: {  	s0 =	sadd.s32 s1, s0  }
0x8b: {  	[smem:$0x3FB9] =	sst s0  }
0x8c: {  	_ = 	snop  }
0x8d: {  	s0 =	sld [smem:$0x3FD0];
	(tm) =	ssettm $0x1  }
0x8e: {  	s16 =	sld [smem:$0x3FFB];
	_ =	sdelay $0x3  }
0x8f: {  	_ =	strace s16  }
0x90: {  	s1 =	sld [smem:$0x3FFC];
	_ =	sdelay $0x3  }
0x91: {  	_ =	strace s1  }
0x92: {  	s1 =	sld [smem:$0x3FFD];
	_ =	sdelay $0x3  }
0x93: {  	_ =	strace s1  }
0x94: {  	_ =	strace $0x8FFFFFFF  }
0x95: {  	s17 =	sld [smem:$0x3FDB];
	_ =	sdelay $0x1  }
0x96: {  	s2 =	simm.s32 $_scs_section_size  }
0x97: {  	s3 =	simm.s32 $_size__tile_overlayer_lowered;
	s4 =	simm.s32 $_tile_overlayer_lowered  }
0x98: {  	s20 =	simm.s32 $0x1BFF;
	s19 =	sshll.u32 s4, $0x1;
	s1 =	sadd.s32 s2, s17  }
0x99: {  	s5 =	simm.s32 $0x0;
	s18 =	sshll.u32 s3, $0x1;
	s3 =	sadd.s32 s19, s1  }
0x9a: {  	[timem:s5], [sflag:s20] =	dma.local [hbm:s3], s18  }
0x9b: {  	_ =	swait.ge [sflag:s20], s18  }
0x9c: {  	s2 =	ssub.s32 $0x0, s18;
	[sflag:s20] =	ssyncset.done $0x0  }
0x9d: {  	[sflag:s20] =	ssyncadd.s32 s2;
	_ =	sdelay $0x1  }
0x9e: {  	s21 =	simm.s32 $0x1B8B  }
0x9f: {  	_ =	swait.ge [sflag:s21], $0x1  }
0xa0: {  	[sflag:s21] =	ssyncset.done $0x0  }
0xa1: {  	s23 =	simm.s32 $0x1B8E;
	s22 =	sld [smem:$0x3FFE];
	[sflag:s21] =	ssyncadd.s32 $0xFFFFFFFF  }
0xa2: {  	s24 =	simm.s32 $execute0_lowered;
	[smem:$0x3FD2] =	sst s23  }
0xa3: {  	s3 =	sshll.u32 s24, $0x1;
	_ =	strace $0x80000049;
	[dreg:$0x1] =	wrdreg $0xFFFFFFFF  }
0xa4: {  	s25 =	simm.s32 $_size_execute0_lowered;
	s1 =	sadd.s32 s1, s3;
	[dreg:$0x0] =	wrdreg $0x0  }
0xa5: {  	s3 =	sshll.u32 s25, $0x1;
	[dreg:$0x2] =	wrdreg s1  }
0xa6: {  	[dreg:$0x3] =	wrdreg s3  }
0xa7: {  	[dreg:$0x4] =	wrdreg $0xC0  }
0xa8: {  	_ =	task [dreg:s5], $0x5FFFF  }
0xa9: {  	[dreg:$0x1] =	wrdreg $0xFFFFFFFF  }
0xaa: {  	[dreg:$0x0] =	wrdreg $0x60  }
0xab: {  	[dreg:$0x2] =	wrdreg s22  }
0xac: {  	[dreg:$0x3] =	wrdreg s0  }
0xad: {  	[dreg:$0x4] =	wrdreg $0xA0000  }
0xae: {  	[dreg:$0x5] =	wrdreg $0x9  }
0xaf: {  	_ =	task.clear_ibuf [dreg:s5], $0x6FFFF;
	_ =	strace $0x90000049  }
0xb0: {  	s26 =	simm.s32 $0x9;
	_ =	strace $0x8000004B  }
0xb1: {  	_ =	swait.ge [sflag:s26], $0x1  }
0xb2: {  	[sflag:s26] =	ssyncadd.s32 $0xFFFFFFFF  }
0xb3: {  	_ =	strace $0x9000004B  }
0xb4: {  	_ =	sfence  }
0xb5: {  	s28 =	sld [smem:$0x0];
	_ =	sdelay $0x1  }
0xb6: {  	s29 =	srdreg.scid  }
0xb7: {  	s30 =	sshll.u32 s29, $0xD;
	s31 =	sshrl.u32 s29, $0x2  }
0xb8: {  	s2 =	sand.u32 $0x4000, s30;
	s1 =	sand.u32 $0x1, s29;
	s0 =	sadd.s32 s31, s28  }
0xb9: {  	s1 =	sor.u32 s2, s1;
	s0 =	sshll.u32 s0, $0x11  }
0xba: {  	s0 =	sor.u32 s0, s1  }
0xbb: {  	s0 =	sadd.s32 $0x8F2B, s0  }
0xbc: {  	[sflag:s0] =	ssyncadd.remote.s32 $0x1  }
0xbd: {  	_ =	sfence.sel $0xFFFF  }
0xbe: {  	[dreg:$0x0] =	wrdreg $0xFFFFFFFF;
	(pc) =	sbr.abs _section_cstart, $3  }
0xbf: {  	[dreg:$0x1] =	wrdreg $0xFFFFFFFF  }
0xc0: {  	_ =	task.clear_ibuf [dreg:s5], $0x2FFFF;
	_ =	strace $0x9FFFFFFF  }
0xc1: {  	(tm) =	ssettm $0x7FFFFFFF  }
tec
execute0_lowered:
.L_overlay_start_1:
0x0: {  	(tag) =	ssettag $0x1  }
0x1: {  	s23 =	rddreg [dreg:$0x0]  }
0x2: {  	s7 =	rddreg [dreg:$0x1]  }
0x3: {  	s5 =	rddreg [dreg:$0x2];
	s1 =	stileid.u32  }
0x4: {  	s0 =	rddreg [dreg:$0x3];
	s10 =	simm.s32 $0x0;
	s2 =	smul.u32 $0x5000, s1  }
0x5: {  	[smem:$0x7FF] =	sst s10  }
0x6: {  	s3 =	sshll.u32 s1, $0x6;
	s6 =	sadd.s32 $0xCA00, s23;
	s4 =	sadd.s32 s2, s5  }
0x7: {  	_ =	strace $0x8000004A;
	s3 =	sor.u32 $0x1C09, s3;
	s4 =	sshrl.u32 s4, $0x3  }
0x8: {  	[spmem:s4], [sflag:s3] =	dma.local [hbm:s6], $0xA00  }
0x9: {  	s6 =	simm.s32 $0x9  }
0xa: {  	s8 =	smul.u32 $0xA00, s1;
	_ =	swait.ge [sflag:s6], $0xA00  }
0xb: {  	[sflag:s6] =	ssyncset.done $0x0  }
0xc: {  	s7 =	sadd.s32 s7, s8;
	[sflag:s6] =	ssyncadd.s32 $0xFFFFF600  }
0xd: {  	[tilespmem:s10], [sflag:$0x9] =	stream.linear.gather [hbm4b:s7+s10], $0x5000, $0x38;
	[tilespmem:$0x17000] =	vst v63  }
0xe: {  	_ =	swait.ge [sflag:s6], $0x5000  }
0xf: {  	s21 =	sadd.s32 s8, s23;
	[sflag:s6] =	ssyncset.done $0x0  }
0x10: {  	s22 =	simm.s32 $0x5000;
	s7 =	sadd.s32 $0x3D800, s21;
	[sflag:s6] =	ssyncadd.s32 $0xFFFFB000  }
0x11: {  	[tilespmem:s22], [sflag:$0x9] =	stream.linear.gather [hbm4b:s7+s10], $0x5000, $0x38;
	[tilespmem:$0x17000] =	vst v63  }
0x12: {  	_ =	swait.ge [sflag:s6], $0x5000  }
0x13: {  	[sflag:s6] =	ssyncset.done $0x0  }
0x14: {  	s9 =	simm.s32 $0xF000;
	[sflag:s6] =	ssyncadd.s32 $0xFFFFB000  }
0x15: {  	s8 =	simm.s32 $0x80;
	s7 =	sadd.s32 $0x2C00, s23;
	[bflag:$0x0] =	sbarrier.arrive $0xFFFF  }
0x16: {  	[tilespmem:s9], [sflag:$0x1] =	stream.indirect.gather [hbm4b:s7+s8], $0x20, s10, s8, $0xb8;
	[tilespmem:$0x17000] =	vst v63  }
0x17: {  	s10 =	simm.s32 $0x10000  }
0x18: {  	[tilespmem:s10], [sflag:$0x2] =	stream.indirect.gather [hbm4b:s7+s8], $0x20, s8, s8, $0xb8;
	[tilespmem:$0x17000] =	vst v63  }
0x19: {  	s12 =	simm.s32 $0x100;
	s11 =	simm.s32 $0x11000  }
0x1a: {  	[tilespmem:s11], [sflag:$0x3] =	stream.indirect.gather [hbm4b:s7+s8], $0x20, s12, s8, $0xb8;
	[tilespmem:$0x17000] =	vst v63  }
0x1b: {  	s13 =	simm.s32 $0x180;
	s12 =	simm.s32 $0x12000  }
0x1c: {  	[tilespmem:s12], [sflag:$0x4] =	stream.indirect.gather [hbm4b:s7+s8], $0x20, s13, s8, $0xb8;
	[tilespmem:$0x17000] =	vst v63  }
0x1d: {  	s14 =	simm.s32 $0x200;
	s13 =	simm.s32 $0x13000  }
0x1e: {  	[tilespmem:s13], [sflag:$0x5] =	stream.indirect.gather [hbm4b:s7+s8], $0x20, s14, s8, $0xb8;
	[tilespmem:$0x17000] =	vst v63  }
0x1f: {  	s15 =	simm.s32 $0x280;
	s14 =	simm.s32 $0x14000  }
0x20: {  	[tilespmem:s14], [sflag:$0x6] =	stream.indirect.gather [hbm4b:s7+s8], $0x20, s15, s8, $0xb8;
	[tilespmem:$0x17000] =	vst v63  }
0x21: {  	s16 =	simm.s32 $0x300;
	s15 =	simm.s32 $0x15000  }
0x22: {  	[tilespmem:s15], [sflag:$0x7] =	stream.indirect.gather [hbm4b:s7+s8], $0x20, s16, s8, $0xb8;
	[tilespmem:$0x17000] =	vst v63  }
0x23: {  	s17 =	simm.s32 $0x380;
	s16 =	simm.s32 $0x16000  }
0x24: {  	[tilespmem:s16], [sflag:$0x8] =	stream.indirect.gather [hbm4b:s7+s8], $0x20, s17, s8, $0xb8;
	[tilespmem:$0x17000] =	vst v63  }
0x25: {  	s17 =	simm.s32 $0x1  }
0x26: {  	_ =	swait.ge [sflag:s17], $0x1000  }
0x27: {  	[sflag:s17] =	ssyncset.done $0x0  }
0x28: {  	s18 =	simm.s32 $0x5000;
	[sflag:s17] =	ssyncadd.s32 $0xFFFFF000  }
0x29: {  	[spmem:s5] =	stream.indirect.scatter.add.f32 [tilespmem:s9], [sflag:$0x9], $0x20, s18, s8, $0xb8;
	[tilespmem:$0x17000] =	vst v63  }
0x2a: {  	p0 =	por $0x0, $0x0;
	s19 =	simm.s32 $0x1000;
	_ =	swait.ge [sflag:s6], $0x1000  }
0x2b: {  	s19 =	simm.s32 @p0 $0x0;
	[sflag:s6] =	ssyncset.done $0x0  }
0x2c: {  	s19 =	sshra.s32 s19, $0x2;
	s18 =	simm.s32 $0x2;
	[sflag:s6] =	ssyncadd.s32 $0xFFFFF000  }
0x2d: {  	[tilespmem:s9], [sflag:$0x1] =	stream.indirect.gather [hbm4b:s7+s8], $0x20, s19, s8, $0xb8;
	[tilespmem:$0x17000] =	vst v63  }
0x2e: {  	_ =	swait.ge [sflag:s18], $0x1000  }
0x2f: {  	[sflag:s18] =	ssyncset.done $0x0  }
0x30: {  	s24 =	simm.s32 $0x5080;
	[sflag:s18] =	ssyncadd.s32 $0xFFFFF000  }
0x31: {  	[spmem:s5] =	stream.indirect.scatter.add.f32 [tilespmem:s10], [sflag:$0x9], $0x20, s24, s8, $0xb8;
	[tilespmem:$0x17000] =	vst v63  }
0x32: {  	s20 =	simm.s32 $0x1200;
	_ =	swait.ge [sflag:s6], $0x1000  }
0x33: {  	s20 =	simm.s32 @p0 $0x200;
	[sflag:s6] =	ssyncset.done $0x0  }
0x34: {  	s20 =	sshra.s32 s20, $0x2;
	s19 =	simm.s32 $0x3;
	[sflag:s6] =	ssyncadd.s32 $0xFFFFF000  }
0x35: {  	[tilespmem:s10], [sflag:$0x2] =	stream.indirect.gather [hbm4b:s7+s8], $0x20, s20, s8, $0xb8;
	[tilespmem:$0x17000] =	vst v63  }
0x36: {  	_ =	swait.ge [sflag:s19], $0x1000  }
0x37: {  	[sflag:s19] =	ssyncset.done $0x0  }
0x38: {  	s25 =	simm.s32 $0x5100;
	[sflag:s19] =	ssyncadd.s32 $0xFFFFF000  }
0x39: {  	[spmem:s5] =	stream.indirect.scatter.add.f32 [tilespmem:s11], [sflag:$0x9], $0x20, s25, s8, $0xb8;
	[tilespmem:$0x17000] =	vst v63  }
0x3a: {  	s21 =	simm.s32 $0x1400;
	_ =	swait.ge [sflag:s6], $0x1000  }
0x3b: {  	s21 =	simm.s32 @p0 $0x400;
	[sflag:s6] =	ssyncset.done $0x0  }
0x3c: {  	s21 =	sshra.s32 s21, $0x2;
	s20 =	simm.s32 $0x4;
	[sflag:s6] =	ssyncadd.s32 $0xFFFFF000  }
0x3d: {  	[tilespmem:s11], [sflag:$0x3] =	stream.indirect.gather [hbm4b:s7+s8], $0x20, s21, s8, $0xb8;
	[tilespmem:$0x17000] =	vst v63  }
0x3e: {  	_ =	swait.ge [sflag:s20], $0x1000  }
0x3f: {  	[sflag:s20] =	ssyncset.done $0x0  }
0x40: {  	s26 =	simm.s32 $0x5180;
	[sflag:s20] =	ssyncadd.s32 $0xFFFFF000  }
0x41: {  	[spmem:s5] =	stream.indirect.scatter.add.f32 [tilespmem:s12], [sflag:$0x9], $0x20, s26, s8, $0xb8;
	[tilespmem:$0x17000] =	vst v63  }
0x42: {  	s22 =	simm.s32 $0x1600;
	_ =	swait.ge [sflag:s6], $0x1000  }
0x43: {  	s22 =	simm.s32 @p0 $0x600;
	[sflag:s6] =	ssyncset.done $0x0  }
0x44: {  	s22 =	sshra.s32 s22, $0x2;
	s21 =	simm.s32 $0x5;
	[sflag:s6] =	ssyncadd.s32 $0xFFFFF000  }
0x45: {  	[tilespmem:s12], [sflag:$0x4] =	stream.indirect.gather [hbm4b:s7+s8], $0x20, s22, s8, $0xb8;
	[tilespmem:$0x17000] =	vst v63  }
0x46: {  	_ =	swait.ge [sflag:s21], $0x1000  }
0x47: {  	[sflag:s21] =	ssyncset.done $0x0  }
0x48: {  	s29 =	simm.s32 $0x5200;
	[sflag:s21] =	ssyncadd.s32 $0xFFFFF000  }
0x49: {  	[spmem:s5] =	stream.indirect.scatter.add.f32 [tilespmem:s13], [sflag:$0x9], $0x20, s29, s8, $0xb8;
	[tilespmem:$0x17000] =	vst v63  }
0x4a: {  	s24 =	simm.s32 $0x1800;
	_ =	swait.ge [sflag:s6], $0x1000  }
0x4b: {  	s24 =	simm.s32 @p0 $0x800;
	[sflag:s6] =	ssyncset.done $0x0  }
0x4c: {  	s24 =	sshra.s32 s24, $0x2;
	s22 =	simm.s32 $0x6;
	[sflag:s6] =	ssyncadd.s32 $0xFFFFF000  }
0x4d: {  	[tilespmem:s13], [sflag:$0x5] =	stream.indirect.gather [hbm4b:s7+s8], $0x20, s24, s8, $0xb8;
	[tilespmem:$0x17000] =	vst v63  }
0x4e: {  	_ =	swait.ge [sflag:s22], $0x1000  }
0x4f: {  	[sflag:s22] =	ssyncset.done $0x0  }
0x50: {  	s30 =	simm.s32 $0x5280;
	[sflag:s22] =	ssyncadd.s32 $0xFFFFF000  }
0x51: {  	[spmem:s5] =	stream.indirect.scatter.add.f32 [tilespmem:s14], [sflag:$0x9], $0x20, s30, s8, $0xb8;
	[tilespmem:$0x17000] =	vst v63  }
0x52: {  	s25 =	simm.s32 $0x1A00;
	_ =	swait.ge [sflag:s6], $0x1000  }
0x53: {  	s25 =	simm.s32 @p0 $0xA00;
	[sflag:s6] =	ssyncset.done $0x0  }
0x54: {  	s25 =	sshra.s32 s25, $0x2;
	s24 =	simm.s32 $0x7;
	[sflag:s6] =	ssyncadd.s32 $0xFFFFF000  }
0x55: {  	[tilespmem:s14], [sflag:$0x6] =	stream.indirect.gather [hbm4b:s7+s8], $0x20, s25, s8, $0xb8;
	[tilespmem:$0x17000] =	vst v63  }
0x56: {  	_ =	swait.ge [sflag:s24], $0x1000  }
0x57: {  	[sflag:s24] =	ssyncset.done $0x0  }
0x58: {  	s31 =	simm.s32 $0x5300;
	[sflag:s24] =	ssyncadd.s32 $0xFFFFF000  }
0x59: {  	[spmem:s5] =	stream.indirect.scatter.add.f32 [tilespmem:s15], [sflag:$0x9], $0x20, s31, s8, $0xb8;
	[tilespmem:$0x17000] =	vst v63  }
0x5a: {  	s25 =	simm.s32 $0x1C00;
	_ =	swait.ge [sflag:s6], $0x1000  }
0x5b: {  	s25 =	simm.s32 @p0 $0xC00;
	[sflag:s6] =	ssyncset.done $0x0  }
0x5c: {  	s25 =	sshra.s32 s25, $0x2;
	[sflag:s6] =	ssyncadd.s32 $0xFFFFF000  }
0x5d: {  	[tilespmem:s15], [sflag:$0x7] =	stream.indirect.gather [hbm4b:s7+s8], $0x20, s25, s8, $0xb8;
	[tilespmem:$0x17000] =	vst v63  }
0x5e: {  	s25 =	simm.s32 $0x8  }
0x5f: {  	_ =	swait.ge [sflag:s25], $0x1000  }
0x60: {  	[sflag:s25] =	ssyncset.done $0x0  }
0x61: {  	s26 =	simm.s32 $0x5380;
	[sflag:s25] =	ssyncadd.s32 $0xFFFFF000  }
0x62: {  	[spmem:s5] =	stream.indirect.scatter.add.f32 [tilespmem:s16], [sflag:$0x9], $0x20, s26, s8, $0xb8;
	[tilespmem:$0x17000] =	vst v63  }
0x63: {  	s26 =	simm.s32 $0x1E00;
	_ =	swait.ge [sflag:s6], $0x1000  }
0x64: {  	s23 =	sadd.s32 $0xD400, s23;
	s26 =	simm.s32 @p0 $0xE00;
	[sflag:s6] =	ssyncset.done $0x0  }
0x65: {  	s28 =	sshra.s32 s26, $0x2;
	s26 =	simm.s32 $0x2E00;
	[sflag:s6] =	ssyncadd.s32 $0xFFFFF000  }
.LBB2_1:
0x66: {  	[tilespmem:s16], [sflag:$0x8] =	stream.indirect.gather [hbm4b:s7+s8], $0x20, s28, s8, $0xb8;
	[tilespmem:$0x17000] =	vst v63  }
0x67: {  	s28 =	smov.u32 s26  }
0x68: {  	p0 =	sne.s32 s26, $0x14E00;
	s26 =	sadd.s32 $0x1000, s26;
	_ =	swait.ge [sflag:s17], $0x1000  }
0x69: {  	s29 =	sshra.s32 s28, $0x2;
	[sflag:s17] =	ssyncset.done $0x0  }
0x6a: {  	s30 =	sadd.s32 $0x4880, s29;
	[sflag:s17] =	ssyncadd.s32 $0xFFFFF000  }
0x6b: {  	[spmem:s5] =	stream.indirect.scatter.add.f32 [tilespmem:s9], [sflag:$0x9], $0x20, s30, s8, $0xb8;
	[tilespmem:$0x17000] =	vst v63  }
0x6c: {  	p1 =	seq.s32 s28, $0x14E00;
	s30 =	sadd.s32 $0xFFFFF200, s28;
	_ =	swait.ge [sflag:s6], $0x1000  }
0x6d: {  	s30 =	simm.s32 @p1 $0x0;
	[sflag:s6] =	ssyncset.done $0x0  }
0x6e: {  	s30 =	sshra.s32 s30, $0x2;
	[sflag:s6] =	ssyncadd.s32 $0xFFFFF000  }
0x6f: {  	[tilespmem:s9], [sflag:$0x1] =	stream.indirect.gather [hbm4b:s7+s8], $0x20, s30, s8, $0xb8;
	[tilespmem:$0x17000] =	vst v63  }
0x70: {  	_ =	swait.ge [sflag:s18], $0x1000  }
0x71: {  	[sflag:s18] =	ssyncset.done $0x0  }
0x72: {  	s30 =	sadd.s32 $0x4900, s29;
	[sflag:s18] =	ssyncadd.s32 $0xFFFFF000  }
0x73: {  	[spmem:s5] =	stream.indirect.scatter.add.f32 [tilespmem:s10], [sflag:$0x9], $0x20, s30, s8, $0xb8;
	[tilespmem:$0x17000] =	vst v63  }
0x74: {  	s30 =	sadd.s32 $0xFFFFF400, s28;
	_ =	swait.ge [sflag:s6], $0x1000  }
0x75: {  	s30 =	simm.s32 @p1 $0x200;
	[sflag:s6] =	ssyncset.done $0x0  }
0x76: {  	s30 =	sshra.s32 s30, $0x2;
	[sflag:s6] =	ssyncadd.s32 $0xFFFFF000  }
0x77: {  	[tilespmem:s10], [sflag:$0x2] =	stream.indirect.gather [hbm4b:s7+s8], $0x20, s30, s8, $0xb8;
	[tilespmem:$0x17000] =	vst v63  }
0x78: {  	_ =	swait.ge [sflag:s19], $0x1000  }
0x79: {  	[sflag:s19] =	ssyncset.done $0x0  }
0x7a: {  	s30 =	sadd.s32 $0x4980, s29;
	[sflag:s19] =	ssyncadd.s32 $0xFFFFF000  }
0x7b: {  	[spmem:s5] =	stream.indirect.scatter.add.f32 [tilespmem:s11], [sflag:$0x9], $0x20, s30, s8, $0xb8;
	[tilespmem:$0x17000] =	vst v63  }
0x7c: {  	s30 =	sadd.s32 $0xFFFFF600, s28;
	_ =	swait.ge [sflag:s6], $0x1000  }
0x7d: {  	s30 =	simm.s32 @p1 $0x400;
	[sflag:s6] =	ssyncset.done $0x0  }
0x7e: {  	s30 =	sshra.s32 s30, $0x2;
	[sflag:s6] =	ssyncadd.s32 $0xFFFFF000  }
0x7f: {  	[tilespmem:s11], [sflag:$0x3] =	stream.indirect.gather [hbm4b:s7+s8], $0x20, s30, s8, $0xb8;
	[tilespmem:$0x17000] =	vst v63  }
0x80: {  	_ =	swait.ge [sflag:s20], $0x1000  }
0x81: {  	[sflag:s20] =	ssyncset.done $0x0  }
0x82: {  	s30 =	sadd.s32 $0x4A00, s29;
	[sflag:s20] =	ssyncadd.s32 $0xFFFFF000  }
0x83: {  	[spmem:s5] =	stream.indirect.scatter.add.f32 [tilespmem:s12], [sflag:$0x9], $0x20, s30, s8, $0xb8;
	[tilespmem:$0x17000] =	vst v63  }
0x84: {  	s30 =	sadd.s32 $0xFFFFF800, s28;
	_ =	swait.ge [sflag:s6], $0x1000  }
0x85: {  	s30 =	simm.s32 @p1 $0x600;
	[sflag:s6] =	ssyncset.done $0x0  }
0x86: {  	s30 =	sshra.s32 s30, $0x2;
	[sflag:s6] =	ssyncadd.s32 $0xFFFFF000  }
0x87: {  	[tilespmem:s12], [sflag:$0x4] =	stream.indirect.gather [hbm4b:s7+s8], $0x20, s30, s8, $0xb8;
	[tilespmem:$0x17000] =	vst v63  }
0x88: {  	_ =	swait.ge [sflag:s21], $0x1000  }
0x89: {  	[sflag:s21] =	ssyncset.done $0x0  }
0x8a: {  	s30 =	sadd.s32 $0x4A80, s29;
	[sflag:s21] =	ssyncadd.s32 $0xFFFFF000  }
0x8b: {  	[spmem:s5] =	stream.indirect.scatter.add.f32 [tilespmem:s13], [sflag:$0x9], $0x20, s30, s8, $0xb8;
	[tilespmem:$0x17000] =	vst v63  }
0x8c: {  	s30 =	sadd.s32 $0xFFFFFA00, s28;
	_ =	swait.ge [sflag:s6], $0x1000  }
0x8d: {  	s30 =	simm.s32 @p1 $0x800;
	[sflag:s6] =	ssyncset.done $0x0  }
0x8e: {  	s30 =	sshra.s32 s30, $0x2;
	[sflag:s6] =	ssyncadd.s32 $0xFFFFF000  }
0x8f: {  	[tilespmem:s13], [sflag:$0x5] =	stream.indirect.gather [hbm4b:s7+s8], $0x20, s30, s8, $0xb8;
	[tilespmem:$0x17000] =	vst v63  }
0x90: {  	_ =	swait.ge [sflag:s22], $0x1000  }
0x91: {  	[sflag:s22] =	ssyncset.done $0x0  }
0x92: {  	s30 =	sadd.s32 $0x4B00, s29;
	[sflag:s22] =	ssyncadd.s32 $0xFFFFF000  }
0x93: {  	[spmem:s5] =	stream.indirect.scatter.add.f32 [tilespmem:s14], [sflag:$0x9], $0x20, s30, s8, $0xb8;
	[tilespmem:$0x17000] =	vst v63  }
0x94: {  	s30 =	sadd.s32 $0xFFFFFC00, s28;
	_ =	swait.ge [sflag:s6], $0x1000  }
0x95: {  	s30 =	simm.s32 @p1 $0xA00;
	[sflag:s6] =	ssyncset.done $0x0  }
0x96: {  	s30 =	sshra.s32 s30, $0x2;
	[sflag:s6] =	ssyncadd.s32 $0xFFFFF000  }
0x97: {  	[tilespmem:s14], [sflag:$0x6] =	stream.indirect.gather [hbm4b:s7+s8], $0x20, s30, s8, $0xb8;
	[tilespmem:$0x17000] =	vst v63  }
0x98: {  	_ =	swait.ge [sflag:s24], $0x1000  }
0x99: {  	[sflag:s24] =	ssyncset.done $0x0  }
0x9a: {  	s30 =	sadd.s32 $0x4B80, s29;
	[sflag:s24] =	ssyncadd.s32 $0xFFFFF000  }
0x9b: {  	[spmem:s5] =	stream.indirect.scatter.add.f32 [tilespmem:s15], [sflag:$0x9], $0x20, s30, s8, $0xb8;
	[tilespmem:$0x17000] =	vst v63  }
0x9c: {  	s30 =	sadd.s32 $0xFFFFFE00, s28;
	_ =	swait.ge [sflag:s6], $0x1000  }
0x9d: {  	s30 =	simm.s32 @p1 $0xC00;
	[sflag:s6] =	ssyncset.done $0x0  }
0x9e: {  	s30 =	sshra.s32 s30, $0x2;
	[sflag:s6] =	ssyncadd.s32 $0xFFFFF000  }
0x9f: {  	[tilespmem:s15], [sflag:$0x7] =	stream.indirect.gather [hbm4b:s7+s8], $0x20, s30, s8, $0xb8;
	[tilespmem:$0x17000] =	vst v63  }
0xa0: {  	_ =	swait.ge [sflag:s25], $0x1000  }
0xa1: {  	[sflag:s25] =	ssyncset.done $0x0  }
.Ltmp0:
0xa2: {  	s29 =	sadd.s32 $0x4C00, s29;
	[sflag:s25] =	ssyncadd.s32 $0xFFFFF000;
	(pc) =	sbr.rel @p0 .LBB2_1-.Ltmp0, $4  }
0xa3: {  	[spmem:s5] =	stream.indirect.scatter.add.f32 [tilespmem:s16], [sflag:$0x9], $0x20, s29, s8, $0xb8;
	[tilespmem:$0x17000] =	vst v63  }
0xa4: {  	_ =	swait.ge [sflag:s6], $0x1000  }
0xa5: {  	s28 =	simm.s32 @p1 $0xE00;
	[sflag:s6] =	ssyncset.done $0x0  }
0xa6: {  	s28 =	sshra.s32 s28, $0x2;
	[sflag:s6] =	ssyncadd.s32 $0xFFFFF000  }
0xa7: {  	[tilespmem:s16], [sflag:$0x8] =	stream.indirect.gather [hbm4b:s7+s8], $0x20, s28, s8, $0xb8;
	[tilespmem:$0x17000] =	vst v63  }
0xa8: {  	s5 =	simm.s32 $0x1  }
0xa9: {  	_ =	swait.ge [sflag:s5], $0x1000  }
0xaa: {  	[sflag:s5] =	ssyncset.done $0x0  }
0xab: {  	s22 =	simm.s32 $0x2;
	[sflag:s5] =	ssyncadd.s32 $0xFFFFF000  }
0xac: {  	_ =	swait.ge [sflag:s22], $0x1000  }
0xad: {  	[sflag:s22] =	ssyncset.done $0x0  }
0xae: {  	s24 =	simm.s32 $0x3;
	[sflag:s22] =	ssyncadd.s32 $0xFFFFF000  }
0xaf: {  	_ =	swait.ge [sflag:s24], $0x1000  }
0xb0: {  	[sflag:s24] =	ssyncset.done $0x0  }
0xb1: {  	s25 =	simm.s32 $0x4;
	[sflag:s24] =	ssyncadd.s32 $0xFFFFF000  }
0xb2: {  	_ =	swait.ge [sflag:s25], $0x1000  }
0xb3: {  	[sflag:s25] =	ssyncset.done $0x0  }
0xb4: {  	s26 =	simm.s32 $0x5;
	[sflag:s25] =	ssyncadd.s32 $0xFFFFF000  }
0xb5: {  	_ =	swait.ge [sflag:s26], $0x1000  }
0xb6: {  	[sflag:s26] =	ssyncset.done $0x0  }
0xb7: {  	s28 =	simm.s32 $0x6;
	[sflag:s26] =	ssyncadd.s32 $0xFFFFF000  }
0xb8: {  	_ =	swait.ge [sflag:s28], $0x1000  }
0xb9: {  	[sflag:s28] =	ssyncset.done $0x0  }
0xba: {  	s29 =	simm.s32 $0x7;
	[sflag:s28] =	ssyncadd.s32 $0xFFFFF000  }
0xbb: {  	_ =	swait.ge [sflag:s29], $0x1000  }
0xbc: {  	[sflag:s29] =	ssyncset.done $0x0  }
0xbd: {  	s30 =	simm.s32 $0x8;
	[sflag:s29] =	ssyncadd.s32 $0xFFFFF000  }
0xbe: {  	_ =	swait.ge [sflag:s30], $0x1000  }
0xbf: {  	[sflag:s30] =	ssyncset.done $0x0  }
0xc0: {  	s2 =	sshrl.u32 s2, $0x3;
	[sflag:s30] =	ssyncadd.s32 $0xFFFFF000  }
0xc1: {  	s31 =	simm.s32 $0x9;
	s2 =	sadd.s32 s23, s2;
	[bflag:$0x0] =	sbarrier.arrive $0xFFFF  }
0xc2: {  	[hbm:s2], [sflag:s3] =	dma.local [spmem:s4], $0xA00  }
0xc3: {  	_ =	swait.ge [sflag:s31], $0xA00  }
0xc4: {  	[sflag:s31] =	ssyncset.done $0x0  }
0xc5: {  	[sflag:s31] =	ssyncadd.s32 $0xFFFFF600  }
0xc6: {  	_ =	sfence.sel $0x180000  }
0xc7: {  	[bflag:$0x0] =	sbarrier.arrive $0xFFFF  }
0xc8: {  	p0 =	sne.s32 s1, $0x0;
	_ =	strace $0x9000004A  }
0xc9: {  	s0 =	sadd.s32 @!p0 $0x100000, s0;
	[bflag:$0x2] =	sbarrier.arrive $0xFFFF  }
0xca: {  	[sflag:s0] =	ssyncadd.tile.s32 @!p0 $0x1;
	_ =	shalt  }
.Lfunc_end2:
_tile_overlayer_lowered:
.L_overlay_start_2:
0xcb: {  	(tag) =	ssettag $0x2  }
0xcc: {  	s0 =	rddreg [dreg:$0x0];
	s2 =	stileid.u32  }
0xcd: {  	s1 =	rddreg [dreg:$0x1];
	p0 =	sne.s32 s2, $0x0  }
0xce: {  	s3 =	rddreg [dreg:$0x2];
	[bflag:$0x3] =	sbarrier.arrive $0xFFFF;
	s2 =	simm.s32 @!p0 $0x1C09  }
0xcf: {  	[timem:s3], [sflag:s2] =	dma.local @!p0 [hbm:s0], s1  }
0xd0: {  	s0 =	simm.s32 @!p0 $0x9  }
0xd1: {  	_ =	swait.ge @!p0 [sflag:s0], s1  }
0xd2: {  	s1 =	ssub.s32 @!p0 $0x0, s1;
	[sflag:s0] =	ssyncset.done @!p0 $0x0  }
0xd3: {  	[sflag:s0] =	ssyncadd.s32 @!p0 s1  }
0xd4: {  	[bflag:$0x3] =	sbarrier.arrive $0xFFFF  }
0xd5: {  	_ =	shalt  }

// kernel: kernel.15.cloned.1.call-start
scs
__scs_entry_jumppad:
0x0: {  	(pc) =	sbr.rel $0x88, $3  }
0x1: {  	(tag) =	ssettag $0x0;
	lr =	simm.s32 $0x1  }
0x2: {  	[smem:$0x3F92] =	sst lr;
	_ =	strace $0xD0000000  }
0x3: {  	_ = 	snop  }
0x4: {  	_ = 	snop  }
0x5: {  	_ = 	snop  }
0x6: {  	_ = 	snop  }
0x7: {  	_ = 	snop  }
__scs_overlays_trampoline_lowered:
0x8: {  	[smem:$0x3FA1] =	sst s0  }
0x9: {  	[smem:$0x3FA2] =	sst s1  }
0xa: {  	[smem:$0x3FA3] =	sst s2  }
0xb: {  	[smem:$0x3FA4] =	sst s3  }
0xc: {  	[smem:$0x3FA5] =	sst s4  }
0xd: {  	[smem:$0x3FA6] =	sst s5  }
0xe: {  	[smem:$0x3FA7] =	sst s6  }
0xf: {  	[smem:$0x3FA8] =	sst s7  }
0x10: {  	[smem:$0x3FA9] =	sst s8  }
0x11: {  	[smem:$0x3FAA] =	sst s9;
	s0 =	simm.s32 @!p0 $0x0  }
0x12: {  	s1 =	sld [smem:$0x3F90];
	s0 =	simm.s32 @p0 $0x1  }
0x13: {  	[smem:$0x3FAB] =	sst s0;
	s0 =	simm.s32 @!p1 $0x0  }
0x14: {  	s2 =	sld [smem:$0x3F8F];
	s0 =	simm.s32 @p1 $0x1  }
0x15: {  	[smem:$0x3FAC] =	sst s0;
	s0 =	simm.s32 @!p2 $0x0  }
0x16: {  	s3 =	sld [smem:$0x3FDB];
	s0 =	simm.s32 @p2 $0x1  }
0x17: {  	s4 =	simm.s32 $0x1BF5;
	[smem:$0x3FAE] =	sst s0  }
0x18: {  	s0 =	sld [smem:$0x3F91];
	_ =	swait.ge [sflag:s4], $0x0  }
0x19: {  	s7 =	sld [smem:$0x3F92]  }
0x1a: {  	s8 =	sadd.s32 $0xFFFFE003, lr  }
0x1b: {  	s9 =	sadd.s32 $0xFFFFFEF7, lr;
	s5 =	simm.s32 $0xFFFFFFFF;
	p2 =	slt.u32 s8, $0xFFFFF086  }
0x1c: {  	p1 =	slt.u32 s9, $0xF7A;
	s5 =	simm.s32 @!p2 $0x0  }
0x1d: {  	s5 =	simm.s32 @p1 $0x1;
	p0 =	seq.s32 s7, s2  }
0x1e: {  	s7 =	smul.u32 @!p0 $0xF7A, s2;
	p2 =	seq.s32 @!p0 s5, $0x0  }
0x1f: {  	s9 =	smul.u32 $0xF7A, s1;
	s8 =	simm.s32 @!p0 $0x1BF5;
	p2 =	por !p2, p0  }
0x20: {  	[sflag:s8] =	ssyncset.s32 @!p0 $0xFFFFF086;
	s6 =	sadd.s32 @!p0 s3, s7;
	s7 =	simm.s32 @!p0 $0x108  }
0x21: {  	s3 =	sadd.s32 s3, s9;
	s6 =	sadd.s32 @!p0 $0x88, s6;
	s7 =	simm.s32 @p2 $0x1082  }
0x22: {  	[simem:s7], [sflag:s8] =	dma.local @!p0 [hbm:s6], $0xF7A  }
0x23: {  	s9 =	sor.u32 $0xD0000000, s2;
	s6 =	simm.s32 $0x108;
	_ =	swait.ge @!p0 [sflag:s8], $0x0  }
0x24: {  	s3 =	sadd.s32 $0x88, s3;
	s6 =	simm.s32 @!p1 $0x1082;
	[sflag:s4] =	ssyncset.s32 $0xFFFFF086  }
0x25: {  	[simem:s6], [sflag:s4] =	dma.local [hbm:s3], $0xF7A  }
0x26: {  	[smem:$0x3F92] =	sst s1;
	(tag) =	ssettag s2;
	_ =	strace s9  }
0x27: {  	s1 =	sld [smem:$0x3FA2]  }
0x28: {  	s2 =	sld [smem:$0x3FA3]  }
0x29: {  	s4 =	sld [smem:$0x3FA5]  }
0x2a: {  	p0 =	seq.s32 s5, $0x0;
	s5 =	sld [smem:$0x3FA6]  }
0x2b: {  	s6 =	sld [smem:$0x3FA7]  }
0x2c: {  	s7 =	sld [smem:$0x3FA8]  }
0x2d: {  	s3 =	simm.s32 $0x108;
	s8 =	sld [smem:$0x3FA9]  }
0x2e: {  	s3 =	simm.s32 @!p0 $0x1082;
	s9 =	sld [smem:$0x3FAA]  }
0x2f: {  	lr =	sadd.s32 s0, s3;
	s0 =	sld [smem:$0x3FA1]  }
0x30: {  	s3 =	sld [smem:$0x3FA4]  }
0x31: {  	[smem:$0x3FAD] =	sst s10  }
0x32: {  	s10 =	sld [smem:$0x3FAB];
	_ =	sdelay $0x3  }
0x33: {  	p0 =	seq.s32 s10, $0x1;
	s10 =	sld [smem:$0x3FAD];
	_ =	sdelay $0x3  }
0x34: {  	[smem:$0x3FAD] =	sst s10  }
0x35: {  	s10 =	sld [smem:$0x3FAC];
	_ =	sdelay $0x3  }
0x36: {  	p1 =	seq.s32 s10, $0x1;
	s10 =	sld [smem:$0x3FAD];
	_ =	sdelay $0x3  }
0x37: {  	[smem:$0x3FAD] =	sst s10  }
0x38: {  	s10 =	sld [smem:$0x3FAE]  }
0x39: {  	_ = 	snop;
	(pc) =	sbr.ind lr, $3  }
0x3a: {  	_ = 	snop  }
0x3b: {  	_ = 	snop  }
0x3c: {  	p2 =	seq.s32 s10, $0x1;
	s10 =	sld [smem:$0x3FAD]  }
0x3d: {  	_ =	shalt  }
0x3e: {  	_ =	shalt  }
0x3f: {  	_ =	shalt  }
0x40: {  	_ =	shalt  }
0x41: {  	_ =	shalt  }
0x42: {  	_ =	shalt  }
0x43: {  	_ =	shalt  }
0x44: {  	_ =	shalt  }
0x45: {  	_ =	shalt  }
0x46: {  	_ =	shalt  }
0x47: {  	_ =	shalt  }
0x48: {  	_ =	shalt  }
0x49: {  	_ =	shalt  }
0x4a: {  	_ =	shalt  }
0x4b: {  	_ =	shalt  }
0x4c: {  	_ =	shalt  }
0x4d: {  	_ =	shalt  }
0x4e: {  	_ =	shalt  }
0x4f: {  	_ =	shalt  }
0x50: {  	_ =	shalt  }
0x51: {  	_ =	shalt  }
0x52: {  	_ =	shalt  }
0x53: {  	_ =	shalt  }
0x54: {  	_ =	shalt  }
0x55: {  	_ =	shalt  }
0x56: {  	_ =	shalt  }
0x57: {  	_ =	shalt  }
0x58: {  	_ =	shalt  }
0x59: {  	_ =	shalt  }
0x5a: {  	_ =	shalt  }
0x5b: {  	_ =	shalt  }
0x5c: {  	_ =	shalt  }
0x5d: {  	_ =	shalt  }
0x5e: {  	_ =	shalt  }
0x5f: {  	_ =	shalt  }
0x60: {  	_ =	shalt  }
0x61: {  	_ =	shalt  }
0x62: {  	_ =	shalt  }
0x63: {  	_ =	shalt  }
0x64: {  	_ =	shalt  }
0x65: {  	_ =	shalt  }
0x66: {  	_ =	shalt  }
0x67: {  	_ =	shalt  }
0x68: {  	_ =	shalt  }
0x69: {  	_ =	shalt  }
0x6a: {  	_ =	shalt  }
0x6b: {  	_ =	shalt  }
0x6c: {  	_ =	shalt  }
0x6d: {  	_ =	shalt  }
0x6e: {  	_ =	shalt  }
0x6f: {  	_ =	shalt  }
0x70: {  	_ =	shalt  }
0x71: {  	_ =	shalt  }
0x72: {  	_ =	shalt  }
0x73: {  	_ =	shalt  }
0x74: {  	_ =	shalt  }
0x75: {  	_ =	shalt  }
0x76: {  	_ =	shalt  }
0x77: {  	_ =	shalt  }
0x78: {  	_ =	shalt  }
0x79: {  	_ =	shalt  }
0x7a: {  	_ =	shalt  }
0x7b: {  	_ =	shalt  }
0x7c: {  	_ =	shalt  }
0x7d: {  	_ =	shalt  }
0x7e: {  	_ =	shalt  }
0x7f: {  	_ =	shalt  }
0x80: {  	_ =	shalt  }
0x81: {  	_ =	shalt  }
0x82: {  	_ =	shalt  }
0x83: {  	_ =	shalt  }
0x84: {  	_ =	shalt  }
0x85: {  	_ =	shalt  }
0x86: {  	_ =	shalt  }
0x87: {  	_ =	shalt  }
.Lfunc_end0:
.L_simem_size_0:
called_computation.2_lowered:
.L_overlay_start_0:
0x88: {  	s0 =	sld [smem:$0x3FD9]  }
0x89: {  	s1 =	sld [smem:$0x3FFE];
	_ =	sdelay $0x3  }
0x8a: {  	s0 =	sadd.s32 s1, s0  }
0x8b: {  	[smem:$0x3FB9] =	sst s0  }
0x8c: {  	_ = 	snop  }
0x8d: {  	s0 =	sld [smem:$0x3FD0];
	(tm) =	ssettm $0x1  }
0x8e: {  	s16 =	sld [smem:$0x3FFB];
	_ =	sdelay $0x3  }
0x8f: {  	_ =	strace s16  }
0x90: {  	s1 =	sld [smem:$0x3FFC];
	_ =	sdelay $0x3  }
0x91: {  	_ =	strace s1  }
0x92: {  	s1 =	sld [smem:$0x3FFD];
	_ =	sdelay $0x3  }
0x93: {  	_ =	strace s1  }
0x94: {  	_ =	strace $0x8FFFFFFF  }
0x95: {  	s17 =	sld [smem:$0x3FDB];
	_ =	sdelay $0x1  }
0x96: {  	s2 =	simm.s32 $_scs_section_size  }
0x97: {  	s3 =	simm.s32 $_size__tile_overlayer_lowered;
	s4 =	simm.s32 $_tile_overlayer_lowered  }
0x98: {  	s20 =	simm.s32 $0x1BFF;
	s19 =	sshll.u32 s4, $0x1;
	s1 =	sadd.s32 s2, s17  }
0x99: {  	s5 =	simm.s32 $0x0;
	s18 =	sshll.u32 s3, $0x1;
	s3 =	sadd.s32 s19, s1  }
0x9a: {  	[timem:s5], [sflag:s20] =	dma.local [hbm:s3], s18  }
0x9b: {  	_ =	swait.ge [sflag:s20], s18  }
0x9c: {  	s2 =	ssub.s32 $0x0, s18;
	[sflag:s20] =	ssyncset.done $0x0  }
0x9d: {  	[sflag:s20] =	ssyncadd.s32 s2;
	_ =	sdelay $0x1  }
0x9e: {  	s21 =	simm.s32 $0x1B8B  }
0x9f: {  	_ =	swait.ge [sflag:s21], $0x1  }
0xa0: {  	[sflag:s21] =	ssyncset.done $0x0  }
0xa1: {  	s23 =	simm.s32 $0x1B8E;
	s22 =	sld [smem:$0x3FFE];
	[sflag:s21] =	ssyncadd.s32 $0xFFFFFFFF  }
0xa2: {  	s24 =	simm.s32 $execute0_lowered;
	[smem:$0x3FD2] =	sst s23  }
0xa3: {  	s3 =	sshll.u32 s24, $0x1;
	_ =	strace $0x8000004C;
	[dreg:$0x1] =	wrdreg $0xFFFFFFFF  }
0xa4: {  	s25 =	simm.s32 $_size_execute0_lowered;
	s1 =	sadd.s32 s1, s3;
	[dreg:$0x0] =	wrdreg $0x0  }
0xa5: {  	s3 =	sshll.u32 s25, $0x1;
	[dreg:$0x2] =	wrdreg s1  }
0xa6: {  	[dreg:$0x3] =	wrdreg s3  }
0xa7: {  	[dreg:$0x4] =	wrdreg $0xC0  }
0xa8: {  	_ =	task [dreg:s5], $0x5FFFF  }
0xa9: {  	[dreg:$0x1] =	wrdreg $0xFFFFFFFF  }
0xaa: {  	[dreg:$0x0] =	wrdreg $0x60  }
0xab: {  	[dreg:$0x2] =	wrdreg s22  }
0xac: {  	[dreg:$0x3] =	wrdreg s0  }
0xad: {  	[dreg:$0x4] =	wrdreg $0xA0000  }
0xae: {  	[dreg:$0x5] =	wrdreg $0x9  }
0xaf: {  	_ =	task.clear_ibuf [dreg:s5], $0x6FFFF;
	_ =	strace $0x9000004C  }
0xb0: {  	s26 =	simm.s32 $0x9;
	_ =	strace $0x8000004E  }
0xb1: {  	_ =	swait.ge [sflag:s26], $0x1  }
0xb2: {  	[sflag:s26] =	ssyncadd.s32 $0xFFFFFFFF  }
0xb3: {  	_ =	strace $0x9000004E  }
0xb4: {  	_ =	sfence  }
0xb5: {  	s28 =	sld [smem:$0x0];
	_ =	sdelay $0x1  }
0xb6: {  	s29 =	srdreg.scid  }
0xb7: {  	s30 =	sshll.u32 s29, $0xD;
	s31 =	sshrl.u32 s29, $0x2  }
0xb8: {  	s2 =	sand.u32 $0x4000, s30;
	s1 =	sand.u32 $0x1, s29;
	s0 =	sadd.s32 s31, s28  }
0xb9: {  	s1 =	sor.u32 s2, s1;
	s0 =	sshll.u32 s0, $0x11  }
0xba: {  	s0 =	sor.u32 s0, s1  }
0xbb: {  	s0 =	sadd.s32 $0x8F2B, s0  }
0xbc: {  	[sflag:s0] =	ssyncadd.remote.s32 $0x1  }
0xbd: {  	_ =	sfence.sel $0xFFFF  }
0xbe: {  	[dreg:$0x0] =	wrdreg $0xFFFFFFFF;
	(pc) =	sbr.abs _section_cstart, $3  }
0xbf: {  	[dreg:$0x1] =	wrdreg $0xFFFFFFFF  }
0xc0: {  	_ =	task.clear_ibuf [dreg:s5], $0x2FFFF;
	_ =	strace $0x9FFFFFFF  }
0xc1: {  	(tm) =	ssettm $0x7FFFFFFF  }
tec
execute0_lowered:
.L_overlay_start_1:
0x0: {  	(tag) =	ssettag $0x1  }
0x1: {  	s23 =	rddreg [dreg:$0x0]  }
0x2: {  	s7 =	rddreg [dreg:$0x1]  }
0x3: {  	s5 =	rddreg [dreg:$0x2];
	s1 =	stileid.u32  }
0x4: {  	s0 =	rddreg [dreg:$0x3];
	s10 =	simm.s32 $0x0;
	s2 =	smul.u32 $0x5000, s1  }
0x5: {  	[smem:$0x7FF] =	sst s10  }
0x6: {  	s3 =	sshll.u32 s1, $0x6;
	s6 =	sadd.s32 $0xCA00, s23;
	s4 =	sadd.s32 s2, s5  }
0x7: {  	_ =	strace $0x8000004D;
	s3 =	sor.u32 $0x1C09, s3;
	s4 =	sshrl.u32 s4, $0x3  }
0x8: {  	[spmem:s4], [sflag:s3] =	dma.local [hbm:s6], $0xA00  }
0x9: {  	s6 =	simm.s32 $0x9  }
0xa: {  	s8 =	smul.u32 $0xA00, s1;
	_ =	swait.ge [sflag:s6], $0xA00  }
0xb: {  	[sflag:s6] =	ssyncset.done $0x0  }
0xc: {  	s7 =	sadd.s32 s7, s8;
	[sflag:s6] =	ssyncadd.s32 $0xFFFFF600  }
0xd: {  	[tilespmem:s10], [sflag:$0x9] =	stream.linear.gather [hbm4b:s7+s10], $0x5000, $0x38;
	[tilespmem:$0x17000] =	vst v63  }
0xe: {  	_ =	swait.ge [sflag:s6], $0x5000  }
0xf: {  	s21 =	sadd.s32 s8, s23;
	[sflag:s6] =	ssyncset.done $0x0  }
0x10: {  	s22 =	simm.s32 $0x5000;
	s7 =	sadd.s32 $0x3D800, s21;
	[sflag:s6] =	ssyncadd.s32 $0xFFFFB000  }
0x11: {  	[tilespmem:s22], [sflag:$0x9] =	stream.linear.gather [hbm4b:s7+s10], $0x5000, $0x38;
	[tilespmem:$0x17000] =	vst v63  }
0x12: {  	_ =	swait.ge [sflag:s6], $0x5000  }
0x13: {  	[sflag:s6] =	ssyncset.done $0x0  }
0x14: {  	s9 =	simm.s32 $0xF000;
	[sflag:s6] =	ssyncadd.s32 $0xFFFFB000  }
0x15: {  	s8 =	simm.s32 $0x80;
	s7 =	sadd.s32 $0x2C00, s23;
	[bflag:$0x0] =	sbarrier.arrive $0xFFFF  }
0x16: {  	[tilespmem:s9], [sflag:$0x1] =	stream.indirect.gather [hbm4b:s7+s8], $0x20, s10, s8, $0xb8;
	[tilespmem:$0x17000] =	vst v63  }
0x17: {  	s10 =	simm.s32 $0x10000  }
0x18: {  	[tilespmem:s10], [sflag:$0x2] =	stream.indirect.gather [hbm4b:s7+s8], $0x20, s8, s8, $0xb8;
	[tilespmem:$0x17000] =	vst v63  }
0x19: {  	s12 =	simm.s32 $0x100;
	s11 =	simm.s32 $0x11000  }
0x1a: {  	[tilespmem:s11], [sflag:$0x3] =	stream.indirect.gather [hbm4b:s7+s8], $0x20, s12, s8, $0xb8;
	[tilespmem:$0x17000] =	vst v63  }
0x1b: {  	s13 =	simm.s32 $0x180;
	s12 =	simm.s32 $0x12000  }
0x1c: {  	[tilespmem:s12], [sflag:$0x4] =	stream.indirect.gather [hbm4b:s7+s8], $0x20, s13, s8, $0xb8;
	[tilespmem:$0x17000] =	vst v63  }
0x1d: {  	s14 =	simm.s32 $0x200;
	s13 =	simm.s32 $0x13000  }
0x1e: {  	[tilespmem:s13], [sflag:$0x5] =	stream.indirect.gather [hbm4b:s7+s8], $0x20, s14, s8, $0xb8;
	[tilespmem:$0x17000] =	vst v63  }
0x1f: {  	s15 =	simm.s32 $0x280;
	s14 =	simm.s32 $0x14000  }
0x20: {  	[tilespmem:s14], [sflag:$0x6] =	stream.indirect.gather [hbm4b:s7+s8], $0x20, s15, s8, $0xb8;
	[tilespmem:$0x17000] =	vst v63  }
0x21: {  	s16 =	simm.s32 $0x300;
	s15 =	simm.s32 $0x15000  }
0x22: {  	[tilespmem:s15], [sflag:$0x7] =	stream.indirect.gather [hbm4b:s7+s8], $0x20, s16, s8, $0xb8;
	[tilespmem:$0x17000] =	vst v63  }
0x23: {  	s17 =	simm.s32 $0x380;
	s16 =	simm.s32 $0x16000  }
0x24: {  	[tilespmem:s16], [sflag:$0x8] =	stream.indirect.gather [hbm4b:s7+s8], $0x20, s17, s8, $0xb8;
	[tilespmem:$0x17000] =	vst v63  }
0x25: {  	s17 =	simm.s32 $0x1  }
0x26: {  	_ =	swait.ge [sflag:s17], $0x1000  }
0x27: {  	[sflag:s17] =	ssyncset.done $0x0  }
0x28: {  	s18 =	simm.s32 $0x5000;
	[sflag:s17] =	ssyncadd.s32 $0xFFFFF000  }
0x29: {  	[spmem:s5] =	stream.indirect.scatter.add.f32 [tilespmem:s9], [sflag:$0x9], $0x20, s18, s8, $0xb8;
	[tilespmem:$0x17000] =	vst v63  }
0x2a: {  	p0 =	por $0x0, $0x0;
	s19 =	simm.s32 $0x1000;
	_ =	swait.ge [sflag:s6], $0x1000  }
0x2b: {  	s19 =	simm.s32 @p0 $0x0;
	[sflag:s6] =	ssyncset.done $0x0  }
0x2c: {  	s19 =	sshra.s32 s19, $0x2;
	s18 =	simm.s32 $0x2;
	[sflag:s6] =	ssyncadd.s32 $0xFFFFF000  }
0x2d: {  	[tilespmem:s9], [sflag:$0x1] =	stream.indirect.gather [hbm4b:s7+s8], $0x20, s19, s8, $0xb8;
	[tilespmem:$0x17000] =	vst v63  }
0x2e: {  	_ =	swait.ge [sflag:s18], $0x1000  }
0x2f: {  	[sflag:s18] =	ssyncset.done $0x0  }
0x30: {  	s24 =	simm.s32 $0x5080;
	[sflag:s18] =	ssyncadd.s32 $0xFFFFF000  }
0x31: {  	[spmem:s5] =	stream.indirect.scatter.add.f32 [tilespmem:s10], [sflag:$0x9], $0x20, s24, s8, $0xb8;
	[tilespmem:$0x17000] =	vst v63  }
0x32: {  	s20 =	simm.s32 $0x1200;
	_ =	swait.ge [sflag:s6], $0x1000  }
0x33: {  	s20 =	simm.s32 @p0 $0x200;
	[sflag:s6] =	ssyncset.done $0x0  }
0x34: {  	s20 =	sshra.s32 s20, $0x2;
	s19 =	simm.s32 $0x3;
	[sflag:s6] =	ssyncadd.s32 $0xFFFFF000  }
0x35: {  	[tilespmem:s10], [sflag:$0x2] =	stream.indirect.gather [hbm4b:s7+s8], $0x20, s20, s8, $0xb8;
	[tilespmem:$0x17000] =	vst v63  }
0x36: {  	_ =	swait.ge [sflag:s19], $0x1000  }
0x37: {  	[sflag:s19] =	ssyncset.done $0x0  }
0x38: {  	s25 =	simm.s32 $0x5100;
	[sflag:s19] =	ssyncadd.s32 $0xFFFFF000  }
0x39: {  	[spmem:s5] =	stream.indirect.scatter.add.f32 [tilespmem:s11], [sflag:$0x9], $0x20, s25, s8, $0xb8;
	[tilespmem:$0x17000] =	vst v63  }
0x3a: {  	s21 =	simm.s32 $0x1400;
	_ =	swait.ge [sflag:s6], $0x1000  }
0x3b: {  	s21 =	simm.s32 @p0 $0x400;
	[sflag:s6] =	ssyncset.done $0x0  }
0x3c: {  	s21 =	sshra.s32 s21, $0x2;
	s20 =	simm.s32 $0x4;
	[sflag:s6] =	ssyncadd.s32 $0xFFFFF000  }
0x3d: {  	[tilespmem:s11], [sflag:$0x3] =	stream.indirect.gather [hbm4b:s7+s8], $0x20, s21, s8, $0xb8;
	[tilespmem:$0x17000] =	vst v63  }
0x3e: {  	_ =	swait.ge [sflag:s20], $0x1000  }
0x3f: {  	[sflag:s20] =	ssyncset.done $0x0  }
0x40: {  	s26 =	simm.s32 $0x5180;
	[sflag:s20] =	ssyncadd.s32 $0xFFFFF000  }
0x41: {  	[spmem:s5] =	stream.indirect.scatter.add.f32 [tilespmem:s12], [sflag:$0x9], $0x20, s26, s8, $0xb8;
	[tilespmem:$0x17000] =	vst v63  }
0x42: {  	s22 =	simm.s32 $0x1600;
	_ =	swait.ge [sflag:s6], $0x1000  }
0x43: {  	s22 =	simm.s32 @p0 $0x600;
	[sflag:s6] =	ssyncset.done $0x0  }
0x44: {  	s22 =	sshra.s32 s22, $0x2;
	s21 =	simm.s32 $0x5;
	[sflag:s6] =	ssyncadd.s32 $0xFFFFF000  }
0x45: {  	[tilespmem:s12], [sflag:$0x4] =	stream.indirect.gather [hbm4b:s7+s8], $0x20, s22, s8, $0xb8;
	[tilespmem:$0x17000] =	vst v63  }
0x46: {  	_ =	swait.ge [sflag:s21], $0x1000  }
0x47: {  	[sflag:s21] =	ssyncset.done $0x0  }
0x48: {  	s29 =	simm.s32 $0x5200;
	[sflag:s21] =	ssyncadd.s32 $0xFFFFF000  }
0x49: {  	[spmem:s5] =	stream.indirect.scatter.add.f32 [tilespmem:s13], [sflag:$0x9], $0x20, s29, s8, $0xb8;
	[tilespmem:$0x17000] =	vst v63  }
0x4a: {  	s24 =	simm.s32 $0x1800;
	_ =	swait.ge [sflag:s6], $0x1000  }
0x4b: {  	s24 =	simm.s32 @p0 $0x800;
	[sflag:s6] =	ssyncset.done $0x0  }
0x4c: {  	s24 =	sshra.s32 s24, $0x2;
	s22 =	simm.s32 $0x6;
	[sflag:s6] =	ssyncadd.s32 $0xFFFFF000  }
0x4d: {  	[tilespmem:s13], [sflag:$0x5] =	stream.indirect.gather [hbm4b:s7+s8], $0x20, s24, s8, $0xb8;
	[tilespmem:$0x17000] =	vst v63  }
0x4e: {  	_ =	swait.ge [sflag:s22], $0x1000  }
0x4f: {  	[sflag:s22] =	ssyncset.done $0x0  }
0x50: {  	s30 =	simm.s32 $0x5280;
	[sflag:s22] =	ssyncadd.s32 $0xFFFFF000  }
0x51: {  	[spmem:s5] =	stream.indirect.scatter.add.f32 [tilespmem:s14], [sflag:$0x9], $0x20, s30, s8, $0xb8;
	[tilespmem:$0x17000] =	vst v63  }
0x52: {  	s25 =	simm.s32 $0x1A00;
	_ =	swait.ge [sflag:s6], $0x1000  }
0x53: {  	s25 =	simm.s32 @p0 $0xA00;
	[sflag:s6] =	ssyncset.done $0x0  }
0x54: {  	s25 =	sshra.s32 s25, $0x2;
	s24 =	simm.s32 $0x7;
	[sflag:s6] =	ssyncadd.s32 $0xFFFFF000  }
0x55: {  	[tilespmem:s14], [sflag:$0x6] =	stream.indirect.gather [hbm4b:s7+s8], $0x20, s25, s8, $0xb8;
	[tilespmem:$0x17000] =	vst v63  }
0x56: {  	_ =	swait.ge [sflag:s24], $0x1000  }
0x57: {  	[sflag:s24] =	ssyncset.done $0x0  }
0x58: {  	s31 =	simm.s32 $0x5300;
	[sflag:s24] =	ssyncadd.s32 $0xFFFFF000  }
0x59: {  	[spmem:s5] =	stream.indirect.scatter.add.f32 [tilespmem:s15], [sflag:$0x9], $0x20, s31, s8, $0xb8;
	[tilespmem:$0x17000] =	vst v63  }
0x5a: {  	s25 =	simm.s32 $0x1C00;
	_ =	swait.ge [sflag:s6], $0x1000  }
0x5b: {  	s25 =	simm.s32 @p0 $0xC00;
	[sflag:s6] =	ssyncset.done $0x0  }
0x5c: {  	s25 =	sshra.s32 s25, $0x2;
	[sflag:s6] =	ssyncadd.s32 $0xFFFFF000  }
0x5d: {  	[tilespmem:s15], [sflag:$0x7] =	stream.indirect.gather [hbm4b:s7+s8], $0x20, s25, s8, $0xb8;
	[tilespmem:$0x17000] =	vst v63  }
0x5e: {  	s25 =	simm.s32 $0x8  }
0x5f: {  	_ =	swait.ge [sflag:s25], $0x1000  }
0x60: {  	[sflag:s25] =	ssyncset.done $0x0  }
0x61: {  	s26 =	simm.s32 $0x5380;
	[sflag:s25] =	ssyncadd.s32 $0xFFFFF000  }
0x62: {  	[spmem:s5] =	stream.indirect.scatter.add.f32 [tilespmem:s16], [sflag:$0x9], $0x20, s26, s8, $0xb8;
	[tilespmem:$0x17000] =	vst v63  }
0x63: {  	s26 =	simm.s32 $0x1E00;
	_ =	swait.ge [sflag:s6], $0x1000  }
0x64: {  	s23 =	sadd.s32 $0xD400, s23;
	s26 =	simm.s32 @p0 $0xE00;
	[sflag:s6] =	ssyncset.done $0x0  }
0x65: {  	s28 =	sshra.s32 s26, $0x2;
	s26 =	simm.s32 $0x2E00;
	[sflag:s6] =	ssyncadd.s32 $0xFFFFF000  }
.LBB2_1:
0x66: {  	[tilespmem:s16], [sflag:$0x8] =	stream.indirect.gather [hbm4b:s7+s8], $0x20, s28, s8, $0xb8;
	[tilespmem:$0x17000] =	vst v63  }
0x67: {  	s28 =	smov.u32 s26  }
0x68: {  	p0 =	sne.s32 s26, $0x14E00;
	s26 =	sadd.s32 $0x1000, s26;
	_ =	swait.ge [sflag:s17], $0x1000  }
0x69: {  	s29 =	sshra.s32 s28, $0x2;
	[sflag:s17] =	ssyncset.done $0x0  }
0x6a: {  	s30 =	sadd.s32 $0x4880, s29;
	[sflag:s17] =	ssyncadd.s32 $0xFFFFF000  }
0x6b: {  	[spmem:s5] =	stream.indirect.scatter.add.f32 [tilespmem:s9], [sflag:$0x9], $0x20, s30, s8, $0xb8;
	[tilespmem:$0x17000] =	vst v63  }
0x6c: {  	p1 =	seq.s32 s28, $0x14E00;
	s30 =	sadd.s32 $0xFFFFF200, s28;
	_ =	swait.ge [sflag:s6], $0x1000  }
0x6d: {  	s30 =	simm.s32 @p1 $0x0;
	[sflag:s6] =	ssyncset.done $0x0  }
0x6e: {  	s30 =	sshra.s32 s30, $0x2;
	[sflag:s6] =	ssyncadd.s32 $0xFFFFF000  }
0x6f: {  	[tilespmem:s9], [sflag:$0x1] =	stream.indirect.gather [hbm4b:s7+s8], $0x20, s30, s8, $0xb8;
	[tilespmem:$0x17000] =	vst v63  }
0x70: {  	_ =	swait.ge [sflag:s18], $0x1000  }
0x71: {  	[sflag:s18] =	ssyncset.done $0x0  }
0x72: {  	s30 =	sadd.s32 $0x4900, s29;
	[sflag:s18] =	ssyncadd.s32 $0xFFFFF000  }
0x73: {  	[spmem:s5] =	stream.indirect.scatter.add.f32 [tilespmem:s10], [sflag:$0x9], $0x20, s30, s8, $0xb8;
	[tilespmem:$0x17000] =	vst v63  }
0x74: {  	s30 =	sadd.s32 $0xFFFFF400, s28;
	_ =	swait.ge [sflag:s6], $0x1000  }
0x75: {  	s30 =	simm.s32 @p1 $0x200;
	[sflag:s6] =	ssyncset.done $0x0  }
0x76: {  	s30 =	sshra.s32 s30, $0x2;
	[sflag:s6] =	ssyncadd.s32 $0xFFFFF000  }
0x77: {  	[tilespmem:s10], [sflag:$0x2] =	stream.indirect.gather [hbm4b:s7+s8], $0x20, s30, s8, $0xb8;
	[tilespmem:$0x17000] =	vst v63  }
0x78: {  	_ =	swait.ge [sflag:s19], $0x1000  }
0x79: {  	[sflag:s19] =	ssyncset.done $0x0  }
0x7a: {  	s30 =	sadd.s32 $0x4980, s29;
	[sflag:s19] =	ssyncadd.s32 $0xFFFFF000  }
0x7b: {  	[spmem:s5] =	stream.indirect.scatter.add.f32 [tilespmem:s11], [sflag:$0x9], $0x20, s30, s8, $0xb8;
	[tilespmem:$0x17000] =	vst v63  }
0x7c: {  	s30 =	sadd.s32 $0xFFFFF600, s28;
	_ =	swait.ge [sflag:s6], $0x1000  }
0x7d: {  	s30 =	simm.s32 @p1 $0x400;
	[sflag:s6] =	ssyncset.done $0x0  }
0x7e: {  	s30 =	sshra.s32 s30, $0x2;
	[sflag:s6] =	ssyncadd.s32 $0xFFFFF000  }
0x7f: {  	[tilespmem:s11], [sflag:$0x3] =	stream.indirect.gather [hbm4b:s7+s8], $0x20, s30, s8, $0xb8;
	[tilespmem:$0x17000] =	vst v63  }
0x80: {  	_ =	swait.ge [sflag:s20], $0x1000  }
0x81: {  	[sflag:s20] =	ssyncset.done $0x0  }
0x82: {  	s30 =	sadd.s32 $0x4A00, s29;
	[sflag:s20] =	ssyncadd.s32 $0xFFFFF000  }
0x83: {  	[spmem:s5] =	stream.indirect.scatter.add.f32 [tilespmem:s12], [sflag:$0x9], $0x20, s30, s8, $0xb8;
	[tilespmem:$0x17000] =	vst v63  }
0x84: {  	s30 =	sadd.s32 $0xFFFFF800, s28;
	_ =	swait.ge [sflag:s6], $0x1000  }
0x85: {  	s30 =	simm.s32 @p1 $0x600;
	[sflag:s6] =	ssyncset.done $0x0  }
0x86: {  	s30 =	sshra.s32 s30, $0x2;
	[sflag:s6] =	ssyncadd.s32 $0xFFFFF000  }
0x87: {  	[tilespmem:s12], [sflag:$0x4] =	stream.indirect.gather [hbm4b:s7+s8], $0x20, s30, s8, $0xb8;
	[tilespmem:$0x17000] =	vst v63  }
0x88: {  	_ =	swait.ge [sflag:s21], $0x1000  }
0x89: {  	[sflag:s21] =	ssyncset.done $0x0  }
0x8a: {  	s30 =	sadd.s32 $0x4A80, s29;
	[sflag:s21] =	ssyncadd.s32 $0xFFFFF000  }
0x8b: {  	[spmem:s5] =	stream.indirect.scatter.add.f32 [tilespmem:s13], [sflag:$0x9], $0x20, s30, s8, $0xb8;
	[tilespmem:$0x17000] =	vst v63  }
0x8c: {  	s30 =	sadd.s32 $0xFFFFFA00, s28;
	_ =	swait.ge [sflag:s6], $0x1000  }
0x8d: {  	s30 =	simm.s32 @p1 $0x800;
	[sflag:s6] =	ssyncset.done $0x0  }
0x8e: {  	s30 =	sshra.s32 s30, $0x2;
	[sflag:s6] =	ssyncadd.s32 $0xFFFFF000  }
0x8f: {  	[tilespmem:s13], [sflag:$0x5] =	stream.indirect.gather [hbm4b:s7+s8], $0x20, s30, s8, $0xb8;
	[tilespmem:$0x17000] =	vst v63  }
0x90: {  	_ =	swait.ge [sflag:s22], $0x1000  }
0x91: {  	[sflag:s22] =	ssyncset.done $0x0  }
0x92: {  	s30 =	sadd.s32 $0x4B00, s29;
	[sflag:s22] =	ssyncadd.s32 $0xFFFFF000  }
0x93: {  	[spmem:s5] =	stream.indirect.scatter.add.f32 [tilespmem:s14], [sflag:$0x9], $0x20, s30, s8, $0xb8;
	[tilespmem:$0x17000] =	vst v63  }
0x94: {  	s30 =	sadd.s32 $0xFFFFFC00, s28;
	_ =	swait.ge [sflag:s6], $0x1000  }
0x95: {  	s30 =	simm.s32 @p1 $0xA00;
	[sflag:s6] =	ssyncset.done $0x0  }
0x96: {  	s30 =	sshra.s32 s30, $0x2;
	[sflag:s6] =	ssyncadd.s32 $0xFFFFF000  }
0x97: {  	[tilespmem:s14], [sflag:$0x6] =	stream.indirect.gather [hbm4b:s7+s8], $0x20, s30, s8, $0xb8;
	[tilespmem:$0x17000] =	vst v63  }
0x98: {  	_ =	swait.ge [sflag:s24], $0x1000  }
0x99: {  	[sflag:s24] =	ssyncset.done $0x0  }
0x9a: {  	s30 =	sadd.s32 $0x4B80, s29;
	[sflag:s24] =	ssyncadd.s32 $0xFFFFF000  }
0x9b: {  	[spmem:s5] =	stream.indirect.scatter.add.f32 [tilespmem:s15], [sflag:$0x9], $0x20, s30, s8, $0xb8;
	[tilespmem:$0x17000] =	vst v63  }
0x9c: {  	s30 =	sadd.s32 $0xFFFFFE00, s28;
	_ =	swait.ge [sflag:s6], $0x1000  }
0x9d: {  	s30 =	simm.s32 @p1 $0xC00;
	[sflag:s6] =	ssyncset.done $0x0  }
0x9e: {  	s30 =	sshra.s32 s30, $0x2;
	[sflag:s6] =	ssyncadd.s32 $0xFFFFF000  }
0x9f: {  	[tilespmem:s15], [sflag:$0x7] =	stream.indirect.gather [hbm4b:s7+s8], $0x20, s30, s8, $0xb8;
	[tilespmem:$0x17000] =	vst v63  }
0xa0: {  	_ =	swait.ge [sflag:s25], $0x1000  }
0xa1: {  	[sflag:s25] =	ssyncset.done $0x0  }
.Ltmp0:
0xa2: {  	s29 =	sadd.s32 $0x4C00, s29;
	[sflag:s25] =	ssyncadd.s32 $0xFFFFF000;
	(pc) =	sbr.rel @p0 .LBB2_1-.Ltmp0, $4  }
0xa3: {  	[spmem:s5] =	stream.indirect.scatter.add.f32 [tilespmem:s16], [sflag:$0x9], $0x20, s29, s8, $0xb8;
	[tilespmem:$0x17000] =	vst v63  }
0xa4: {  	_ =	swait.ge [sflag:s6], $0x1000  }
0xa5: {  	s28 =	simm.s32 @p1 $0xE00;
	[sflag:s6] =	ssyncset.done $0x0  }
0xa6: {  	s28 =	sshra.s32 s28, $0x2;
	[sflag:s6] =	ssyncadd.s32 $0xFFFFF000  }
0xa7: {  	[tilespmem:s16], [sflag:$0x8] =	stream.indirect.gather [hbm4b:s7+s8], $0x20, s28, s8, $0xb8;
	[tilespmem:$0x17000] =	vst v63  }
0xa8: {  	s5 =	simm.s32 $0x1  }
0xa9: {  	_ =	swait.ge [sflag:s5], $0x1000  }
0xaa: {  	[sflag:s5] =	ssyncset.done $0x0  }
0xab: {  	s22 =	simm.s32 $0x2;
	[sflag:s5] =	ssyncadd.s32 $0xFFFFF000  }
0xac: {  	_ =	swait.ge [sflag:s22], $0x1000  }
0xad: {  	[sflag:s22] =	ssyncset.done $0x0  }
0xae: {  	s24 =	simm.s32 $0x3;
	[sflag:s22] =	ssyncadd.s32 $0xFFFFF000  }
0xaf: {  	_ =	swait.ge [sflag:s24], $0x1000  }
0xb0: {  	[sflag:s24] =	ssyncset.done $0x0  }
0xb1: {  	s25 =	simm.s32 $0x4;
	[sflag:s24] =	ssyncadd.s32 $0xFFFFF000  }
0xb2: {  	_ =	swait.ge [sflag:s25], $0x1000  }
0xb3: {  	[sflag:s25] =	ssyncset.done $0x0  }
0xb4: {  	s26 =	simm.s32 $0x5;
	[sflag:s25] =	ssyncadd.s32 $0xFFFFF000  }
0xb5: {  	_ =	swait.ge [sflag:s26], $0x1000  }
0xb6: {  	[sflag:s26] =	ssyncset.done $0x0  }
0xb7: {  	s28 =	simm.s32 $0x6;
	[sflag:s26] =	ssyncadd.s32 $0xFFFFF000  }
0xb8: {  	_ =	swait.ge [sflag:s28], $0x1000  }
0xb9: {  	[sflag:s28] =	ssyncset.done $0x0  }
0xba: {  	s29 =	simm.s32 $0x7;
	[sflag:s28] =	ssyncadd.s32 $0xFFFFF000  }
0xbb: {  	_ =	swait.ge [sflag:s29], $0x1000  }
0xbc: {  	[sflag:s29] =	ssyncset.done $0x0  }
0xbd: {  	s30 =	simm.s32 $0x8;
	[sflag:s29] =	ssyncadd.s32 $0xFFFFF000  }
0xbe: {  	_ =	swait.ge [sflag:s30], $0x1000  }
0xbf: {  	[sflag:s30] =	ssyncset.done $0x0  }
0xc0: {  	s2 =	sshrl.u32 s2, $0x3;
	[sflag:s30] =	ssyncadd.s32 $0xFFFFF000  }
0xc1: {  	s31 =	simm.s32 $0x9;
	s2 =	sadd.s32 s23, s2;
	[bflag:$0x0] =	sbarrier.arrive $0xFFFF  }
0xc2: {  	[hbm:s2], [sflag:s3] =	dma.local [spmem:s4], $0xA00  }
0xc3: {  	_ =	swait.ge [sflag:s31], $0xA00  }
0xc4: {  	[sflag:s31] =	ssyncset.done $0x0  }
0xc5: {  	[sflag:s31] =	ssyncadd.s32 $0xFFFFF600  }
0xc6: {  	_ =	sfence.sel $0x180000  }
0xc7: {  	[bflag:$0x0] =	sbarrier.arrive $0xFFFF  }
0xc8: {  	p0 =	sne.s32 s1, $0x0;
	_ =	strace $0x9000004D  }
0xc9: {  	s0 =	sadd.s32 @!p0 $0x100000, s0;
	[bflag:$0x2] =	sbarrier.arrive $0xFFFF  }
0xca: {  	[sflag:s0] =	ssyncadd.tile.s32 @!p0 $0x1;
	_ =	shalt  }
.Lfunc_end2:
_tile_overlayer_lowered:
.L_overlay_start_2:
0xcb: {  	(tag) =	ssettag $0x2  }
0xcc: {  	s0 =	rddreg [dreg:$0x0];
	s2 =	stileid.u32  }
0xcd: {  	s1 =	rddreg [dreg:$0x1];
	p0 =	sne.s32 s2, $0x0  }
0xce: {  	s3 =	rddreg [dreg:$0x2];
	[bflag:$0x3] =	sbarrier.arrive $0xFFFF;
	s2 =	simm.s32 @!p0 $0x1C09  }
0xcf: {  	[timem:s3], [sflag:s2] =	dma.local @!p0 [hbm:s0], s1  }
0xd0: {  	s0 =	simm.s32 @!p0 $0x9  }
0xd1: {  	_ =	swait.ge @!p0 [sflag:s0], s1  }
0xd2: {  	s1 =	ssub.s32 @!p0 $0x0, s1;
	[sflag:s0] =	ssyncset.done @!p0 $0x0  }
0xd3: {  	[sflag:s0] =	ssyncadd.s32 @!p0 s1  }
0xd4: {  	[bflag:$0x3] =	sbarrier.arrive $0xFFFF  }
0xd5: {  	_ =	shalt  }

// kernel: kernel.9.cloned.1.call-start
scs
__scs_entry_jumppad:
0x0: {  	(pc) =	sbr.rel $0x88, $3  }
0x1: {  	(tag) =	ssettag $0x0;
	lr =	simm.s32 $0x1  }
0x2: {  	[smem:$0x3F92] =	sst lr;
	_ =	strace $0xD0000000  }
0x3: {  	_ = 	snop  }
0x4: {  	_ = 	snop  }
0x5: {  	_ = 	snop  }
0x6: {  	_ = 	snop  }
0x7: {  	_ = 	snop  }
__scs_overlays_trampoline_lowered:
0x8: {  	[smem:$0x3FA1] =	sst s0  }
0x9: {  	[smem:$0x3FA2] =	sst s1  }
0xa: {  	[smem:$0x3FA3] =	sst s2  }
0xb: {  	[smem:$0x3FA4] =	sst s3  }
0xc: {  	[smem:$0x3FA5] =	sst s4  }
0xd: {  	[smem:$0x3FA6] =	sst s5  }
0xe: {  	[smem:$0x3FA7] =	sst s6  }
0xf: {  	[smem:$0x3FA8] =	sst s7  }
0x10: {  	[smem:$0x3FA9] =	sst s8  }
0x11: {  	[smem:$0x3FAA] =	sst s9;
	s0 =	simm.s32 @!p0 $0x0  }
0x12: {  	s1 =	sld [smem:$0x3F90];
	s0 =	simm.s32 @p0 $0x1  }
0x13: {  	[smem:$0x3FAB] =	sst s0;
	s0 =	simm.s32 @!p1 $0x0  }
0x14: {  	s2 =	sld [smem:$0x3F8F];
	s0 =	simm.s32 @p1 $0x1  }
0x15: {  	[smem:$0x3FAC] =	sst s0;
	s0 =	simm.s32 @!p2 $0x0  }
0x16: {  	s3 =	sld [smem:$0x3FDB];
	s0 =	simm.s32 @p2 $0x1  }
0x17: {  	s4 =	simm.s32 $0x1BF5;
	[smem:$0x3FAE] =	sst s0  }
0x18: {  	s0 =	sld [smem:$0x3F91];
	_ =	swait.ge [sflag:s4], $0x0  }
0x19: {  	s7 =	sld [smem:$0x3F92]  }
0x1a: {  	s8 =	sadd.s32 $0xFFFFE003, lr  }
0x1b: {  	s9 =	sadd.s32 $0xFFFFFEF7, lr;
	s5 =	simm.s32 $0xFFFFFFFF;
	p2 =	slt.u32 s8, $0xFFFFF086  }
0x1c: {  	p1 =	slt.u32 s9, $0xF7A;
	s5 =	simm.s32 @!p2 $0x0  }
0x1d: {  	s5 =	simm.s32 @p1 $0x1;
	p0 =	seq.s32 s7, s2  }
0x1e: {  	s7 =	smul.u32 @!p0 $0xF7A, s2;
	p2 =	seq.s32 @!p0 s5, $0x0  }
0x1f: {  	s9 =	smul.u32 $0xF7A, s1;
	s8 =	simm.s32 @!p0 $0x1BF5;
	p2 =	por !p2, p0  }
0x20: {  	[sflag:s8] =	ssyncset.s32 @!p0 $0xFFFFF086;
	s6 =	sadd.s32 @!p0 s3, s7;
	s7 =	simm.s32 @!p0 $0x108  }
0x21: {  	s3 =	sadd.s32 s3, s9;
	s6 =	sadd.s32 @!p0 $0x88, s6;
	s7 =	simm.s32 @p2 $0x1082  }
0x22: {  	[simem:s7], [sflag:s8] =	dma.local @!p0 [hbm:s6], $0xF7A  }
0x23: {  	s9 =	sor.u32 $0xD0000000, s2;
	s6 =	simm.s32 $0x108;
	_ =	swait.ge @!p0 [sflag:s8], $0x0  }
0x24: {  	s3 =	sadd.s32 $0x88, s3;
	s6 =	simm.s32 @!p1 $0x1082;
	[sflag:s4] =	ssyncset.s32 $0xFFFFF086  }
0x25: {  	[simem:s6], [sflag:s4] =	dma.local [hbm:s3], $0xF7A  }
0x26: {  	[smem:$0x3F92] =	sst s1;
	(tag) =	ssettag s2;
	_ =	strace s9  }
0x27: {  	s1 =	sld [smem:$0x3FA2]  }
0x28: {  	s2 =	sld [smem:$0x3FA3]  }
0x29: {  	s4 =	sld [smem:$0x3FA5]  }
0x2a: {  	p0 =	seq.s32 s5, $0x0;
	s5 =	sld [smem:$0x3FA6]  }
0x2b: {  	s6 =	sld [smem:$0x3FA7]  }
0x2c: {  	s7 =	sld [smem:$0x3FA8]  }
0x2d: {  	s3 =	simm.s32 $0x108;
	s8 =	sld [smem:$0x3FA9]  }
0x2e: {  	s3 =	simm.s32 @!p0 $0x1082;
	s9 =	sld [smem:$0x3FAA]  }
0x2f: {  	lr =	sadd.s32 s0, s3;
	s0 =	sld [smem:$0x3FA1]  }
0x30: {  	s3 =	sld [smem:$0x3FA4]  }
0x31: {  	[smem:$0x3FAD] =	sst s10  }
0x32: {  	s10 =	sld [smem:$0x3FAB];
	_ =	sdelay $0x3  }
0x33: {  	p0 =	seq.s32 s10, $0x1;
	s10 =	sld [smem:$0x3FAD];
	_ =	sdelay $0x3  }
0x34: {  	[smem:$0x3FAD] =	sst s10  }
0x35: {  	s10 =	sld [smem:$0x3FAC];
	_ =	sdelay $0x3  }
0x36: {  	p1 =	seq.s32 s10, $0x1;
	s10 =	sld [smem:$0x3FAD];
	_ =	sdelay $0x3  }
0x37: {  	[smem:$0x3FAD] =	sst s10  }
0x38: {  	s10 =	sld [smem:$0x3FAE]  }
0x39: {  	_ = 	snop;
	(pc) =	sbr.ind lr, $3  }
0x3a: {  	_ = 	snop  }
0x3b: {  	_ = 	snop  }
0x3c: {  	p2 =	seq.s32 s10, $0x1;
	s10 =	sld [smem:$0x3FAD]  }
0x3d: {  	_ =	shalt  }
0x3e: {  	_ =	shalt  }
0x3f: {  	_ =	shalt  }
0x40: {  	_ =	shalt  }
0x41: {  	_ =	shalt  }
0x42: {  	_ =	shalt  }
0x43: {  	_ =	shalt  }
0x44: {  	_ =	shalt  }
0x45: {  	_ =	shalt  }
0x46: {  	_ =	shalt  }
0x47: {  	_ =	shalt  }
0x48: {  	_ =	shalt  }
0x49: {  	_ =	shalt  }
0x4a: {  	_ =	shalt  }
0x4b: {  	_ =	shalt  }
0x4c: {  	_ =	shalt  }
0x4d: {  	_ =	shalt  }
0x4e: {  	_ =	shalt  }
0x4f: {  	_ =	shalt  }
0x50: {  	_ =	shalt  }
0x51: {  	_ =	shalt  }
0x52: {  	_ =	shalt  }
0x53: {  	_ =	shalt  }
0x54: {  	_ =	shalt  }
0x55: {  	_ =	shalt  }
0x56: {  	_ =	shalt  }
0x57: {  	_ =	shalt  }
0x58: {  	_ =	shalt  }
0x59: {  	_ =	shalt  }
0x5a: {  	_ =	shalt  }
0x5b: {  	_ =	shalt  }
0x5c: {  	_ =	shalt  }
0x5d: {  	_ =	shalt  }
0x5e: {  	_ =	shalt  }
0x5f: {  	_ =	shalt  }
0x60: {  	_ =	shalt  }
0x61: {  	_ =	shalt  }
0x62: {  	_ =	shalt  }
0x63: {  	_ =	shalt  }
0x64: {  	_ =	shalt  }
0x65: {  	_ =	shalt  }
0x66: {  	_ =	shalt  }
0x67: {  	_ =	shalt  }
0x68: {  	_ =	shalt  }
0x69: {  	_ =	shalt  }
0x6a: {  	_ =	shalt  }
0x6b: {  	_ =	shalt  }
0x6c: {  	_ =	shalt  }
0x6d: {  	_ =	shalt  }
0x6e: {  	_ =	shalt  }
0x6f: {  	_ =	shalt  }
0x70: {  	_ =	shalt  }
0x71: {  	_ =	shalt  }
0x72: {  	_ =	shalt  }
0x73: {  	_ =	shalt  }
0x74: {  	_ =	shalt  }
0x75: {  	_ =	shalt  }
0x76: {  	_ =	shalt  }
0x77: {  	_ =	shalt  }
0x78: {  	_ =	shalt  }
0x79: {  	_ =	shalt  }
0x7a: {  	_ =	shalt  }
0x7b: {  	_ =	shalt  }
0x7c: {  	_ =	shalt  }
0x7d: {  	_ =	shalt  }
0x7e: {  	_ =	shalt  }
0x7f: {  	_ =	shalt  }
0x80: {  	_ =	shalt  }
0x81: {  	_ =	shalt  }
0x82: {  	_ =	shalt  }
0x83: {  	_ =	shalt  }
0x84: {  	_ =	shalt  }
0x85: {  	_ =	shalt  }
0x86: {  	_ =	shalt  }
0x87: {  	_ =	shalt  }
.Lfunc_end0:
.L_simem_size_0:
called_computation_lowered:
.L_overlay_start_0:
0x88: {  	s0 =	sld [smem:$0x3FD9]  }
0x89: {  	s1 =	sld [smem:$0x3FFE];
	_ =	sdelay $0x3  }
0x8a: {  	s0 =	sadd.s32 s1, s0  }
0x8b: {  	[smem:$0x3FB9] =	sst s0  }
0x8c: {  	_ = 	snop  }
0x8d: {  	s0 =	sld [smem:$0x3FD0];
	(tm) =	ssettm $0x1  }
0x8e: {  	s16 =	sld [smem:$0x3FFB];
	_ =	sdelay $0x3  }
0x8f: {  	_ =	strace s16  }
0x90: {  	s1 =	sld [smem:$0x3FFC];
	_ =	sdelay $0x3  }
0x91: {  	_ =	strace s1  }
0x92: {  	s1 =	sld [smem:$0x3FFD];
	_ =	sdelay $0x3  }
0x93: {  	_ =	strace s1  }
0x94: {  	_ =	strace $0x8FFFFFFF  }
0x95: {  	s17 =	sld [smem:$0x3FDB];
	_ =	sdelay $0x1  }
0x96: {  	s2 =	simm.s32 $_scs_section_size  }
0x97: {  	s3 =	simm.s32 $_size__tile_overlayer_lowered;
	s4 =	simm.s32 $_tile_overlayer_lowered  }
0x98: {  	s20 =	simm.s32 $0x1BFF;
	s19 =	sshll.u32 s4, $0x1;
	s1 =	sadd.s32 s2, s17  }
0x99: {  	s5 =	simm.s32 $0x0;
	s18 =	sshll.u32 s3, $0x1;
	s3 =	sadd.s32 s19, s1  }
0x9a: {  	[timem:s5], [sflag:s20] =	dma.local [hbm:s3], s18  }
0x9b: {  	_ =	swait.ge [sflag:s20], s18  }
0x9c: {  	s2 =	ssub.s32 $0x0, s18;
	[sflag:s20] =	ssyncset.done $0x0  }
0x9d: {  	[sflag:s20] =	ssyncadd.s32 s2;
	_ =	sdelay $0x1  }
0x9e: {  	s21 =	simm.s32 $0x1B8B  }
0x9f: {  	_ =	swait.ge [sflag:s21], $0x1  }
0xa0: {  	[sflag:s21] =	ssyncset.done $0x0  }
0xa1: {  	s23 =	simm.s32 $0x1B8E;
	s22 =	sld [smem:$0x3FFE];
	[sflag:s21] =	ssyncadd.s32 $0xFFFFFFFF  }
0xa2: {  	s24 =	simm.s32 $execute0_lowered;
	[smem:$0x3FD2] =	sst s23  }
0xa3: {  	s3 =	sshll.u32 s24, $0x1;
	_ =	strace $0x80000046;
	[dreg:$0x1] =	wrdreg $0xFFFFFFFF  }
0xa4: {  	s25 =	simm.s32 $_size_execute0_lowered;
	s1 =	sadd.s32 s1, s3;
	[dreg:$0x0] =	wrdreg $0x0  }
0xa5: {  	s3 =	sshll.u32 s25, $0x1;
	[dreg:$0x2] =	wrdreg s1  }
0xa6: {  	[dreg:$0x3] =	wrdreg s3  }
0xa7: {  	[dreg:$0x4] =	wrdreg $0xC0  }
0xa8: {  	_ =	task [dreg:s5], $0x5FFFF  }
0xa9: {  	[dreg:$0x1] =	wrdreg $0xFFFFFFFF  }
0xaa: {  	[dreg:$0x0] =	wrdreg $0x60  }
0xab: {  	[dreg:$0x2] =	wrdreg s22  }
0xac: {  	[dreg:$0x3] =	wrdreg s0  }
0xad: {  	[dreg:$0x4] =	wrdreg $0xA8000  }
0xae: {  	[dreg:$0x5] =	wrdreg $0x148000  }
0xaf: {  	[dreg:$0x6] =	wrdreg $0x9  }
0xb0: {  	_ =	task.clear_ibuf [dreg:s5], $0x7FFFF;
	_ =	strace $0x90000046  }
0xb1: {  	s26 =	simm.s32 $0x9;
	_ =	strace $0x80000048  }
0xb2: {  	_ =	swait.ge [sflag:s26], $0x1  }
0xb3: {  	[sflag:s26] =	ssyncadd.s32 $0xFFFFFFFF  }
0xb4: {  	_ =	strace $0x90000048  }
0xb5: {  	_ =	sfence  }
0xb6: {  	s28 =	sld [smem:$0x0];
	_ =	sdelay $0x1  }
0xb7: {  	s29 =	srdreg.scid  }
0xb8: {  	s30 =	sshll.u32 s29, $0xD;
	s31 =	sshrl.u32 s29, $0x2  }
0xb9: {  	s2 =	sand.u32 $0x4000, s30;
	s1 =	sand.u32 $0x1, s29;
	s0 =	sadd.s32 s31, s28  }
0xba: {  	s1 =	sor.u32 s2, s1;
	s0 =	sshll.u32 s0, $0x11  }
0xbb: {  	s0 =	sor.u32 s0, s1  }
0xbc: {  	s0 =	sadd.s32 $0x8F2B, s0  }
0xbd: {  	[sflag:s0] =	ssyncadd.remote.s32 $0x1  }
0xbe: {  	_ =	sfence.sel $0xFFFF  }
0xbf: {  	[dreg:$0x0] =	wrdreg $0xFFFFFFFF;
	(pc) =	sbr.abs _section_cstart, $3  }
0xc0: {  	[dreg:$0x1] =	wrdreg $0xFFFFFFFF  }
0xc1: {  	_ =	task.clear_ibuf [dreg:s5], $0x2FFFF;
	_ =	strace $0x9FFFFFFF  }
0xc2: {  	(tm) =	ssettm $0x7FFFFFFF  }
0xc3: {  	_ =	shalt  }
tec
execute0_lowered:
.L_overlay_start_1:
0x0: {  	(tag) =	ssettag $0x1  }
0x1: {  	s12 =	rddreg [dreg:$0x0]  }
0x2: {  	s9 =	rddreg [dreg:$0x1]  }
0x3: {  	s8 =	rddreg [dreg:$0x2]  }
0x4: {  	s7 =	rddreg [dreg:$0x3];
	s1 =	stileid.u32  }
0x5: {  	s0 =	rddreg [dreg:$0x4];
	s13 =	simm.s32 $0x0;
	s3 =	smul.u32 $0xA000, s1  }
0x6: {  	s10 =	simm.s32 $0x5;
	[smem:$0x7FF] =	sst s13;
	s2 =	sshll.u32 s1, $0x6  }
0x7: {  	s6 =	sadd.s32 $0x47800, s12;
	_ =	strace $0x80000047;
	s4 =	sadd.s32 s3, s8  }
0x8: {  	s2 =	sor.u32 $0x1C05, s2;
	s5 =	sshrl.u32 s4, $0x3;
	s4 =	smul.u32 $0x2800, s1  }
0x9: {  	[spmem:s5], [sflag:s2] =	dma.local [hbm:s6], $0x1400  }
0xa: {  	_ =	swait.ge [sflag:s10], $0x1400  }
0xb: {  	s18 =	sadd.s32 s4, s7;
	[sflag:s10] =	ssyncset.done $0x0  }
0xc: {  	s11 =	sadd.s32 $0x48C00, s12;
	s6 =	sshrl.u32 s18, $0x3;
	[sflag:s10] =	ssyncadd.s32 $0xFFFFEC00  }
0xd: {  	[spmem:s6], [sflag:s2] =	dma.local [hbm:s11], $0x500  }
0xe: {  	_ =	swait.ge [sflag:s10], $0x500  }
0xf: {  	[sflag:s10] =	ssyncset.done $0x0  }
0x10: {  	s14 =	sadd.s32 $0x49200, s12;
	s11 =	simm.s32 $0xA000;
	[sflag:s10] =	ssyncadd.s32 $0xFFFFFB00  }
0x11: {  	[tilespmem:s11], [sflag:$0x5] =	stream.linear.gather [hbm4b:s14+s13], $0x800, $0x38;
	[tilespmem:$0x1F000] =	vst v63  }
0x12: {  	s19 =	smul.u32 $0xA00, s1;
	_ =	swait.ge [sflag:s10], $0x800  }
0x13: {  	[sflag:s10] =	ssyncset.done $0x0  }
0x14: {  	s9 =	sadd.s32 s9, s19;
	[sflag:s10] =	ssyncadd.s32 $0xFFFFF800  }
0x15: {  	[tilespmem:s13], [sflag:$0x5] =	stream.linear.gather [hbm4b:s9+s13], $0x5000, $0x38;
	[tilespmem:$0x1F000] =	vst v63  }
0x16: {  	_ =	swait.ge [sflag:s10], $0x5000  }
0x17: {  	s20 =	sadd.s32 s19, s12;
	[sflag:s10] =	ssyncset.done $0x0  }
0x18: {  	s21 =	simm.s32 $0x5000;
	s9 =	sadd.s32 $0x3D800, s20;
	[sflag:s10] =	ssyncadd.s32 $0xFFFFB000  }
0x19: {  	[tilespmem:s21], [sflag:$0x5] =	stream.linear.gather [hbm4b:s9+s13], $0x5000, $0x38;
	[tilespmem:$0x1F000] =	vst v63  }
0x1a: {  	_ =	swait.ge [sflag:s10], $0x5000  }
0x1b: {  	[sflag:s10] =	ssyncset.done $0x0  }
0x1c: {  	s15 =	simm.s32 $0x17000;
	[sflag:s10] =	ssyncadd.s32 $0xFFFFB000  }
0x1d: {  	s14 =	simm.s32 $0x80;
	s9 =	sadd.s32 $0x29E00, s12;
	[bflag:$0x0] =	sbarrier.arrive $0xFFFF  }
0x1e: {  	[tilespmem:s15], [sflag:$0x1] =	stream.indirect.gather [hbm4b:s9+s14], $0x40, s13, s14, $0xb8;
	[tilespmem:$0x1F000] =	vst v63  }
0x1f: {  	s16 =	simm.s32 $0x19000  }
0x20: {  	[tilespmem:s16], [sflag:$0x2] =	stream.indirect.gather [hbm4b:s9+s14], $0x40, s14, s14, $0xb8;
	[tilespmem:$0x1F000] =	vst v63  }
0x21: {  	s22 =	simm.s32 $0x100;
	s17 =	simm.s32 $0x1B000  }
0x22: {  	[tilespmem:s17], [sflag:$0x3] =	stream.indirect.gather [hbm4b:s9+s14], $0x40, s22, s14, $0xb8;
	[tilespmem:$0x1F000] =	vst v63  }
0x23: {  	s23 =	simm.s32 $0x180;
	s19 =	simm.s32 $0x1;
	s18 =	simm.s32 $0x1D000  }
0x24: {  	[tilespmem:s18], [sflag:$0x4] =	stream.indirect.gather [hbm4b:s9+s14], $0x40, s23, s14, $0xb8;
	[tilespmem:$0x1F000] =	vst v63  }
0x25: {  	_ =	swait.ge [sflag:s19], $0x2000  }
0x26: {  	[sflag:s19] =	ssyncset.done $0x0  }
0x27: {  	s24 =	simm.s32 $0x5000;
	[sflag:s19] =	ssyncadd.s32 $0xFFFFE000  }
0x28: {  	[spmem:s8] =	stream.indirect.scatter.add.f32 [tilespmem:s15], [sflag:$0x5], $0x40, s24, s14, $0xb8;
	[tilespmem:$0x1F000] =	vst v63  }
0x29: {  	_ =	swait.ge [sflag:s10], $0x2000  }
0x2a: {  	[sflag:s10] =	ssyncset.done $0x0  }
0x2b: {  	[sflag:s10] =	ssyncadd.s32 $0xFFFFE000  }
0x2c: {  	[spmem:s7] =	stream.indirect.scatter.add.f32 [tilespmem:s11], [sflag:$0x5], $0x10, s24, s14, $0xb8;
	[tilespmem:$0x1F000] =	vst v63  }
0x2d: {  	_ =	swait.ge [sflag:s10], $0x800  }
0x2e: {  	[sflag:s10] =	ssyncset.done $0x0  }
0x2f: {  	s25 =	simm.s32 $0x200;
	s20 =	simm.s32 $0x2;
	[sflag:s10] =	ssyncadd.s32 $0xFFFFF800  }
0x30: {  	[tilespmem:s15], [sflag:$0x1] =	stream.indirect.gather [hbm4b:s9+s14], $0x40, s25, s14, $0xb8;
	[tilespmem:$0x1F000] =	vst v63  }
0x31: {  	_ =	swait.ge [sflag:s20], $0x2000  }
0x32: {  	[sflag:s20] =	ssyncset.done $0x0  }
0x33: {  	s26 =	simm.s32 $0x5080;
	[sflag:s20] =	ssyncadd.s32 $0xFFFFE000  }
0x34: {  	[spmem:s8] =	stream.indirect.scatter.add.f32 [tilespmem:s16], [sflag:$0x5], $0x40, s26, s14, $0xb8;
	[tilespmem:$0x1F000] =	vst v63  }
0x35: {  	_ =	swait.ge [sflag:s10], $0x2000  }
0x36: {  	[sflag:s10] =	ssyncset.done $0x0  }
0x37: {  	[sflag:s10] =	ssyncadd.s32 $0xFFFFE000  }
0x38: {  	[spmem:s7] =	stream.indirect.scatter.add.f32 [tilespmem:s11], [sflag:$0x5], $0x10, s26, s14, $0xb8;
	[tilespmem:$0x1F000] =	vst v63  }
0x39: {  	_ =	swait.ge [sflag:s10], $0x800  }
0x3a: {  	[sflag:s10] =	ssyncset.done $0x0  }
0x3b: {  	s28 =	simm.s32 $0x280;
	s21 =	simm.s32 $0x3;
	[sflag:s10] =	ssyncadd.s32 $0xFFFFF800  }
0x3c: {  	[tilespmem:s16], [sflag:$0x2] =	stream.indirect.gather [hbm4b:s9+s14], $0x40, s28, s14, $0xb8;
	[tilespmem:$0x1F000] =	vst v63  }
0x3d: {  	_ =	swait.ge [sflag:s21], $0x2000  }
0x3e: {  	[sflag:s21] =	ssyncset.done $0x0  }
0x3f: {  	s29 =	simm.s32 $0x5100;
	[sflag:s21] =	ssyncadd.s32 $0xFFFFE000  }
0x40: {  	[spmem:s8] =	stream.indirect.scatter.add.f32 [tilespmem:s17], [sflag:$0x5], $0x40, s29, s14, $0xb8;
	[tilespmem:$0x1F000] =	vst v63  }
0x41: {  	_ =	swait.ge [sflag:s10], $0x2000  }
0x42: {  	[sflag:s10] =	ssyncset.done $0x0  }
0x43: {  	[sflag:s10] =	ssyncadd.s32 $0xFFFFE000  }
0x44: {  	[spmem:s7] =	stream.indirect.scatter.add.f32 [tilespmem:s11], [sflag:$0x5], $0x10, s29, s14, $0xb8;
	[tilespmem:$0x1F000] =	vst v63  }
0x45: {  	_ =	swait.ge [sflag:s10], $0x800  }
0x46: {  	[sflag:s10] =	ssyncset.done $0x0  }
0x47: {  	s30 =	simm.s32 $0x300;
	s22 =	simm.s32 $0x4;
	[sflag:s10] =	ssyncadd.s32 $0xFFFFF800  }
0x48: {  	[tilespmem:s17], [sflag:$0x3] =	stream.indirect.gather [hbm4b:s9+s14], $0x40, s30, s14, $0xb8;
	[tilespmem:$0x1F000] =	vst v63  }
0x49: {  	_ =	swait.ge [sflag:s22], $0x2000  }
0x4a: {  	[sflag:s22] =	ssyncset.done $0x0  }
0x4b: {  	s31 =	simm.s32 $0x5180;
	[sflag:s22] =	ssyncadd.s32 $0xFFFFE000  }
0x4c: {  	[spmem:s8] =	stream.indirect.scatter.add.f32 [tilespmem:s18], [sflag:$0x5], $0x40, s31, s14, $0xb8;
	[tilespmem:$0x1F000] =	vst v63  }
0x4d: {  	_ =	swait.ge [sflag:s10], $0x2000  }
0x4e: {  	[sflag:s10] =	ssyncset.done $0x0  }
0x4f: {  	[sflag:s10] =	ssyncadd.s32 $0xFFFFE000  }
0x50: {  	[spmem:s7] =	stream.indirect.scatter.add.f32 [tilespmem:s11], [sflag:$0x5], $0x10, s31, s14, $0xb8;
	[tilespmem:$0x1F000] =	vst v63  }
0x51: {  	_ =	swait.ge [sflag:s10], $0x800  }
0x52: {  	s13 =	sadd.s32 $0x4E400, s12;
	s12 =	sadd.s32 $0x49400, s12;
	[sflag:s10] =	ssyncset.done $0x0  }
0x53: {  	s23 =	simm.s32 $0x800;
	s24 =	simm.s32 $0x380;
	[sflag:s10] =	ssyncadd.s32 $0xFFFFF800  }
.LBB2_1:
0x54: {  	[tilespmem:s18], [sflag:$0x4] =	stream.indirect.gather [hbm4b:s9+s14], $0x40, s24, s14, $0xb8;
	[tilespmem:$0x1F000] =	vst v63  }
0x55: {  	s24 =	smov.u32 s23  }
0x56: {  	p0 =	sne.s32 s23, $0x13000;
	s23 =	sadd.s32 $0x800, s23;
	_ =	swait.ge [sflag:s19], $0x2000  }
0x57: {  	s24 =	sshra.s32 s24, $0x2;
	[sflag:s19] =	ssyncset.done $0x0  }
0x58: {  	s25 =	sadd.s32 $0x5000, s24;
	[sflag:s19] =	ssyncadd.s32 $0xFFFFE000  }
0x59: {  	[spmem:s8] =	stream.indirect.scatter.add.f32 [tilespmem:s15], [sflag:$0x5], $0x40, s25, s14, $0xb8;
	[tilespmem:$0x1F000] =	vst v63  }
0x5a: {  	_ =	swait.ge [sflag:s10], $0x2000  }
0x5b: {  	[sflag:s10] =	ssyncset.done $0x0  }
0x5c: {  	[sflag:s10] =	ssyncadd.s32 $0xFFFFE000  }
0x5d: {  	[spmem:s7] =	stream.indirect.scatter.add.f32 [tilespmem:s11], [sflag:$0x5], $0x10, s25, s14, $0xb8;
	[tilespmem:$0x1F000] =	vst v63  }
0x5e: {  	_ =	swait.ge [sflag:s10], $0x800  }
0x5f: {  	[sflag:s10] =	ssyncset.done $0x0  }
0x60: {  	s25 =	sadd.s32 $0x200, s24;
	[sflag:s10] =	ssyncadd.s32 $0xFFFFF800  }
0x61: {  	[tilespmem:s15], [sflag:$0x1] =	stream.indirect.gather [hbm4b:s9+s14], $0x40, s25, s14, $0xb8;
	[tilespmem:$0x1F000] =	vst v63  }
0x62: {  	_ =	swait.ge [sflag:s20], $0x2000  }
0x63: {  	[sflag:s20] =	ssyncset.done $0x0  }
0x64: {  	s25 =	sadd.s32 $0x5080, s24;
	[sflag:s20] =	ssyncadd.s32 $0xFFFFE000  }
0x65: {  	[spmem:s8] =	stream.indirect.scatter.add.f32 [tilespmem:s16], [sflag:$0x5], $0x40, s25, s14, $0xb8;
	[tilespmem:$0x1F000] =	vst v63  }
0x66: {  	_ =	swait.ge [sflag:s10], $0x2000  }
0x67: {  	[sflag:s10] =	ssyncset.done $0x0  }
0x68: {  	[sflag:s10] =	ssyncadd.s32 $0xFFFFE000  }
0x69: {  	[spmem:s7] =	stream.indirect.scatter.add.f32 [tilespmem:s11], [sflag:$0x5], $0x10, s25, s14, $0xb8;
	[tilespmem:$0x1F000] =	vst v63  }
0x6a: {  	_ =	swait.ge [sflag:s10], $0x800  }
0x6b: {  	[sflag:s10] =	ssyncset.done $0x0  }
0x6c: {  	s25 =	sadd.s32 $0x280, s24;
	[sflag:s10] =	ssyncadd.s32 $0xFFFFF800  }
0x6d: {  	[tilespmem:s16], [sflag:$0x2] =	stream.indirect.gather [hbm4b:s9+s14], $0x40, s25, s14, $0xb8;
	[tilespmem:$0x1F000] =	vst v63  }
0x6e: {  	_ =	swait.ge [sflag:s21], $0x2000  }
0x6f: {  	[sflag:s21] =	ssyncset.done $0x0  }
0x70: {  	s25 =	sadd.s32 $0x5100, s24;
	[sflag:s21] =	ssyncadd.s32 $0xFFFFE000  }
0x71: {  	[spmem:s8] =	stream.indirect.scatter.add.f32 [tilespmem:s17], [sflag:$0x5], $0x40, s25, s14, $0xb8;
	[tilespmem:$0x1F000] =	vst v63  }
0x72: {  	_ =	swait.ge [sflag:s10], $0x2000  }
0x73: {  	[sflag:s10] =	ssyncset.done $0x0  }
0x74: {  	[sflag:s10] =	ssyncadd.s32 $0xFFFFE000  }
0x75: {  	[spmem:s7] =	stream.indirect.scatter.add.f32 [tilespmem:s11], [sflag:$0x5], $0x10, s25, s14, $0xb8;
	[tilespmem:$0x1F000] =	vst v63  }
0x76: {  	_ =	swait.ge [sflag:s10], $0x800  }
0x77: {  	[sflag:s10] =	ssyncset.done $0x0  }
0x78: {  	s25 =	sadd.s32 $0x300, s24;
	[sflag:s10] =	ssyncadd.s32 $0xFFFFF800  }
0x79: {  	[tilespmem:s17], [sflag:$0x3] =	stream.indirect.gather [hbm4b:s9+s14], $0x40, s25, s14, $0xb8;
	[tilespmem:$0x1F000] =	vst v63  }
0x7a: {  	_ =	swait.ge [sflag:s22], $0x2000  }
0x7b: {  	[sflag:s22] =	ssyncset.done $0x0  }
0x7c: {  	s25 =	sadd.s32 $0x5180, s24;
	[sflag:s22] =	ssyncadd.s32 $0xFFFFE000  }
0x7d: {  	[spmem:s8] =	stream.indirect.scatter.add.f32 [tilespmem:s18], [sflag:$0x5], $0x40, s25, s14, $0xb8;
	[tilespmem:$0x1F000] =	vst v63  }
0x7e: {  	_ =	swait.ge [sflag:s10], $0x2000  }
0x7f: {  	[sflag:s10] =	ssyncset.done $0x0  }
.Ltmp0:
0x80: {  	[sflag:s10] =	ssyncadd.s32 $0xFFFFE000;
	(pc) =	sbr.rel @p0 .LBB2_1-.Ltmp0, $4  }
0x81: {  	[spmem:s7] =	stream.indirect.scatter.add.f32 [tilespmem:s11], [sflag:$0x5], $0x10, s25, s14, $0xb8;
	[tilespmem:$0x1F000] =	vst v63  }
0x82: {  	_ =	swait.ge [sflag:s10], $0x800  }
0x83: {  	[sflag:s10] =	ssyncset.done $0x0  }
0x84: {  	s24 =	sadd.s32 $0x380, s24;
	[sflag:s10] =	ssyncadd.s32 $0xFFFFF800  }
0x85: {  	[tilespmem:s18], [sflag:$0x4] =	stream.indirect.gather [hbm4b:s9+s14], $0x40, s24, s14, $0xb8;
	[tilespmem:$0x1F000] =	vst v63  }
0x86: {  	s11 =	simm.s32 $0x1  }
0x87: {  	_ =	swait.ge [sflag:s11], $0x2000  }
0x88: {  	s31 =	simm.s32 $0x80;
	s15 =	simm.s32 $0x9E00;
	[sflag:s11] =	ssyncset.done $0x0  }
0x89: {  	s16 =	simm.s32 $0x17000;
	s10 =	simm.s32 $0x5;
	[sflag:s11] =	ssyncadd.s32 $0xFFFFE000  }
0x8a: {  	[spmem:s8] =	stream.indirect.scatter.add.f32 [tilespmem:s16], [sflag:$0x5], $0x40, s15, s31, $0xb8;
	[tilespmem:$0x1F000] =	vst v63  }
0x8b: {  	_ =	swait.ge [sflag:s10], $0x2000  }
0x8c: {  	[sflag:s10] =	ssyncset.done $0x0  }
0x8d: {  	s17 =	simm.s32 $0xA000;
	[sflag:s10] =	ssyncadd.s32 $0xFFFFE000  }
0x8e: {  	[spmem:s7] =	stream.indirect.scatter.add.f32 [tilespmem:s17], [sflag:$0x5], $0x10, s15, s31, $0xb8;
	[tilespmem:$0x1F000] =	vst v63  }
0x8f: {  	_ =	swait.ge [sflag:s10], $0x800  }
0x90: {  	[sflag:s10] =	ssyncset.done $0x0  }
0x91: {  	s20 =	simm.s32 $0x0;
	s21 =	simm.s32 $0x2;
	[sflag:s10] =	ssyncadd.s32 $0xFFFFF800  }
0x92: {  	[tilespmem:s16], [sflag:$0x1] =	stream.indirect.gather [hbm4b:s9+s31], $0x40, s20, s31, $0xb8;
	[tilespmem:$0x1F000] =	vst v63  }
0x93: {  	_ =	swait.ge [sflag:s21], $0x2000  }
0x94: {  	[sflag:s21] =	ssyncset.done $0x0  }
0x95: {  	s22 =	simm.s32 $0x9E80;
	s23 =	simm.s32 $0x19000;
	[sflag:s21] =	ssyncadd.s32 $0xFFFFE000  }
0x96: {  	[spmem:s8] =	stream.indirect.scatter.add.f32 [tilespmem:s23], [sflag:$0x5], $0x40, s22, s31, $0xb8;
	[tilespmem:$0x1F000] =	vst v63  }
0x97: {  	_ =	swait.ge [sflag:s10], $0x2000  }
0x98: {  	[sflag:s10] =	ssyncset.done $0x0  }
0x99: {  	[sflag:s10] =	ssyncadd.s32 $0xFFFFE000  }
0x9a: {  	[spmem:s7] =	stream.indirect.scatter.add.f32 [tilespmem:s17], [sflag:$0x5], $0x10, s22, s31, $0xb8;
	[tilespmem:$0x1F000] =	vst v63  }
0x9b: {  	_ =	swait.ge [sflag:s10], $0x800  }
0x9c: {  	[sflag:s10] =	ssyncset.done $0x0  }
0x9d: {  	s24 =	simm.s32 $0x3;
	[sflag:s10] =	ssyncadd.s32 $0xFFFFF800  }
0x9e: {  	[tilespmem:s23], [sflag:$0x2] =	stream.indirect.gather [hbm4b:s9+s31], $0x40, s31, s31, $0xb8;
	[tilespmem:$0x1F000] =	vst v63  }
0x9f: {  	_ =	swait.ge [sflag:s24], $0x2000  }
0xa0: {  	[sflag:s24] =	ssyncset.done $0x0  }
0xa1: {  	s25 =	simm.s32 $0x9F00;
	s19 =	simm.s32 $0x1B000;
	[sflag:s24] =	ssyncadd.s32 $0xFFFFE000  }
0xa2: {  	[spmem:s8] =	stream.indirect.scatter.add.f32 [tilespmem:s19], [sflag:$0x5], $0x40, s25, s31, $0xb8;
	[tilespmem:$0x1F000] =	vst v63  }
0xa3: {  	_ =	swait.ge [sflag:s10], $0x2000  }
0xa4: {  	[sflag:s10] =	ssyncset.done $0x0  }
0xa5: {  	[sflag:s10] =	ssyncadd.s32 $0xFFFFE000  }
0xa6: {  	[spmem:s7] =	stream.indirect.scatter.add.f32 [tilespmem:s17], [sflag:$0x5], $0x10, s25, s31, $0xb8;
	[tilespmem:$0x1F000] =	vst v63  }
0xa7: {  	_ =	swait.ge [sflag:s10], $0x800  }
0xa8: {  	[sflag:s10] =	ssyncset.done $0x0  }
0xa9: {  	s26 =	simm.s32 $0x100;
	s28 =	simm.s32 $0x4;
	[sflag:s10] =	ssyncadd.s32 $0xFFFFF800  }
0xaa: {  	[tilespmem:s19], [sflag:$0x3] =	stream.indirect.gather [hbm4b:s9+s31], $0x40, s26, s31, $0xb8;
	[tilespmem:$0x1F000] =	vst v63  }
0xab: {  	_ =	swait.ge [sflag:s28], $0x2000  }
0xac: {  	[sflag:s28] =	ssyncset.done $0x0  }
0xad: {  	s29 =	simm.s32 $0x9F80;
	s20 =	simm.s32 $0x1D000;
	[sflag:s28] =	ssyncadd.s32 $0xFFFFE000  }
0xae: {  	[spmem:s8] =	stream.indirect.scatter.add.f32 [tilespmem:s20], [sflag:$0x5], $0x40, s29, s31, $0xb8;
	[tilespmem:$0x1F000] =	vst v63  }
0xaf: {  	_ =	swait.ge [sflag:s10], $0x2000  }
0xb0: {  	[sflag:s10] =	ssyncset.done $0x0  }
0xb1: {  	[sflag:s10] =	ssyncadd.s32 $0xFFFFE000  }
0xb2: {  	[spmem:s7] =	stream.indirect.scatter.add.f32 [tilespmem:s17], [sflag:$0x5], $0x10, s29, s31, $0xb8;
	[tilespmem:$0x1F000] =	vst v63  }
0xb3: {  	_ =	swait.ge [sflag:s10], $0x800  }
0xb4: {  	[sflag:s10] =	ssyncset.done $0x0  }
0xb5: {  	s30 =	simm.s32 $0x180;
	[sflag:s10] =	ssyncadd.s32 $0xFFFFF800  }
0xb6: {  	[tilespmem:s20], [sflag:$0x4] =	stream.indirect.gather [hbm4b:s9+s31], $0x40, s30, s31, $0xb8;
	[tilespmem:$0x1F000] =	vst v63  }
0xb7: {  	_ =	swait.ge [sflag:s11], $0x2000  }
0xb8: {  	[sflag:s11] =	ssyncset.done $0x0  }
0xb9: {  	[sflag:s11] =	ssyncadd.s32 $0xFFFFE000  }
0xba: {  	_ =	swait.ge [sflag:s21], $0x2000  }
0xbb: {  	[sflag:s21] =	ssyncset.done $0x0  }
0xbc: {  	[sflag:s21] =	ssyncadd.s32 $0xFFFFE000  }
0xbd: {  	_ =	swait.ge [sflag:s24], $0x2000  }
0xbe: {  	[sflag:s24] =	ssyncset.done $0x0  }
0xbf: {  	[sflag:s24] =	ssyncadd.s32 $0xFFFFE000  }
0xc0: {  	_ =	swait.ge [sflag:s28], $0x2000  }
0xc1: {  	[sflag:s28] =	ssyncset.done $0x0  }
0xc2: {  	s3 =	sshrl.u32 s3, $0x3;
	[sflag:s28] =	ssyncadd.s32 $0xFFFFE000  }
0xc3: {  	s3 =	sadd.s32 s13, s3;
	[bflag:$0x0] =	sbarrier.arrive $0xFFFF  }
0xc4: {  	[hbm:s3], [sflag:s2] =	dma.local [spmem:s5], $0x1400  }
0xc5: {  	_ =	swait.ge [sflag:s10], $0x1400  }
0xc6: {  	s31 =	sshrl.u32 s4, $0x3;
	[sflag:s10] =	ssyncset.done $0x0  }
0xc7: {  	s3 =	sadd.s32 s12, s31;
	[sflag:s10] =	ssyncadd.s32 $0xFFFFEC00  }
0xc8: {  	[hbm:s3], [sflag:s2] =	dma.local [spmem:s6], $0x500  }
0xc9: {  	_ =	swait.ge [sflag:s10], $0x500  }
0xca: {  	[sflag:s10] =	ssyncset.done $0x0  }
0xcb: {  	[sflag:s10] =	ssyncadd.s32 $0xFFFFFB00  }
0xcc: {  	_ =	sfence.sel $0x180000  }
0xcd: {  	[bflag:$0x0] =	sbarrier.arrive $0xFFFF  }
0xce: {  	p0 =	sne.s32 s1, $0x0;
	_ =	strace $0x90000047  }
0xcf: {  	s0 =	sadd.s32 @!p0 $0x100000, s0;
	[bflag:$0x2] =	sbarrier.arrive $0xFFFF  }
0xd0: {  	[sflag:s0] =	ssyncadd.tile.s32 @!p0 $0x1;
	_ =	shalt  }
.Lfunc_end2:
_tile_overlayer_lowered:
.L_overlay_start_2:
0xd1: {  	(tag) =	ssettag $0x2  }
0xd2: {  	s0 =	rddreg [dreg:$0x0];
	s2 =	stileid.u32  }
0xd3: {  	s1 =	rddreg [dreg:$0x1];
	p0 =	sne.s32 s2, $0x0  }
0xd4: {  	s3 =	rddreg [dreg:$0x2];
	[bflag:$0x3] =	sbarrier.arrive $0xFFFF;
	s2 =	simm.s32 @!p0 $0x1C05  }
0xd5: {  	[timem:s3], [sflag:s2] =	dma.local @!p0 [hbm:s0], s1  }
0xd6: {  	s0 =	simm.s32 @!p0 $0x5  }
0xd7: {  	_ =	swait.ge @!p0 [sflag:s0], s1  }
0xd8: {  	s1 =	ssub.s32 @!p0 $0x0, s1;
	[sflag:s0] =	ssyncset.done @!p0 $0x0  }
0xd9: {  	[sflag:s0] =	ssyncadd.s32 @!p0 s1  }
0xda: {  	[bflag:$0x3] =	sbarrier.arrive $0xFFFF  }
0xdb: {  	_ =	shalt  }

</sc_bundles>
